<compile_context>
chip_gen: v7x
topology: tpu7x:2x2x1
jax: 0.10.2.dev20260603
libtpu: 0.0.44.dev20260713+nightly
codegen_flags: <defaults>
</compile_context>

<pallas_src>
import functools

import jax
import jax.numpy as jnp
from jax import lax
from jax.experimental import pallas as pl
from jax.experimental.pallas import tpu as pltpu
from jax.experimental.pallas import tpu_sc as plsc

_EPS = 1e-8


def _prep_body(gw, cw, sw, mw, w, fcw, fcb, tg, tc_, ts, tm):
    def cosmat(W):
        n = jnp.maximum(jnp.sqrt(jnp.sum(W * W, axis=1, keepdims=True)), _EPS)
        Wn = W / n
        return lax.dot_general(Wn, Wn, (((1,), (1,)), ((), ())),
                               preferred_element_type=jnp.float32)

    a = w[...] * fcw[...]

    tg[...] = cosmat(gw[...]) * a[0:1] + fcb[...]
    tc_[...] = cosmat(cw[...]) * a[1:2]
    ts[...] = cosmat(sw[...]) * a[2:3]
    tm[...] = cosmat(mw[...]) * a[3:4]


def _prep_call(gender_W, college_W, school_W, mbti_W, weight, fc_W, fc_b):
    vmem = pl.BlockSpec(memory_space=pltpu.VMEM)
    return pl.pallas_call(
        _prep_body,
        out_shape=[
            jax.ShapeDtypeStruct((2, 2), jnp.float32),
            jax.ShapeDtypeStruct((7, 7), jnp.float32),
            jax.ShapeDtypeStruct((8, 8), jnp.float32),
            jax.ShapeDtypeStruct((17, 17), jnp.float32),
        ],
        in_specs=[vmem] * 7,
        out_specs=[vmem, vmem, vmem, vmem],
    )(gender_W, college_W, school_W, mbti_W, weight, fc_W.reshape(-1), fc_b)


def _make_sc_call(B):
    info = plsc.get_sparse_core_info()
    NC, NS, L = info.num_cores, info.num_subcores, info.num_lanes
    NW = NC * NS
    chunk = B // NW

    mesh = plsc.VectorSubcoreMesh(core_axis_name="c", subcore_axis_name="s")

    @functools.partial(
        pl.kernel,
        mesh=mesh,
        out_type=jax.ShapeDtypeStruct((B,), jnp.float32),
        scratch_types=[pltpu.VMEM((chunk,), jnp.int32) for _ in range(8)]
        + [pltpu.VMEM((2, 2), jnp.float32), pltpu.VMEM((7, 7), jnp.float32),
           pltpu.VMEM((8, 8), jnp.float32), pltpu.VMEM((17, 17), jnp.float32),
           pltpu.VMEM((chunk,), jnp.float32),
           pltpu.SemaphoreType.DMA, pltpu.SemaphoreType.DMA],
        compiler_params=pltpu.CompilerParams(needs_layout_passes=False),
    )
    def sc(ga, sa, ca, ma, gb, sb, cb, mb, tg, tc_, ts, tm, out,
           ga_v, sa_v, ca_v, ma_v, gb_v, sb_v, cb_v, mb_v,
           tg_v, tc_v, ts_v, tm_v, out_v, sem, sem2):
        wid = lax.axis_index("s") * NC + lax.axis_index("c")
        base = wid * chunk
        half = chunk // 2
        sl1 = pl.ds(base, half)
        sl2 = pl.ds(base + half, half)
        d1 = pl.ds(0, half)
        d2 = pl.ds(half, half)
        idx = [(ga, ga_v), (sa, sa_v), (ca, ca_v), (ma, ma_v),
               (gb, gb_v), (sb, sb_v), (cb, cb_v), (mb, mb_v)]
        copies1 = [pltpu.async_copy(h.at[sl1], v.at[d1], sem)
                   for h, v in idx]
        copies1 += [pltpu.async_copy(tg, tg_v, sem),
                    pltpu.async_copy(tc_, tc_v, sem),
                    pltpu.async_copy(ts, ts_v, sem),
                    pltpu.async_copy(tm, tm_v, sem)]
        copies2 = [pltpu.async_copy(h.at[sl2], v.at[d2], sem2)
                   for h, v in idx]

        def body(r):
            sl = pl.ds(r * L, L)
            v = (plsc.load_gather(tg_v, [ga_v[sl], gb_v[sl]])
                 + plsc.load_gather(tc_v, [ca_v[sl], cb_v[sl]])
                 + plsc.load_gather(ts_v, [sa_v[sl], sb_v[sl]])
                 + plsc.load_gather(tm_v, [ma_v[sl], mb_v[sl]]))
            out_v[sl] = 1.0 / (1.0 + jnp.exp(-v))

        for c in copies1:
            c.wait()
        for r in range(half // L):
            body(r)
        wb1 = pltpu.async_copy(out_v.at[d1], out.at[sl1], sem)
        for c in copies2:
            c.wait()
        for r in range(half // L, chunk // L):
            body(r)
        wb2 = pltpu.async_copy(out_v.at[d2], out.at[sl2], sem2)
        wb1.wait()
        wb2.wait()

    return sc


def kernel(gA, sA, cA, mA, gB, sB, cB, mB,
           gender_W, college_W, school_W, mbti_W, weight, fc_W, fc_b):
    B = gA.shape[0]
    tg, tc_, ts, tm = _prep_call(gender_W, college_W, school_W, mbti_W,
                                 weight, fc_W, fc_b)
    i32 = jnp.int32
    out = _make_sc_call(B)(
        gA.astype(i32), sA.astype(i32), cA.astype(i32), mA.astype(i32),
        gB.astype(i32), sB.astype(i32), cB.astype(i32), mB.astype(i32),
        tg, tc_, ts, tm)
    return out.reshape(B, 1)

# --- scband reference (transcript-rebuilt; emitter-appended) ---
"""Pipeline reference for scband-matching-model-63634235457623 (READ-ONLY COPY).

The authoritative reference and input builder live on the scoring server;
editing this copy changes nothing except your own understanding.
"""

import jax, jax.numpy as jnp
import numpy as np


def _cos(a, b, eps=1e-8):
    na = jnp.maximum(jnp.sqrt(jnp.sum(a * a, axis=-1)), eps)
    nb = jnp.maximum(jnp.sqrt(jnp.sum(b * b, axis=-1)), eps)
    return jnp.sum(a * b, axis=-1) / (na * nb)


def setup_inputs(seed: int = 0) -> dict:
    key = jax.random.key(seed)
    ks = jax.random.split(key, 16)
    B = 16384
    inp = {}
    inp['gA'] = jax.random.randint(ks[0], (B,), 0, 2)
    inp['sA'] = jax.random.randint(ks[1], (B,), 0, 8)
    inp['cA'] = jax.random.randint(ks[2], (B,), 0, 7)
    inp['mA'] = jax.random.randint(ks[3], (B,), 0, 17)
    inp['gB'] = jax.random.randint(ks[4], (B,), 0, 2)
    inp['sB'] = jax.random.randint(ks[5], (B,), 0, 8)
    inp['cB'] = jax.random.randint(ks[6], (B,), 0, 7)
    inp['mB'] = jax.random.randint(ks[7], (B,), 0, 17)
    inp['gender_W'] = jax.random.normal(ks[8], (2, 4), dtype=jnp.float32)
    inp['college_W'] = jax.random.normal(ks[9], (7, 64), dtype=jnp.float32)
    inp['school_W'] = jax.random.normal(ks[10], (8, 64), dtype=jnp.float32)
    inp['mbti_W'] = jax.random.normal(ks[11], (17, 512), dtype=jnp.float32)
    inp['weight'] = jnp.ones((4,), dtype=jnp.float32)
    inp['fc_W'] = jax.random.normal(ks[12], (4, 1), dtype=jnp.float32) * 0.5
    inp['fc_b'] = jax.random.normal(ks[13], (1,), dtype=jnp.float32) * 0.1
    return inp


def reference(gA, sA, cA, mA, gB, sB, cB, mB, gender_W, college_W, school_W, mbti_W, weight, fc_W, fc_b):
    gender_sim = _cos(jnp.take(gender_W, gA, axis=0), jnp.take(gender_W, gB, axis=0))
    college_sim = _cos(jnp.take(college_W, cA, axis=0), jnp.take(college_W, cB, axis=0))
    school_sim = _cos(jnp.take(school_W, sA, axis=0), jnp.take(school_W, sB, axis=0))
    mbti_sim = _cos(jnp.take(mbti_W, mA, axis=0), jnp.take(mbti_W, mB, axis=0))
    all_features = jnp.stack([gender_sim, college_sim, school_sim, mbti_sim], axis=1)
    weighted = all_features * weight
    final_score = weighted @ fc_W + fc_b
    return jax.nn.sigmoid(final_score)

if __name__ == "__main__":
    import jax
    _d = setup_inputs()
    print(jax.jit(kernel)(*tuple(_d.values())))

</pallas_src>

<mosaic_0001>
#map = affine_map<(d0, d1) -> (0)>
#map1 = affine_map<(d0, d1) -> (0, 0)>
module attributes {stable_mosaic.version = 14 : i64} {
  func.func @sc(%arg0: i32, %arg1: i32, %arg2: memref<16384xi32, #tpu.memory_space<hbm>>, %arg3: memref<16384xi32, #tpu.memory_space<hbm>>, %arg4: memref<16384xi32, #tpu.memory_space<hbm>>, %arg5: memref<16384xi32, #tpu.memory_space<hbm>>, %arg6: memref<16384xi32, #tpu.memory_space<hbm>>, %arg7: memref<16384xi32, #tpu.memory_space<hbm>>, %arg8: memref<16384xi32, #tpu.memory_space<hbm>>, %arg9: memref<16384xi32, #tpu.memory_space<hbm>>, %arg10: memref<2x2xf32, #tpu.memory_space<hbm>>, %arg11: memref<7x7xf32, #tpu.memory_space<hbm>>, %arg12: memref<8x8xf32, #tpu.memory_space<hbm>>, %arg13: memref<17x17xf32, #tpu.memory_space<hbm>>, %arg14: memref<16384xf32, #tpu.memory_space<hbm>>, %arg15: memref<512xi32, #tpu.memory_space<vmem>>, %arg16: memref<512xi32, #tpu.memory_space<vmem>>, %arg17: memref<512xi32, #tpu.memory_space<vmem>>, %arg18: memref<512xi32, #tpu.memory_space<vmem>>, %arg19: memref<512xi32, #tpu.memory_space<vmem>>, %arg20: memref<512xi32, #tpu.memory_space<vmem>>, %arg21: memref<512xi32, #tpu.memory_space<vmem>>, %arg22: memref<512xi32, #tpu.memory_space<vmem>>, %arg23: memref<2x2xf32, #tpu.memory_space<vmem>>, %arg24: memref<7x7xf32, #tpu.memory_space<vmem>>, %arg25: memref<8x8xf32, #tpu.memory_space<vmem>>, %arg26: memref<17x17xf32, #tpu.memory_space<vmem>>, %arg27: memref<512xf32, #tpu.memory_space<vmem>>, %arg28: memref<!tpu.dma_semaphore, #tpu.memory_space<semaphore_mem>>, %arg29: memref<!tpu.dma_semaphore, #tpu.memory_space<semaphore_mem>>) attributes {dimension_semantics = [#tpu.dimension_semantics<core_parallel>, #tpu.dimension_semantics<subcore_parallel>], iteration_bounds = array<i64: 2, 16>, scalar_prefetch = 0 : i64, scratch_operands = 15 : i64, tpu.core_type = #tpu.core_type<sc_vector_subcore>, window_params = [{transform_indices = #map}, {transform_indices = #map}, {transform_indices = #map}, {transform_indices = #map}, {transform_indices = #map}, {transform_indices = #map}, {transform_indices = #map}, {transform_indices = #map}, {transform_indices = #map1}, {transform_indices = #map1}, {transform_indices = #map1}, {transform_indices = #map1}, {transform_indices = #map}]} {
    %mul3A = arith.constant 2 : i32
    %mul3A_0 = arith.muli %arg1, %mul3A : i32
    %add3A = arith.addi %mul3A_0, %arg0 : i32
    %mul3A_1 = arith.constant 512 : i32
    %mul3A_2 = arith.muli %add3A, %mul3A_1 : i32
    %add3A_3 = arith.constant 256 : i32
    %add3A_4 = arith.addi %mul3A_2, %add3A_3 : i32
    %dma_start3A = arith.constant 0 : i32
    %dma_start3A_5 = tpu.memref_slice %arg15[%dma_start3A] : memref<512xi32, #tpu.memory_space<vmem>> -> memref<256xi32, #tpu.memory_space<vmem>>
    %dma_start3A_6 = tpu.memref_slice %arg2[%mul3A_2] : memref<16384xi32, #tpu.memory_space<hbm>> -> memref<256xi32, #tpu.memory_space<hbm>>
    %dma_start3A_7 = arith.constant 0 : i32
    %dma_start3A_8 = tpu.memref_slice %arg15[%dma_start3A_7] : memref<512xi32, #tpu.memory_space<vmem>> -> memref<256xi32, #tpu.memory_space<vmem>>
    %dma_start3A_9 = tpu.memref_slice %arg2[%mul3A_2] : memref<16384xi32, #tpu.memory_space<hbm>> -> memref<256xi32, #tpu.memory_space<hbm>>
    tpu.enqueue_dma source(%dma_start3A_9 : memref<256xi32, #tpu.memory_space<hbm>>) target(%dma_start3A_8 : memref<256xi32, #tpu.memory_space<vmem>>) target_semaphore(%arg28 : memref<!tpu.dma_semaphore, #tpu.memory_space<semaphore_mem>>)
    %dma_start3A_10 = arith.constant 0 : i32
    %dma_start3A_11 = tpu.memref_slice %arg16[%dma_start3A_10] : memref<512xi32, #tpu.memory_space<vmem>> -> memref<256xi32, #tpu.memory_space<vmem>>
    %dma_start3A_12 = tpu.memref_slice %arg3[%mul3A_2] : memref<16384xi32, #tpu.memory_space<hbm>> -> memref<256xi32, #tpu.memory_space<hbm>>
    %dma_start3A_13 = arith.constant 0 : i32
    %dma_start3A_14 = tpu.memref_slice %arg16[%dma_start3A_13] : memref<512xi32, #tpu.memory_space<vmem>> -> memref<256xi32, #tpu.memory_space<vmem>>
    %dma_start3A_15 = tpu.memref_slice %arg3[%mul3A_2] : memref<16384xi32, #tpu.memory_space<hbm>> -> memref<256xi32, #tpu.memory_space<hbm>>
    tpu.enqueue_dma source(%dma_start3A_15 : memref<256xi32, #tpu.memory_space<hbm>>) target(%dma_start3A_14 : memref<256xi32, #tpu.memory_space<vmem>>) target_semaphore(%arg28 : memref<!tpu.dma_semaphore, #tpu.memory_space<semaphore_mem>>)
    %dma_start3A_16 = arith.constant 0 : i32
    %dma_start3A_17 = tpu.memref_slice %arg17[%dma_start3A_16] : memref<512xi32, #tpu.memory_space<vmem>> -> memref<256xi32, #tpu.memory_space<vmem>>
    %dma_start3A_18 = tpu.memref_slice %arg4[%mul3A_2] : memref<16384xi32, #tpu.memory_space<hbm>> -> memref<256xi32, #tpu.memory_space<hbm>>
    %dma_start3A_19 = arith.constant 0 : i32
    %dma_start3A_20 = tpu.memref_slice %arg17[%dma_start3A_19] : memref<512xi32, #tpu.memory_space<vmem>> -> memref<256xi32, #tpu.memory_space<vmem>>
    %dma_start3A_21 = tpu.memref_slice %arg4[%mul3A_2] : memref<16384xi32, #tpu.memory_space<hbm>> -> memref<256xi32, #tpu.memory_space<hbm>>
    tpu.enqueue_dma source(%dma_start3A_21 : memref<256xi32, #tpu.memory_space<hbm>>) target(%dma_start3A_20 : memref<256xi32, #tpu.memory_space<vmem>>) target_semaphore(%arg28 : memref<!tpu.dma_semaphore, #tpu.memory_space<semaphore_mem>>)
    %dma_start3A_22 = arith.constant 0 : i32
    %dma_start3A_23 = tpu.memref_slice %arg18[%dma_start3A_22] : memref<512xi32, #tpu.memory_space<vmem>> -> memref<256xi32, #tpu.memory_space<vmem>>
    %dma_start3A_24 = tpu.memref_slice %arg5[%mul3A_2] : memref<16384xi32, #tpu.memory_space<hbm>> -> memref<256xi32, #tpu.memory_space<hbm>>
    %dma_start3A_25 = arith.constant 0 : i32
    %dma_start3A_26 = tpu.memref_slice %arg18[%dma_start3A_25] : memref<512xi32, #tpu.memory_space<vmem>> -> memref<256xi32, #tpu.memory_space<vmem>>
    %dma_start3A_27 = tpu.memref_slice %arg5[%mul3A_2] : memref<16384xi32, #tpu.memory_space<hbm>> -> memref<256xi32, #tpu.memory_space<hbm>>
    tpu.enqueue_dma source(%dma_start3A_27 : memref<256xi32, #tpu.memory_space<hbm>>) target(%dma_start3A_26 : memref<256xi32, #tpu.memory_space<vmem>>) target_semaphore(%arg28 : memref<!tpu.dma_semaphore, #tpu.memory_space<semaphore_mem>>)
    %dma_start3A_28 = arith.constant 0 : i32
    %dma_start3A_29 = tpu.memref_slice %arg19[%dma_start3A_28] : memref<512xi32, #tpu.memory_space<vmem>> -> memref<256xi32, #tpu.memory_space<vmem>>
    %dma_start3A_30 = tpu.memref_slice %arg6[%mul3A_2] : memref<16384xi32, #tpu.memory_space<hbm>> -> memref<256xi32, #tpu.memory_space<hbm>>
    %dma_start3A_31 = arith.constant 0 : i32
    %dma_start3A_32 = tpu.memref_slice %arg19[%dma_start3A_31] : memref<512xi32, #tpu.memory_space<vmem>> -> memref<256xi32, #tpu.memory_space<vmem>>
    %dma_start3A_33 = tpu.memref_slice %arg6[%mul3A_2] : memref<16384xi32, #tpu.memory_space<hbm>> -> memref<256xi32, #tpu.memory_space<hbm>>
    tpu.enqueue_dma source(%dma_start3A_33 : memref<256xi32, #tpu.memory_space<hbm>>) target(%dma_start3A_32 : memref<256xi32, #tpu.memory_space<vmem>>) target_semaphore(%arg28 : memref<!tpu.dma_semaphore, #tpu.memory_space<semaphore_mem>>)
    %dma_start3A_34 = arith.constant 0 : i32
    %dma_start3A_35 = tpu.memref_slice %arg20[%dma_start3A_34] : memref<512xi32, #tpu.memory_space<vmem>> -> memref<256xi32, #tpu.memory_space<vmem>>
    %dma_start3A_36 = tpu.memref_slice %arg7[%mul3A_2] : memref<16384xi32, #tpu.memory_space<hbm>> -> memref<256xi32, #tpu.memory_space<hbm>>
    %dma_start3A_37 = arith.constant 0 : i32
    %dma_start3A_38 = tpu.memref_slice %arg20[%dma_start3A_37] : memref<512xi32, #tpu.memory_space<vmem>> -> memref<256xi32, #tpu.memory_space<vmem>>
    %dma_start3A_39 = tpu.memref_slice %arg7[%mul3A_2] : memref<16384xi32, #tpu.memory_space<hbm>> -> memref<256xi32, #tpu.memory_space<hbm>>
    tpu.enqueue_dma source(%dma_start3A_39 : memref<256xi32, #tpu.memory_space<hbm>>) target(%dma_start3A_38 : memref<256xi32, #tpu.memory_space<vmem>>) target_semaphore(%arg28 : memref<!tpu.dma_semaphore, #tpu.memory_space<semaphore_mem>>)
    %dma_start3A_40 = arith.constant 0 : i32
    %dma_start3A_41 = tpu.memref_slice %arg21[%dma_start3A_40] : memref<512xi32, #tpu.memory_space<vmem>> -> memref<256xi32, #tpu.memory_space<vmem>>
    %dma_start3A_42 = tpu.memref_slice %arg8[%mul3A_2] : memref<16384xi32, #tpu.memory_space<hbm>> -> memref<256xi32, #tpu.memory_space<hbm>>
    %dma_start3A_43 = arith.constant 0 : i32
    %dma_start3A_44 = tpu.memref_slice %arg21[%dma_start3A_43] : memref<512xi32, #tpu.memory_space<vmem>> -> memref<256xi32, #tpu.memory_space<vmem>>
    %dma_start3A_45 = tpu.memref_slice %arg8[%mul3A_2] : memref<16384xi32, #tpu.memory_space<hbm>> -> memref<256xi32, #tpu.memory_space<hbm>>
    tpu.enqueue_dma source(%dma_start3A_45 : memref<256xi32, #tpu.memory_space<hbm>>) target(%dma_start3A_44 : memref<256xi32, #tpu.memory_space<vmem>>) target_semaphore(%arg28 : memref<!tpu.dma_semaphore, #tpu.memory_space<semaphore_mem>>)
    %dma_start3A_46 = arith.constant 0 : i32
    %dma_start3A_47 = tpu.memref_slice %arg22[%dma_start3A_46] : memref<512xi32, #tpu.memory_space<vmem>> -> memref<256xi32, #tpu.memory_space<vmem>>
    %dma_start3A_48 = tpu.memref_slice %arg9[%mul3A_2] : memref<16384xi32, #tpu.memory_space<hbm>> -> memref<256xi32, #tpu.memory_space<hbm>>
    %dma_start3A_49 = arith.constant 0 : i32
    %dma_start3A_50 = tpu.memref_slice %arg22[%dma_start3A_49] : memref<512xi32, #tpu.memory_space<vmem>> -> memref<256xi32, #tpu.memory_space<vmem>>
    %dma_start3A_51 = tpu.memref_slice %arg9[%mul3A_2] : memref<16384xi32, #tpu.memory_space<hbm>> -> memref<256xi32, #tpu.memory_space<hbm>>
    tpu.enqueue_dma source(%dma_start3A_51 : memref<256xi32, #tpu.memory_space<hbm>>) target(%dma_start3A_50 : memref<256xi32, #tpu.memory_space<vmem>>) target_semaphore(%arg28 : memref<!tpu.dma_semaphore, #tpu.memory_space<semaphore_mem>>)
    tpu.enqueue_dma source(%arg10 : memref<2x2xf32, #tpu.memory_space<hbm>>) target(%arg23 : memref<2x2xf32, #tpu.memory_space<vmem>>) target_semaphore(%arg28 : memref<!tpu.dma_semaphore, #tpu.memory_space<semaphore_mem>>)
    tpu.enqueue_dma source(%arg11 : memref<7x7xf32, #tpu.memory_space<hbm>>) target(%arg24 : memref<7x7xf32, #tpu.memory_space<vmem>>) target_semaphore(%arg28 : memref<!tpu.dma_semaphore, #tpu.memory_space<semaphore_mem>>)
    tpu.enqueue_dma source(%arg12 : memref<8x8xf32, #tpu.memory_space<hbm>>) target(%arg25 : memref<8x8xf32, #tpu.memory_space<vmem>>) target_semaphore(%arg28 : memref<!tpu.dma_semaphore, #tpu.memory_space<semaphore_mem>>)
    tpu.enqueue_dma source(%arg13 : memref<17x17xf32, #tpu.memory_space<hbm>>) target(%arg26 : memref<17x17xf32, #tpu.memory_space<vmem>>) target_semaphore(%arg28 : memref<!tpu.dma_semaphore, #tpu.memory_space<semaphore_mem>>)
    %dma_start3A_52 = arith.constant 256 : i32
    %dma_start3A_53 = tpu.memref_slice %arg15[%dma_start3A_52] : memref<512xi32, #tpu.memory_space<vmem>> -> memref<256xi32, #tpu.memory_space<vmem>>
    %dma_start3A_54 = tpu.memref_slice %arg2[%add3A_4] : memref<16384xi32, #tpu.memory_space<hbm>> -> memref<256xi32, #tpu.memory_space<hbm>>
    %dma_start3A_55 = arith.constant 256 : i32
    %dma_start3A_56 = tpu.memref_slice %arg15[%dma_start3A_55] : memref<512xi32, #tpu.memory_space<vmem>> -> memref<256xi32, #tpu.memory_space<vmem>>
    %dma_start3A_57 = tpu.memref_slice %arg2[%add3A_4] : memref<16384xi32, #tpu.memory_space<hbm>> -> memref<256xi32, #tpu.memory_space<hbm>>
    tpu.enqueue_dma source(%dma_start3A_57 : memref<256xi32, #tpu.memory_space<hbm>>) target(%dma_start3A_56 : memref<256xi32, #tpu.memory_space<vmem>>) target_semaphore(%arg29 : memref<!tpu.dma_semaphore, #tpu.memory_space<semaphore_mem>>)
    %dma_start3A_58 = arith.constant 256 : i32
    %dma_start3A_59 = tpu.memref_slice %arg16[%dma_start3A_58] : memref<512xi32, #tpu.memory_space<vmem>> -> memref<256xi32, #tpu.memory_space<vmem>>
    %dma_start3A_60 = tpu.memref_slice %arg3[%add3A_4] : memref<16384xi32, #tpu.memory_space<hbm>> -> memref<256xi32, #tpu.memory_space<hbm>>
    %dma_start3A_61 = arith.constant 256 : i32
    %dma_start3A_62 = tpu.memref_slice %arg16[%dma_start3A_61] : memref<512xi32, #tpu.memory_space<vmem>> -> memref<256xi32, #tpu.memory_space<vmem>>
    %dma_start3A_63 = tpu.memref_slice %arg3[%add3A_4] : memref<16384xi32, #tpu.memory_space<hbm>> -> memref<256xi32, #tpu.memory_space<hbm>>
    tpu.enqueue_dma source(%dma_start3A_63 : memref<256xi32, #tpu.memory_space<hbm>>) target(%dma_start3A_62 : memref<256xi32, #tpu.memory_space<vmem>>) target_semaphore(%arg29 : memref<!tpu.dma_semaphore, #tpu.memory_space<semaphore_mem>>)
    %dma_start3A_64 = arith.constant 256 : i32
    %dma_start3A_65 = tpu.memref_slice %arg17[%dma_start3A_64] : memref<512xi32, #tpu.memory_space<vmem>> -> memref<256xi32, #tpu.memory_space<vmem>>
    %dma_start3A_66 = tpu.memref_slice %arg4[%add3A_4] : memref<16384xi32, #tpu.memory_space<hbm>> -> memref<256xi32, #tpu.memory_space<hbm>>
    %dma_start3A_67 = arith.constant 256 : i32
    %dma_start3A_68 = tpu.memref_slice %arg17[%dma_start3A_67] : memref<512xi32, #tpu.memory_space<vmem>> -> memref<256xi32, #tpu.memory_space<vmem>>
    %dma_start3A_69 = tpu.memref_slice %arg4[%add3A_4] : memref<16384xi32, #tpu.memory_space<hbm>> -> memref<256xi32, #tpu.memory_space<hbm>>
    tpu.enqueue_dma source(%dma_start3A_69 : memref<256xi32, #tpu.memory_space<hbm>>) target(%dma_start3A_68 : memref<256xi32, #tpu.memory_space<vmem>>) target_semaphore(%arg29 : memref<!tpu.dma_semaphore, #tpu.memory_space<semaphore_mem>>)
    %dma_start3A_70 = arith.constant 256 : i32
    %dma_start3A_71 = tpu.memref_slice %arg18[%dma_start3A_70] : memref<512xi32, #tpu.memory_space<vmem>> -> memref<256xi32, #tpu.memory_space<vmem>>
    %dma_start3A_72 = tpu.memref_slice %arg5[%add3A_4] : memref<16384xi32, #tpu.memory_space<hbm>> -> memref<256xi32, #tpu.memory_space<hbm>>
    %dma_start3A_73 = arith.constant 256 : i32
    %dma_start3A_74 = tpu.memref_slice %arg18[%dma_start3A_73] : memref<512xi32, #tpu.memory_space<vmem>> -> memref<256xi32, #tpu.memory_space<vmem>>
    %dma_start3A_75 = tpu.memref_slice %arg5[%add3A_4] : memref<16384xi32, #tpu.memory_space<hbm>> -> memref<256xi32, #tpu.memory_space<hbm>>
    tpu.enqueue_dma source(%dma_start3A_75 : memref<256xi32, #tpu.memory_space<hbm>>) target(%dma_start3A_74 : memref<256xi32, #tpu.memory_space<vmem>>) target_semaphore(%arg29 : memref<!tpu.dma_semaphore, #tpu.memory_space<semaphore_mem>>)
    %dma_start3A_76 = arith.constant 256 : i32
    %dma_start3A_77 = tpu.memref_slice %arg19[%dma_start3A_76] : memref<512xi32, #tpu.memory_space<vmem>> -> memref<256xi32, #tpu.memory_space<vmem>>
    %dma_start3A_78 = tpu.memref_slice %arg6[%add3A_4] : memref<16384xi32, #tpu.memory_space<hbm>> -> memref<256xi32, #tpu.memory_space<hbm>>
    %dma_start3A_79 = arith.constant 256 : i32
    %dma_start3A_80 = tpu.memref_slice %arg19[%dma_start3A_79] : memref<512xi32, #tpu.memory_space<vmem>> -> memref<256xi32, #tpu.memory_space<vmem>>
    %dma_start3A_81 = tpu.memref_slice %arg6[%add3A_4] : memref<16384xi32, #tpu.memory_space<hbm>> -> memref<256xi32, #tpu.memory_space<hbm>>
    tpu.enqueue_dma source(%dma_start3A_81 : memref<256xi32, #tpu.memory_space<hbm>>) target(%dma_start3A_80 : memref<256xi32, #tpu.memory_space<vmem>>) target_semaphore(%arg29 : memref<!tpu.dma_semaphore, #tpu.memory_space<semaphore_mem>>)
    %dma_start3A_82 = arith.constant 256 : i32
    %dma_start3A_83 = tpu.memref_slice %arg20[%dma_start3A_82] : memref<512xi32, #tpu.memory_space<vmem>> -> memref<256xi32, #tpu.memory_space<vmem>>
    %dma_start3A_84 = tpu.memref_slice %arg7[%add3A_4] : memref<16384xi32, #tpu.memory_space<hbm>> -> memref<256xi32, #tpu.memory_space<hbm>>
    %dma_start3A_85 = arith.constant 256 : i32
    %dma_start3A_86 = tpu.memref_slice %arg20[%dma_start3A_85] : memref<512xi32, #tpu.memory_space<vmem>> -> memref<256xi32, #tpu.memory_space<vmem>>
    %dma_start3A_87 = tpu.memref_slice %arg7[%add3A_4] : memref<16384xi32, #tpu.memory_space<hbm>> -> memref<256xi32, #tpu.memory_space<hbm>>
    tpu.enqueue_dma source(%dma_start3A_87 : memref<256xi32, #tpu.memory_space<hbm>>) target(%dma_start3A_86 : memref<256xi32, #tpu.memory_space<vmem>>) target_semaphore(%arg29 : memref<!tpu.dma_semaphore, #tpu.memory_space<semaphore_mem>>)
    %dma_start3A_88 = arith.constant 256 : i32
    %dma_start3A_89 = tpu.memref_slice %arg21[%dma_start3A_88] : memref<512xi32, #tpu.memory_space<vmem>> -> memref<256xi32, #tpu.memory_space<vmem>>
    %dma_start3A_90 = tpu.memref_slice %arg8[%add3A_4] : memref<16384xi32, #tpu.memory_space<hbm>> -> memref<256xi32, #tpu.memory_space<hbm>>
    %dma_start3A_91 = arith.constant 256 : i32
    %dma_start3A_92 = tpu.memref_slice %arg21[%dma_start3A_91] : memref<512xi32, #tpu.memory_space<vmem>> -> memref<256xi32, #tpu.memory_space<vmem>>
    %dma_start3A_93 = tpu.memref_slice %arg8[%add3A_4] : memref<16384xi32, #tpu.memory_space<hbm>> -> memref<256xi32, #tpu.memory_space<hbm>>
    tpu.enqueue_dma source(%dma_start3A_93 : memref<256xi32, #tpu.memory_space<hbm>>) target(%dma_start3A_92 : memref<256xi32, #tpu.memory_space<vmem>>) target_semaphore(%arg29 : memref<!tpu.dma_semaphore, #tpu.memory_space<semaphore_mem>>)
    %dma_start3A_94 = arith.constant 256 : i32
    %dma_start3A_95 = tpu.memref_slice %arg22[%dma_start3A_94] : memref<512xi32, #tpu.memory_space<vmem>> -> memref<256xi32, #tpu.memory_space<vmem>>
    %dma_start3A_96 = tpu.memref_slice %arg9[%add3A_4] : memref<16384xi32, #tpu.memory_space<hbm>> -> memref<256xi32, #tpu.memory_space<hbm>>
    %dma_start3A_97 = arith.constant 256 : i32
    %dma_start3A_98 = tpu.memref_slice %arg22[%dma_start3A_97] : memref<512xi32, #tpu.memory_space<vmem>> -> memref<256xi32, #tpu.memory_space<vmem>>
    %dma_start3A_99 = tpu.memref_slice %arg9[%add3A_4] : memref<16384xi32, #tpu.memory_space<hbm>> -> memref<256xi32, #tpu.memory_space<hbm>>
    tpu.enqueue_dma source(%dma_start3A_99 : memref<256xi32, #tpu.memory_space<hbm>>) target(%dma_start3A_98 : memref<256xi32, #tpu.memory_space<vmem>>) target_semaphore(%arg29 : memref<!tpu.dma_semaphore, #tpu.memory_space<semaphore_mem>>)
    %dma_wait3A = arith.constant 0 : i32
    %dma_wait3A_100 = tpu.memref_slice %arg15[%dma_wait3A] : memref<512xi32, #tpu.memory_space<vmem>> -> memref<256xi32, #tpu.memory_space<vmem>>
    %dma_wait3A_101 = tpu.memref_slice %arg2[%mul3A_2] : memref<16384xi32, #tpu.memory_space<hbm>> -> memref<256xi32, #tpu.memory_space<hbm>>
    %dma_wait3A_102 = arith.constant 0 : i32
    %dma_wait3A_103 = tpu.memref_slice %arg15[%dma_wait3A_102] : memref<512xi32, #tpu.memory_space<vmem>> -> memref<256xi32, #tpu.memory_space<vmem>>
    %dma_wait3A_104 = tpu.memref_slice %arg2[%mul3A_2] : memref<16384xi32, #tpu.memory_space<hbm>> -> memref<256xi32, #tpu.memory_space<hbm>>
    tpu.wait_dma2 semaphore(%arg28 : memref<!tpu.dma_semaphore, #tpu.memory_space<semaphore_mem>>) src(%dma_wait3A_104 : memref<256xi32, #tpu.memory_space<hbm>>) dst(%dma_wait3A_103 : memref<256xi32, #tpu.memory_space<vmem>>)
    %dma_wait3A_105 = arith.constant 0 : i32
    %dma_wait3A_106 = tpu.memref_slice %arg16[%dma_wait3A_105] : memref<512xi32, #tpu.memory_space<vmem>> -> memref<256xi32, #tpu.memory_space<vmem>>
    %dma_wait3A_107 = tpu.memref_slice %arg3[%mul3A_2] : memref<16384xi32, #tpu.memory_space<hbm>> -> memref<256xi32, #tpu.memory_space<hbm>>
    %dma_wait3A_108 = arith.constant 0 : i32
    %dma_wait3A_109 = tpu.memref_slice %arg16[%dma_wait3A_108] : memref<512xi32, #tpu.memory_space<vmem>> -> memref<256xi32, #tpu.memory_space<vmem>>
    %dma_wait3A_110 = tpu.memref_slice %arg3[%mul3A_2] : memref<16384xi32, #tpu.memory_space<hbm>> -> memref<256xi32, #tpu.memory_space<hbm>>
    tpu.wait_dma2 semaphore(%arg28 : memref<!tpu.dma_semaphore, #tpu.memory_space<semaphore_mem>>) src(%dma_wait3A_110 : memref<256xi32, #tpu.memory_space<hbm>>) dst(%dma_wait3A_109 : memref<256xi32, #tpu.memory_space<vmem>>)
    %dma_wait3A_111 = arith.constant 0 : i32
    %dma_wait3A_112 = tpu.memref_slice %arg17[%dma_wait3A_111] : memref<512xi32, #tpu.memory_space<vmem>> -> memref<256xi32, #tpu.memory_space<vmem>>
    %dma_wait3A_113 = tpu.memref_slice %arg4[%mul3A_2] : memref<16384xi32, #tpu.memory_space<hbm>> -> memref<256xi32, #tpu.memory_space<hbm>>
    %dma_wait3A_114 = arith.constant 0 : i32
    %dma_wait3A_115 = tpu.memref_slice %arg17[%dma_wait3A_114] : memref<512xi32, #tpu.memory_space<vmem>> -> memref<256xi32, #tpu.memory_space<vmem>>
    %dma_wait3A_116 = tpu.memref_slice %arg4[%mul3A_2] : memref<16384xi32, #tpu.memory_space<hbm>> -> memref<256xi32, #tpu.memory_space<hbm>>
    tpu.wait_dma2 semaphore(%arg28 : memref<!tpu.dma_semaphore, #tpu.memory_space<semaphore_mem>>) src(%dma_wait3A_116 : memref<256xi32, #tpu.memory_space<hbm>>) dst(%dma_wait3A_115 : memref<256xi32, #tpu.memory_space<vmem>>)
    %dma_wait3A_117 = arith.constant 0 : i32
    %dma_wait3A_118 = tpu.memref_slice %arg18[%dma_wait3A_117] : memref<512xi32, #tpu.memory_space<vmem>> -> memref<256xi32, #tpu.memory_space<vmem>>
    %dma_wait3A_119 = tpu.memref_slice %arg5[%mul3A_2] : memref<16384xi32, #tpu.memory_space<hbm>> -> memref<256xi32, #tpu.memory_space<hbm>>
    %dma_wait3A_120 = arith.constant 0 : i32
    %dma_wait3A_121 = tpu.memref_slice %arg18[%dma_wait3A_120] : memref<512xi32, #tpu.memory_space<vmem>> -> memref<256xi32, #tpu.memory_space<vmem>>
    %dma_wait3A_122 = tpu.memref_slice %arg5[%mul3A_2] : memref<16384xi32, #tpu.memory_space<hbm>> -> memref<256xi32, #tpu.memory_space<hbm>>
    tpu.wait_dma2 semaphore(%arg28 : memref<!tpu.dma_semaphore, #tpu.memory_space<semaphore_mem>>) src(%dma_wait3A_122 : memref<256xi32, #tpu.memory_space<hbm>>) dst(%dma_wait3A_121 : memref<256xi32, #tpu.memory_space<vmem>>)
    %dma_wait3A_123 = arith.constant 0 : i32
    %dma_wait3A_124 = tpu.memref_slice %arg19[%dma_wait3A_123] : memref<512xi32, #tpu.memory_space<vmem>> -> memref<256xi32, #tpu.memory_space<vmem>>
    %dma_wait3A_125 = tpu.memref_slice %arg6[%mul3A_2] : memref<16384xi32, #tpu.memory_space<hbm>> -> memref<256xi32, #tpu.memory_space<hbm>>
    %dma_wait3A_126 = arith.constant 0 : i32
    %dma_wait3A_127 = tpu.memref_slice %arg19[%dma_wait3A_126] : memref<512xi32, #tpu.memory_space<vmem>> -> memref<256xi32, #tpu.memory_space<vmem>>
    %dma_wait3A_128 = tpu.memref_slice %arg6[%mul3A_2] : memref<16384xi32, #tpu.memory_space<hbm>> -> memref<256xi32, #tpu.memory_space<hbm>>
    tpu.wait_dma2 semaphore(%arg28 : memref<!tpu.dma_semaphore, #tpu.memory_space<semaphore_mem>>) src(%dma_wait3A_128 : memref<256xi32, #tpu.memory_space<hbm>>) dst(%dma_wait3A_127 : memref<256xi32, #tpu.memory_space<vmem>>)
    %dma_wait3A_129 = arith.constant 0 : i32
    %dma_wait3A_130 = tpu.memref_slice %arg20[%dma_wait3A_129] : memref<512xi32, #tpu.memory_space<vmem>> -> memref<256xi32, #tpu.memory_space<vmem>>
    %dma_wait3A_131 = tpu.memref_slice %arg7[%mul3A_2] : memref<16384xi32, #tpu.memory_space<hbm>> -> memref<256xi32, #tpu.memory_space<hbm>>
    %dma_wait3A_132 = arith.constant 0 : i32
    %dma_wait3A_133 = tpu.memref_slice %arg20[%dma_wait3A_132] : memref<512xi32, #tpu.memory_space<vmem>> -> memref<256xi32, #tpu.memory_space<vmem>>
    %dma_wait3A_134 = tpu.memref_slice %arg7[%mul3A_2] : memref<16384xi32, #tpu.memory_space<hbm>> -> memref<256xi32, #tpu.memory_space<hbm>>
    tpu.wait_dma2 semaphore(%arg28 : memref<!tpu.dma_semaphore, #tpu.memory_space<semaphore_mem>>) src(%dma_wait3A_134 : memref<256xi32, #tpu.memory_space<hbm>>) dst(%dma_wait3A_133 : memref<256xi32, #tpu.memory_space<vmem>>)
    %dma_wait3A_135 = arith.constant 0 : i32
    %dma_wait3A_136 = tpu.memref_slice %arg21[%dma_wait3A_135] : memref<512xi32, #tpu.memory_space<vmem>> -> memref<256xi32, #tpu.memory_space<vmem>>
    %dma_wait3A_137 = tpu.memref_slice %arg8[%mul3A_2] : memref<16384xi32, #tpu.memory_space<hbm>> -> memref<256xi32, #tpu.memory_space<hbm>>
    %dma_wait3A_138 = arith.constant 0 : i32
    %dma_wait3A_139 = tpu.memref_slice %arg21[%dma_wait3A_138] : memref<512xi32, #tpu.memory_space<vmem>> -> memref<256xi32, #tpu.memory_space<vmem>>
    %dma_wait3A_140 = tpu.memref_slice %arg8[%mul3A_2] : memref<16384xi32, #tpu.memory_space<hbm>> -> memref<256xi32, #tpu.memory_space<hbm>>
    tpu.wait_dma2 semaphore(%arg28 : memref<!tpu.dma_semaphore, #tpu.memory_space<semaphore_mem>>) src(%dma_wait3A_140 : memref<256xi32, #tpu.memory_space<hbm>>) dst(%dma_wait3A_139 : memref<256xi32, #tpu.memory_space<vmem>>)
    %dma_wait3A_141 = arith.constant 0 : i32
    %dma_wait3A_142 = tpu.memref_slice %arg22[%dma_wait3A_141] : memref<512xi32, #tpu.memory_space<vmem>> -> memref<256xi32, #tpu.memory_space<vmem>>
    %dma_wait3A_143 = tpu.memref_slice %arg9[%mul3A_2] : memref<16384xi32, #tpu.memory_space<hbm>> -> memref<256xi32, #tpu.memory_space<hbm>>
    %dma_wait3A_144 = arith.constant 0 : i32
    %dma_wait3A_145 = tpu.memref_slice %arg22[%dma_wait3A_144] : memref<512xi32, #tpu.memory_space<vmem>> -> memref<256xi32, #tpu.memory_space<vmem>>
    %dma_wait3A_146 = tpu.memref_slice %arg9[%mul3A_2] : memref<16384xi32, #tpu.memory_space<hbm>> -> memref<256xi32, #tpu.memory_space<hbm>>
    tpu.wait_dma2 semaphore(%arg28 : memref<!tpu.dma_semaphore, #tpu.memory_space<semaphore_mem>>) src(%dma_wait3A_146 : memref<256xi32, #tpu.memory_space<hbm>>) dst(%dma_wait3A_145 : memref<256xi32, #tpu.memory_space<vmem>>)
    tpu.wait_dma2 semaphore(%arg28 : memref<!tpu.dma_semaphore, #tpu.memory_space<semaphore_mem>>) src(%arg10 : memref<2x2xf32, #tpu.memory_space<hbm>>) dst(%arg23 : memref<2x2xf32, #tpu.memory_space<vmem>>)
    tpu.wait_dma2 semaphore(%arg28 : memref<!tpu.dma_semaphore, #tpu.memory_space<semaphore_mem>>) src(%arg11 : memref<7x7xf32, #tpu.memory_space<hbm>>) dst(%arg24 : memref<7x7xf32, #tpu.memory_space<vmem>>)
    tpu.wait_dma2 semaphore(%arg28 : memref<!tpu.dma_semaphore, #tpu.memory_space<semaphore_mem>>) src(%arg12 : memref<8x8xf32, #tpu.memory_space<hbm>>) dst(%arg25 : memref<8x8xf32, #tpu.memory_space<vmem>>)
    tpu.wait_dma2 semaphore(%arg28 : memref<!tpu.dma_semaphore, #tpu.memory_space<semaphore_mem>>) src(%arg13 : memref<17x17xf32, #tpu.memory_space<hbm>>) dst(%arg26 : memref<17x17xf32, #tpu.memory_space<vmem>>)
    %get3A = arith.constant 0 : index
    %get3A_147 = tpu.vector_load %arg15[%get3A] {strides = array<i32>} : memref<512xi32, #tpu.memory_space<vmem>>, vector<16xi32>,
    %get3A_148 = arith.constant 0 : index
    %get3A_149 = tpu.vector_load %arg19[%get3A_148] {strides = array<i32>} : memref<512xi32, #tpu.memory_space<vmem>>, vector<16xi32>,
    %gather3A = tpu.vector_load_idx %arg23[%get3A_147, %get3A_149] : memref<2x2xf32, #tpu.memory_space<vmem>>[vector<16xi32>, vector<16xi32>], vector<16xf32>,
    %get3A_150 = arith.constant 0 : index
    %get3A_151 = tpu.vector_load %arg17[%get3A_150] {strides = array<i32>} : memref<512xi32, #tpu.memory_space<vmem>>, vector<16xi32>,
    %get3A_152 = arith.constant 0 : index
    %get3A_153 = tpu.vector_load %arg21[%get3A_152] {strides = array<i32>} : memref<512xi32, #tpu.memory_space<vmem>>, vector<16xi32>,
    %gather3A_154 = tpu.vector_load_idx %arg24[%get3A_151, %get3A_153] : memref<7x7xf32, #tpu.memory_space<vmem>>[vector<16xi32>, vector<16xi32>], vector<16xf32>,
    %add3A_155 = arith.addf %gather3A, %gather3A_154 : vector<16xf32>
    %get3A_156 = arith.constant 0 : index
    %get3A_157 = tpu.vector_load %arg16[%get3A_156] {strides = array<i32>} : memref<512xi32, #tpu.memory_space<vmem>>, vector<16xi32>,
    %get3A_158 = arith.constant 0 : index
    %get3A_159 = tpu.vector_load %arg20[%get3A_158] {strides = array<i32>} : memref<512xi32, #tpu.memory_space<vmem>>, vector<16xi32>,
    %gather3A_160 = tpu.vector_load_idx %arg25[%get3A_157, %get3A_159] : memref<8x8xf32, #tpu.memory_space<vmem>>[vector<16xi32>, vector<16xi32>], vector<16xf32>,
    %add3A_161 = arith.addf %add3A_155, %gather3A_160 : vector<16xf32>
    %get3A_162 = arith.constant 0 : index
    %get3A_163 = tpu.vector_load %arg18[%get3A_162] {strides = array<i32>} : memref<512xi32, #tpu.memory_space<vmem>>, vector<16xi32>,
    %get3A_164 = arith.constant 0 : index
    %get3A_165 = tpu.vector_load %arg22[%get3A_164] {strides = array<i32>} : memref<512xi32, #tpu.memory_space<vmem>>, vector<16xi32>,
    %gather3A_166 = tpu.vector_load_idx %arg26[%get3A_163, %get3A_165] : memref<17x17xf32, #tpu.memory_space<vmem>>[vector<16xi32>, vector<16xi32>], vector<16xf32>,
    %add3A_167 = arith.addf %add3A_161, %gather3A_166 : vector<16xf32>
    %neg3A = arith.constant 0.000000e+00 : f32
    %neg3A_168 = vector.broadcast %neg3A : f32 to vector<16xf32>
    %neg3A_169 = arith.subf %neg3A_168, %add3A_167 : vector<16xf32>
    %exp3A = math.exp %neg3A_169 : vector<16xf32>
    %add3A_170 = arith.constant 1.000000e+00 : f32
    %add3A_171 = vector.broadcast %add3A_170 : f32 to vector<16xf32>
    %add3A_172 = arith.addf %add3A_171, %exp3A : vector<16xf32>
    %div3A = arith.constant 1.000000e+00 : f32
    %div3A_173 = vector.broadcast %div3A : f32 to vector<16xf32>
    %div3A_174 = arith.divf %div3A_173, %add3A_172 : vector<16xf32>
    %swap3A = arith.constant 0 : index
    %swap3A_175 = tpu.vector_load %arg27[%swap3A] {strides = array<i32>} : memref<512xf32, #tpu.memory_space<vmem>>, vector<16xf32>,
    tpu.vector_store %arg27[%swap3A], %div3A_174 {strides = array<i32>} : memref<512xf32, #tpu.memory_space<vmem>>, vector<16xf32>,
    %get3A_176 = arith.constant 16 : index
    %get3A_177 = tpu.vector_load %arg15[%get3A_176] {strides = array<i32>} : memref<512xi32, #tpu.memory_space<vmem>>, vector<16xi32>,
    %get3A_178 = arith.constant 16 : index
    %get3A_179 = tpu.vector_load %arg19[%get3A_178] {strides = array<i32>} : memref<512xi32, #tpu.memory_space<vmem>>, vector<16xi32>,
    %gather3A_180 = tpu.vector_load_idx %arg23[%get3A_177, %get3A_179] : memref<2x2xf32, #tpu.memory_space<vmem>>[vector<16xi32>, vector<16xi32>], vector<16xf32>,
    %get3A_181 = arith.constant 16 : index
    %get3A_182 = tpu.vector_load %arg17[%get3A_181] {strides = array<i32>} : memref<512xi32, #tpu.memory_space<vmem>>, vector<16xi32>,
    %get3A_183 = arith.constant 16 : index
    %get3A_184 = tpu.vector_load %arg21[%get3A_183] {strides = array<i32>} : memref<512xi32, #tpu.memory_space<vmem>>, vector<16xi32>,
    %gather3A_185 = tpu.vector_load_idx %arg24[%get3A_182, %get3A_184] : memref<7x7xf32, #tpu.memory_space<vmem>>[vector<16xi32>, vector<16xi32>], vector<16xf32>,
    %add3A_186 = arith.addf %gather3A_180, %gather3A_185 : vector<16xf32>
    %get3A_187 = arith.constant 16 : index
    %get3A_188 = tpu.vector_load %arg16[%get3A_187] {strides = array<i32>} : memref<512xi32, #tpu.memory_space<vmem>>, vector<16xi32>,
    %get3A_189 = arith.constant 16 : index
    %get3A_190 = tpu.vector_load %arg20[%get3A_189] {strides = array<i32>} : memref<512xi32, #tpu.memory_space<vmem>>, vector<16xi32>,
    %gather3A_191 = tpu.vector_load_idx %arg25[%get3A_188, %get3A_190] : memref<8x8xf32, #tpu.memory_space<vmem>>[vector<16xi32>, vector<16xi32>], vector<16xf32>,
    %add3A_192 = arith.addf %add3A_186, %gather3A_191 : vector<16xf32>
    %get3A_193 = arith.constant 16 : index
    %get3A_194 = tpu.vector_load %arg18[%get3A_193] {strides = array<i32>} : memref<512xi32, #tpu.memory_space<vmem>>, vector<16xi32>,
    %get3A_195 = arith.constant 16 : index
    %get3A_196 = tpu.vector_load %arg22[%get3A_195] {strides = array<i32>} : memref<512xi32, #tpu.memory_space<vmem>>, vector<16xi32>,
    %gather3A_197 = tpu.vector_load_idx %arg26[%get3A_194, %get3A_196] : memref<17x17xf32, #tpu.memory_space<vmem>>[vector<16xi32>, vector<16xi32>], vector<16xf32>,
    %add3A_198 = arith.addf %add3A_192, %gather3A_197 : vector<16xf32>
    %neg3A_199 = arith.constant 0.000000e+00 : f32
    %neg3A_200 = vector.broadcast %neg3A_199 : f32 to vector<16xf32>
    %neg3A_201 = arith.subf %neg3A_200, %add3A_198 : vector<16xf32>
    %exp3A_202 = math.exp %neg3A_201 : vector<16xf32>
    %add3A_203 = arith.constant 1.000000e+00 : f32
    %add3A_204 = vector.broadcast %add3A_203 : f32 to vector<16xf32>
    %add3A_205 = arith.addf %add3A_204, %exp3A_202 : vector<16xf32>
    %div3A_206 = arith.constant 1.000000e+00 : f32
    %div3A_207 = vector.broadcast %div3A_206 : f32 to vector<16xf32>
    %div3A_208 = arith.divf %div3A_207, %add3A_205 : vector<16xf32>
    %swap3A_209 = arith.constant 16 : index
    %swap3A_210 = tpu.vector_load %arg27[%swap3A_209] {strides = array<i32>} : memref<512xf32, #tpu.memory_space<vmem>>, vector<16xf32>,
    tpu.vector_store %arg27[%swap3A_209], %div3A_208 {strides = array<i32>} : memref<512xf32, #tpu.memory_space<vmem>>, vector<16xf32>,
    %get3A_211 = arith.constant 32 : index
    %get3A_212 = tpu.vector_load %arg15[%get3A_211] {strides = array<i32>} : memref<512xi32, #tpu.memory_space<vmem>>, vector<16xi32>,
    %get3A_213 = arith.constant 32 : index
    %get3A_214 = tpu.vector_load %arg19[%get3A_213] {strides = array<i32>} : memref<512xi32, #tpu.memory_space<vmem>>, vector<16xi32>,
    %gather3A_215 = tpu.vector_load_idx %arg23[%get3A_212, %get3A_214] : memref<2x2xf32, #tpu.memory_space<vmem>>[vector<16xi32>, vector<16xi32>], vector<16xf32>,
    %get3A_216 = arith.constant 32 : index
    %get3A_217 = tpu.vector_load %arg17[%get3A_216] {strides = array<i32>} : memref<512xi32, #tpu.memory_space<vmem>>, vector<16xi32>,
    %get3A_218 = arith.constant 32 : index
    %get3A_219 = tpu.vector_load %arg21[%get3A_218] {strides = array<i32>} : memref<512xi32, #tpu.memory_space<vmem>>, vector<16xi32>,
    %gather3A_220 = tpu.vector_load_idx %arg24[%get3A_217, %get3A_219] : memref<7x7xf32, #tpu.memory_space<vmem>>[vector<16xi32>, vector<16xi32>], vector<16xf32>,
    %add3A_221 = arith.addf %gather3A_215, %gather3A_220 : vector<16xf32>
    %get3A_222 = arith.constant 32 : index
    %get3A_223 = tpu.vector_load %arg16[%get3A_222] {strides = array<i32>} : memref<512xi32, #tpu.memory_space<vmem>>, vector<16xi32>,
    %get3A_224 = arith.constant 32 : index
    %get3A_225 = tpu.vector_load %arg20[%get3A_224] {strides = array<i32>} : memref<512xi32, #tpu.memory_space<vmem>>, vector<16xi32>,
    %gather3A_226 = tpu.vector_load_idx %arg25[%get3A_223, %get3A_225] : memref<8x8xf32, #tpu.memory_space<vmem>>[vector<16xi32>, vector<16xi32>], vector<16xf32>,
    %add3A_227 = arith.addf %add3A_221, %gather3A_226 : vector<16xf32>
    %get3A_228 = arith.constant 32 : index
    %get3A_229 = tpu.vector_load %arg18[%get3A_228] {strides = array<i32>} : memref<512xi32, #tpu.memory_space<vmem>>, vector<16xi32>,
    %get3A_230 = arith.constant 32 : index
    %get3A_231 = tpu.vector_load %arg22[%get3A_230] {strides = array<i32>} : memref<512xi32, #tpu.memory_space<vmem>>, vector<16xi32>,
    %gather3A_232 = tpu.vector_load_idx %arg26[%get3A_229, %get3A_231] : memref<17x17xf32, #tpu.memory_space<vmem>>[vector<16xi32>, vector<16xi32>], vector<16xf32>,
    %add3A_233 = arith.addf %add3A_227, %gather3A_232 : vector<16xf32>
    %neg3A_234 = arith.constant 0.000000e+00 : f32
    %neg3A_235 = vector.broadcast %neg3A_234 : f32 to vector<16xf32>
    %neg3A_236 = arith.subf %neg3A_235, %add3A_233 : vector<16xf32>
    %exp3A_237 = math.exp %neg3A_236 : vector<16xf32>
    %add3A_238 = arith.constant 1.000000e+00 : f32
    %add3A_239 = vector.broadcast %add3A_238 : f32 to vector<16xf32>
    %add3A_240 = arith.addf %add3A_239, %exp3A_237 : vector<16xf32>
    %div3A_241 = arith.constant 1.000000e+00 : f32
    %div3A_242 = vector.broadcast %div3A_241 : f32 to vector<16xf32>
    %div3A_243 = arith.divf %div3A_242, %add3A_240 : vector<16xf32>
    %swap3A_244 = arith.constant 32 : index
    %swap3A_245 = tpu.vector_load %arg27[%swap3A_244] {strides = array<i32>} : memref<512xf32, #tpu.memory_space<vmem>>, vector<16xf32>,
    tpu.vector_store %arg27[%swap3A_244], %div3A_243 {strides = array<i32>} : memref<512xf32, #tpu.memory_space<vmem>>, vector<16xf32>,
    %get3A_246 = arith.constant 48 : index
    %get3A_247 = tpu.vector_load %arg15[%get3A_246] {strides = array<i32>} : memref<512xi32, #tpu.memory_space<vmem>>, vector<16xi32>,
    %get3A_248 = arith.constant 48 : index
    %get3A_249 = tpu.vector_load %arg19[%get3A_248] {strides = array<i32>} : memref<512xi32, #tpu.memory_space<vmem>>, vector<16xi32>,
    %gather3A_250 = tpu.vector_load_idx %arg23[%get3A_247, %get3A_249] : memref<2x2xf32, #tpu.memory_space<vmem>>[vector<16xi32>, vector<16xi32>], vector<16xf32>,
    %get3A_251 = arith.constant 48 : index
    %get3A_252 = tpu.vector_load %arg17[%get3A_251] {strides = array<i32>} : memref<512xi32, #tpu.memory_space<vmem>>, vector<16xi32>,
    %get3A_253 = arith.constant 48 : index
    %get3A_254 = tpu.vector_load %arg21[%get3A_253] {strides = array<i32>} : memref<512xi32, #tpu.memory_space<vmem>>, vector<16xi32>,
    %gather3A_255 = tpu.vector_load_idx %arg24[%get3A_252, %get3A_254] : memref<7x7xf32, #tpu.memory_space<vmem>>[vector<16xi32>, vector<16xi32>], vector<16xf32>,
    %add3A_256 = arith.addf %gather3A_250, %gather3A_255 : vector<16xf32>
    %get3A_257 = arith.constant 48 : index
    %get3A_258 = tpu.vector_load %arg16[%get3A_257] {strides = array<i32>} : memref<512xi32, #tpu.memory_space<vmem>>, vector<16xi32>,
    %get3A_259 = arith.constant 48 : index
    %get3A_260 = tpu.vector_load %arg20[%get3A_259] {strides = array<i32>} : memref<512xi32, #tpu.memory_space<vmem>>, vector<16xi32>,
    %gather3A_261 = tpu.vector_load_idx %arg25[%get3A_258, %get3A_260] : memref<8x8xf32, #tpu.memory_space<vmem>>[vector<16xi32>, vector<16xi32>], vector<16xf32>,
    %add3A_262 = arith.addf %add3A_256, %gather3A_261 : vector<16xf32>
    %get3A_263 = arith.constant 48 : index
    %get3A_264 = tpu.vector_load %arg18[%get3A_263] {strides = array<i32>} : memref<512xi32, #tpu.memory_space<vmem>>, vector<16xi32>,
    %get3A_265 = arith.constant 48 : index
    %get3A_266 = tpu.vector_load %arg22[%get3A_265] {strides = array<i32>} : memref<512xi32, #tpu.memory_space<vmem>>, vector<16xi32>,
    %gather3A_267 = tpu.vector_load_idx %arg26[%get3A_264, %get3A_266] : memref<17x17xf32, #tpu.memory_space<vmem>>[vector<16xi32>, vector<16xi32>], vector<16xf32>,
    %add3A_268 = arith.addf %add3A_262, %gather3A_267 : vector<16xf32>
    %neg3A_269 = arith.constant 0.000000e+00 : f32
    %neg3A_270 = vector.broadcast %neg3A_269 : f32 to vector<16xf32>
    %neg3A_271 = arith.subf %neg3A_270, %add3A_268 : vector<16xf32>
    %exp3A_272 = math.exp %neg3A_271 : vector<16xf32>
    %add3A_273 = arith.constant 1.000000e+00 : f32
    %add3A_274 = vector.broadcast %add3A_273 : f32 to vector<16xf32>
    %add3A_275 = arith.addf %add3A_274, %exp3A_272 : vector<16xf32>
    %div3A_276 = arith.constant 1.000000e+00 : f32
    %div3A_277 = vector.broadcast %div3A_276 : f32 to vector<16xf32>
    %div3A_278 = arith.divf %div3A_277, %add3A_275 : vector<16xf32>
    %swap3A_279 = arith.constant 48 : index
    %swap3A_280 = tpu.vector_load %arg27[%swap3A_279] {strides = array<i32>} : memref<512xf32, #tpu.memory_space<vmem>>, vector<16xf32>,
    tpu.vector_store %arg27[%swap3A_279], %div3A_278 {strides = array<i32>} : memref<512xf32, #tpu.memory_space<vmem>>, vector<16xf32>,
    %get3A_281 = arith.constant 64 : index
    %get3A_282 = tpu.vector_load %arg15[%get3A_281] {strides = array<i32>} : memref<512xi32, #tpu.memory_space<vmem>>, vector<16xi32>,
    %get3A_283 = arith.constant 64 : index
    %get3A_284 = tpu.vector_load %arg19[%get3A_283] {strides = array<i32>} : memref<512xi32, #tpu.memory_space<vmem>>, vector<16xi32>,
    %gather3A_285 = tpu.vector_load_idx %arg23[%get3A_282, %get3A_284] : memref<2x2xf32, #tpu.memory_space<vmem>>[vector<16xi32>, vector<16xi32>], vector<16xf32>,
    %get3A_286 = arith.constant 64 : index
    %get3A_287 = tpu.vector_load %arg17[%get3A_286] {strides = array<i32>} : memref<512xi32, #tpu.memory_space<vmem>>, vector<16xi32>,
    %get3A_288 = arith.constant 64 : index
    %get3A_289 = tpu.vector_load %arg21[%get3A_288] {strides = array<i32>} : memref<512xi32, #tpu.memory_space<vmem>>, vector<16xi32>,
    %gather3A_290 = tpu.vector_load_idx %arg24[%get3A_287, %get3A_289] : memref<7x7xf32, #tpu.memory_space<vmem>>[vector<16xi32>, vector<16xi32>], vector<16xf32>,
    %add3A_291 = arith.addf %gather3A_285, %gather3A_290 : vector<16xf32>
    %get3A_292 = arith.constant 64 : index
    %get3A_293 = tpu.vector_load %arg16[%get3A_292] {strides = array<i32>} : memref<512xi32, #tpu.memory_space<vmem>>, vector<16xi32>,
    %get3A_294 = arith.constant 64 : index
    %get3A_295 = tpu.vector_load %arg20[%get3A_294] {strides = array<i32>} : memref<512xi32, #tpu.memory_space<vmem>>, vector<16xi32>,
    %gather3A_296 = tpu.vector_load_idx %arg25[%get3A_293, %get3A_295] : memref<8x8xf32, #tpu.memory_space<vmem>>[vector<16xi32>, vector<16xi32>], vector<16xf32>,
    %add3A_297 = arith.addf %add3A_291, %gather3A_296 : vector<16xf32>
    %get3A_298 = arith.constant 64 : index
    %get3A_299 = tpu.vector_load %arg18[%get3A_298] {strides = array<i32>} : memref<512xi32, #tpu.memory_space<vmem>>, vector<16xi32>,
    %get3A_300 = arith.constant 64 : index
    %get3A_301 = tpu.vector_load %arg22[%get3A_300] {strides = array<i32>} : memref<512xi32, #tpu.memory_space<vmem>>, vector<16xi32>,
    %gather3A_302 = tpu.vector_load_idx %arg26[%get3A_299, %get3A_301] : memref<17x17xf32, #tpu.memory_space<vmem>>[vector<16xi32>, vector<16xi32>], vector<16xf32>,
    %add3A_303 = arith.addf %add3A_297, %gather3A_302 : vector<16xf32>
    %neg3A_304 = arith.constant 0.000000e+00 : f32
    %neg3A_305 = vector.broadcast %neg3A_304 : f32 to vector<16xf32>
    %neg3A_306 = arith.subf %neg3A_305, %add3A_303 : vector<16xf32>
    %exp3A_307 = math.exp %neg3A_306 : vector<16xf32>
    %add3A_308 = arith.constant 1.000000e+00 : f32
    %add3A_309 = vector.broadcast %add3A_308 : f32 to vector<16xf32>
    %add3A_310 = arith.addf %add3A_309, %exp3A_307 : vector<16xf32>
    %div3A_311 = arith.constant 1.000000e+00 : f32
    %div3A_312 = vector.broadcast %div3A_311 : f32 to vector<16xf32>
    %div3A_313 = arith.divf %div3A_312, %add3A_310 : vector<16xf32>
    %swap3A_314 = arith.constant 64 : index
    %swap3A_315 = tpu.vector_load %arg27[%swap3A_314] {strides = array<i32>} : memref<512xf32, #tpu.memory_space<vmem>>, vector<16xf32>,
    tpu.vector_store %arg27[%swap3A_314], %div3A_313 {strides = array<i32>} : memref<512xf32, #tpu.memory_space<vmem>>, vector<16xf32>,
    %get3A_316 = arith.constant 80 : index
    %get3A_317 = tpu.vector_load %arg15[%get3A_316] {strides = array<i32>} : memref<512xi32, #tpu.memory_space<vmem>>, vector<16xi32>,
    %get3A_318 = arith.constant 80 : index
    %get3A_319 = tpu.vector_load %arg19[%get3A_318] {strides = array<i32>} : memref<512xi32, #tpu.memory_space<vmem>>, vector<16xi32>,
    %gather3A_320 = tpu.vector_load_idx %arg23[%get3A_317, %get3A_319] : memref<2x2xf32, #tpu.memory_space<vmem>>[vector<16xi32>, vector<16xi32>], vector<16xf32>,
    %get3A_321 = arith.constant 80 : index
    %get3A_322 = tpu.vector_load %arg17[%get3A_321] {strides = array<i32>} : memref<512xi32, #tpu.memory_space<vmem>>, vector<16xi32>,
    %get3A_323 = arith.constant 80 : index
    %get3A_324 = tpu.vector_load %arg21[%get3A_323] {strides = array<i32>} : memref<512xi32, #tpu.memory_space<vmem>>, vector<16xi32>,
    %gather3A_325 = tpu.vector_load_idx %arg24[%get3A_322, %get3A_324] : memref<7x7xf32, #tpu.memory_space<vmem>>[vector<16xi32>, vector<16xi32>], vector<16xf32>,
    %add3A_326 = arith.addf %gather3A_320, %gather3A_325 : vector<16xf32>
    %get3A_327 = arith.constant 80 : index
    %get3A_328 = tpu.vector_load %arg16[%get3A_327] {strides = array<i32>} : memref<512xi32, #tpu.memory_space<vmem>>, vector<16xi32>,
    %get3A_329 = arith.constant 80 : index
    %get3A_330 = tpu.vector_load %arg20[%get3A_329] {strides = array<i32>} : memref<512xi32, #tpu.memory_space<vmem>>, vector<16xi32>,
    %gather3A_331 = tpu.vector_load_idx %arg25[%get3A_328, %get3A_330] : memref<8x8xf32, #tpu.memory_space<vmem>>[vector<16xi32>, vector<16xi32>], vector<16xf32>,
    %add3A_332 = arith.addf %add3A_326, %gather3A_331 : vector<16xf32>
    %get3A_333 = arith.constant 80 : index
    %get3A_334 = tpu.vector_load %arg18[%get3A_333] {strides = array<i32>} : memref<512xi32, #tpu.memory_space<vmem>>, vector<16xi32>,
    %get3A_335 = arith.constant 80 : index
    %get3A_336 = tpu.vector_load %arg22[%get3A_335] {strides = array<i32>} : memref<512xi32, #tpu.memory_space<vmem>>, vector<16xi32>,
    %gather3A_337 = tpu.vector_load_idx %arg26[%get3A_334, %get3A_336] : memref<17x17xf32, #tpu.memory_space<vmem>>[vector<16xi32>, vector<16xi32>], vector<16xf32>,
    %add3A_338 = arith.addf %add3A_332, %gather3A_337 : vector<16xf32>
    %neg3A_339 = arith.constant 0.000000e+00 : f32
    %neg3A_340 = vector.broadcast %neg3A_339 : f32 to vector<16xf32>
    %neg3A_341 = arith.subf %neg3A_340, %add3A_338 : vector<16xf32>
    %exp3A_342 = math.exp %neg3A_341 : vector<16xf32>
    %add3A_343 = arith.constant 1.000000e+00 : f32
    %add3A_344 = vector.broadcast %add3A_343 : f32 to vector<16xf32>
    %add3A_345 = arith.addf %add3A_344, %exp3A_342 : vector<16xf32>
    %div3A_346 = arith.constant 1.000000e+00 : f32
    %div3A_347 = vector.broadcast %div3A_346 : f32 to vector<16xf32>
    %div3A_348 = arith.divf %div3A_347, %add3A_345 : vector<16xf32>
    %swap3A_349 = arith.constant 80 : index
    %swap3A_350 = tpu.vector_load %arg27[%swap3A_349] {strides = array<i32>} : memref<512xf32, #tpu.memory_space<vmem>>, vector<16xf32>,
    tpu.vector_store %arg27[%swap3A_349], %div3A_348 {strides = array<i32>} : memref<512xf32, #tpu.memory_space<vmem>>, vector<16xf32>,
    %get3A_351 = arith.constant 96 : index
    %get3A_352 = tpu.vector_load %arg15[%get3A_351] {strides = array<i32>} : memref<512xi32, #tpu.memory_space<vmem>>, vector<16xi32>,
    %get3A_353 = arith.constant 96 : index
    %get3A_354 = tpu.vector_load %arg19[%get3A_353] {strides = array<i32>} : memref<512xi32, #tpu.memory_space<vmem>>, vector<16xi32>,
    %gather3A_355 = tpu.vector_load_idx %arg23[%get3A_352, %get3A_354] : memref<2x2xf32, #tpu.memory_space<vmem>>[vector<16xi32>, vector<16xi32>], vector<16xf32>,
    %get3A_356 = arith.constant 96 : index
    %get3A_357 = tpu.vector_load %arg17[%get3A_356] {strides = array<i32>} : memref<512xi32, #tpu.memory_space<vmem>>, vector<16xi32>,
    %get3A_358 = arith.constant 96 : index
    %get3A_359 = tpu.vector_load %arg21[%get3A_358] {strides = array<i32>} : memref<512xi32, #tpu.memory_space<vmem>>, vector<16xi32>,
    %gather3A_360 = tpu.vector_load_idx %arg24[%get3A_357, %get3A_359] : memref<7x7xf32, #tpu.memory_space<vmem>>[vector<16xi32>, vector<16xi32>], vector<16xf32>,
    %add3A_361 = arith.addf %gather3A_355, %gather3A_360 : vector<16xf32>
    %get3A_362 = arith.constant 96 : index
    %get3A_363 = tpu.vector_load %arg16[%get3A_362] {strides = array<i32>} : memref<512xi32, #tpu.memory_space<vmem>>, vector<16xi32>,
    %get3A_364 = arith.constant 96 : index
    %get3A_365 = tpu.vector_load %arg20[%get3A_364] {strides = array<i32>} : memref<512xi32, #tpu.memory_space<vmem>>, vector<16xi32>,
    %gather3A_366 = tpu.vector_load_idx %arg25[%get3A_363, %get3A_365] : memref<8x8xf32, #tpu.memory_space<vmem>>[vector<16xi32>, vector<16xi32>], vector<16xf32>,
    %add3A_367 = arith.addf %add3A_361, %gather3A_366 : vector<16xf32>
    %get3A_368 = arith.constant 96 : index
    %get3A_369 = tpu.vector_load %arg18[%get3A_368] {strides = array<i32>} : memref<512xi32, #tpu.memory_space<vmem>>, vector<16xi32>,
    %get3A_370 = arith.constant 96 : index
    %get3A_371 = tpu.vector_load %arg22[%get3A_370] {strides = array<i32>} : memref<512xi32, #tpu.memory_space<vmem>>, vector<16xi32>,
    %gather3A_372 = tpu.vector_load_idx %arg26[%get3A_369, %get3A_371] : memref<17x17xf32, #tpu.memory_space<vmem>>[vector<16xi32>, vector<16xi32>], vector<16xf32>,
    %add3A_373 = arith.addf %add3A_367, %gather3A_372 : vector<16xf32>
    %neg3A_374 = arith.constant 0.000000e+00 : f32
    %neg3A_375 = vector.broadcast %neg3A_374 : f32 to vector<16xf32>
    %neg3A_376 = arith.subf %neg3A_375, %add3A_373 : vector<16xf32>
    %exp3A_377 = math.exp %neg3A_376 : vector<16xf32>
    %add3A_378 = arith.constant 1.000000e+00 : f32
    %add3A_379 = vector.broadcast %add3A_378 : f32 to vector<16xf32>
    %add3A_380 = arith.addf %add3A_379, %exp3A_377 : vector<16xf32>
    %div3A_381 = arith.constant 1.000000e+00 : f32
    %div3A_382 = vector.broadcast %div3A_381 : f32 to vector<16xf32>
    %div3A_383 = arith.divf %div3A_382, %add3A_380 : vector<16xf32>
    %swap3A_384 = arith.constant 96 : index
    %swap3A_385 = tpu.vector_load %arg27[%swap3A_384] {strides = array<i32>} : memref<512xf32, #tpu.memory_space<vmem>>, vector<16xf32>,
    tpu.vector_store %arg27[%swap3A_384], %div3A_383 {strides = array<i32>} : memref<512xf32, #tpu.memory_space<vmem>>, vector<16xf32>,
    %get3A_386 = arith.constant 112 : index
    %get3A_387 = tpu.vector_load %arg15[%get3A_386] {strides = array<i32>} : memref<512xi32, #tpu.memory_space<vmem>>, vector<16xi32>,
    %get3A_388 = arith.constant 112 : index
    %get3A_389 = tpu.vector_load %arg19[%get3A_388] {strides = array<i32>} : memref<512xi32, #tpu.memory_space<vmem>>, vector<16xi32>,
    %gather3A_390 = tpu.vector_load_idx %arg23[%get3A_387, %get3A_389] : memref<2x2xf32, #tpu.memory_space<vmem>>[vector<16xi32>, vector<16xi32>], vector<16xf32>,
    %get3A_391 = arith.constant 112 : index
    %get3A_392 = tpu.vector_load %arg17[%get3A_391] {strides = array<i32>} : memref<512xi32, #tpu.memory_space<vmem>>, vector<16xi32>,
    %get3A_393 = arith.constant 112 : index
    %get3A_394 = tpu.vector_load %arg21[%get3A_393] {strides = array<i32>} : memref<512xi32, #tpu.memory_space<vmem>>, vector<16xi32>,
    %gather3A_395 = tpu.vector_load_idx %arg24[%get3A_392, %get3A_394] : memref<7x7xf32, #tpu.memory_space<vmem>>[vector<16xi32>, vector<16xi32>], vector<16xf32>,
    %add3A_396 = arith.addf %gather3A_390, %gather3A_395 : vector<16xf32>
    %get3A_397 = arith.constant 112 : index
    %get3A_398 = tpu.vector_load %arg16[%get3A_397] {strides = array<i32>} : memref<512xi32, #tpu.memory_space<vmem>>, vector<16xi32>,
    %get3A_399 = arith.constant 112 : index
    %get3A_400 = tpu.vector_load %arg20[%get3A_399] {strides = array<i32>} : memref<512xi32, #tpu.memory_space<vmem>>, vector<16xi32>,
    %gather3A_401 = tpu.vector_load_idx %arg25[%get3A_398, %get3A_400] : memref<8x8xf32, #tpu.memory_space<vmem>>[vector<16xi32>, vector<16xi32>], vector<16xf32>,
    %add3A_402 = arith.addf %add3A_396, %gather3A_401 : vector<16xf32>
    %get3A_403 = arith.constant 112 : index
    %get3A_404 = tpu.vector_load %arg18[%get3A_403] {strides = array<i32>} : memref<512xi32, #tpu.memory_space<vmem>>, vector<16xi32>,
    %get3A_405 = arith.constant 112 : index
    %get3A_406 = tpu.vector_load %arg22[%get3A_405] {strides = array<i32>} : memref<512xi32, #tpu.memory_space<vmem>>, vector<16xi32>,
    %gather3A_407 = tpu.vector_load_idx %arg26[%get3A_404, %get3A_406] : memref<17x17xf32, #tpu.memory_space<vmem>>[vector<16xi32>, vector<16xi32>], vector<16xf32>,
    %add3A_408 = arith.addf %add3A_402, %gather3A_407 : vector<16xf32>
    %neg3A_409 = arith.constant 0.000000e+00 : f32
    %neg3A_410 = vector.broadcast %neg3A_409 : f32 to vector<16xf32>
    %neg3A_411 = arith.subf %neg3A_410, %add3A_408 : vector<16xf32>
    %exp3A_412 = math.exp %neg3A_411 : vector<16xf32>
    %add3A_413 = arith.constant 1.000000e+00 : f32
    %add3A_414 = vector.broadcast %add3A_413 : f32 to vector<16xf32>
    %add3A_415 = arith.addf %add3A_414, %exp3A_412 : vector<16xf32>
    %div3A_416 = arith.constant 1.000000e+00 : f32
    %div3A_417 = vector.broadcast %div3A_416 : f32 to vector<16xf32>
    %div3A_418 = arith.divf %div3A_417, %add3A_415 : vector<16xf32>
    %swap3A_419 = arith.constant 112 : index
    %swap3A_420 = tpu.vector_load %arg27[%swap3A_419] {strides = array<i32>} : memref<512xf32, #tpu.memory_space<vmem>>, vector<16xf32>,
    tpu.vector_store %arg27[%swap3A_419], %div3A_418 {strides = array<i32>} : memref<512xf32, #tpu.memory_space<vmem>>, vector<16xf32>,
    %get3A_421 = arith.constant 128 : index
    %get3A_422 = tpu.vector_load %arg15[%get3A_421] {strides = array<i32>} : memref<512xi32, #tpu.memory_space<vmem>>, vector<16xi32>,
    %get3A_423 = arith.constant 128 : index
    %get3A_424 = tpu.vector_load %arg19[%get3A_423] {strides = array<i32>} : memref<512xi32, #tpu.memory_space<vmem>>, vector<16xi32>,
    %gather3A_425 = tpu.vector_load_idx %arg23[%get3A_422, %get3A_424] : memref<2x2xf32, #tpu.memory_space<vmem>>[vector<16xi32>, vector<16xi32>], vector<16xf32>,
    %get3A_426 = arith.constant 128 : index
    %get3A_427 = tpu.vector_load %arg17[%get3A_426] {strides = array<i32>} : memref<512xi32, #tpu.memory_space<vmem>>, vector<16xi32>,
    %get3A_428 = arith.constant 128 : index
    %get3A_429 = tpu.vector_load %arg21[%get3A_428] {strides = array<i32>} : memref<512xi32, #tpu.memory_space<vmem>>, vector<16xi32>,
    %gather3A_430 = tpu.vector_load_idx %arg24[%get3A_427, %get3A_429] : memref<7x7xf32, #tpu.memory_space<vmem>>[vector<16xi32>, vector<16xi32>], vector<16xf32>,
    %add3A_431 = arith.addf %gather3A_425, %gather3A_430 : vector<16xf32>
    %get3A_432 = arith.constant 128 : index
    %get3A_433 = tpu.vector_load %arg16[%get3A_432] {strides = array<i32>} : memref<512xi32, #tpu.memory_space<vmem>>, vector<16xi32>,
    %get3A_434 = arith.constant 128 : index
    %get3A_435 = tpu.vector_load %arg20[%get3A_434] {strides = array<i32>} : memref<512xi32, #tpu.memory_space<vmem>>, vector<16xi32>,
    %gather3A_436 = tpu.vector_load_idx %arg25[%get3A_433, %get3A_435] : memref<8x8xf32, #tpu.memory_space<vmem>>[vector<16xi32>, vector<16xi32>], vector<16xf32>,
    %add3A_437 = arith.addf %add3A_431, %gather3A_436 : vector<16xf32>
    %get3A_438 = arith.constant 128 : index
    %get3A_439 = tpu.vector_load %arg18[%get3A_438] {strides = array<i32>} : memref<512xi32, #tpu.memory_space<vmem>>, vector<16xi32>,
    %get3A_440 = arith.constant 128 : index
    %get3A_441 = tpu.vector_load %arg22[%get3A_440] {strides = array<i32>} : memref<512xi32, #tpu.memory_space<vmem>>, vector<16xi32>,
    %gather3A_442 = tpu.vector_load_idx %arg26[%get3A_439, %get3A_441] : memref<17x17xf32, #tpu.memory_space<vmem>>[vector<16xi32>, vector<16xi32>], vector<16xf32>,
    %add3A_443 = arith.addf %add3A_437, %gather3A_442 : vector<16xf32>
    %neg3A_444 = arith.constant 0.000000e+00 : f32
    %neg3A_445 = vector.broadcast %neg3A_444 : f32 to vector<16xf32>
    %neg3A_446 = arith.subf %neg3A_445, %add3A_443 : vector<16xf32>
    %exp3A_447 = math.exp %neg3A_446 : vector<16xf32>
    %add3A_448 = arith.constant 1.000000e+00 : f32
    %add3A_449 = vector.broadcast %add3A_448 : f32 to vector<16xf32>
    %add3A_450 = arith.addf %add3A_449, %exp3A_447 : vector<16xf32>
    %div3A_451 = arith.constant 1.000000e+00 : f32
    %div3A_452 = vector.broadcast %div3A_451 : f32 to vector<16xf32>
    %div3A_453 = arith.divf %div3A_452, %add3A_450 : vector<16xf32>
    %swap3A_454 = arith.constant 128 : index
    %swap3A_455 = tpu.vector_load %arg27[%swap3A_454] {strides = array<i32>} : memref<512xf32, #tpu.memory_space<vmem>>, vector<16xf32>,
    tpu.vector_store %arg27[%swap3A_454], %div3A_453 {strides = array<i32>} : memref<512xf32, #tpu.memory_space<vmem>>, vector<16xf32>,
    %get3A_456 = arith.constant 144 : index
    %get3A_457 = tpu.vector_load %arg15[%get3A_456] {strides = array<i32>} : memref<512xi32, #tpu.memory_space<vmem>>, vector<16xi32>,
    %get3A_458 = arith.constant 144 : index
    %get3A_459 = tpu.vector_load %arg19[%get3A_458] {strides = array<i32>} : memref<512xi32, #tpu.memory_space<vmem>>, vector<16xi32>,
    %gather3A_460 = tpu.vector_load_idx %arg23[%get3A_457, %get3A_459] : memref<2x2xf32, #tpu.memory_space<vmem>>[vector<16xi32>, vector<16xi32>], vector<16xf32>,
    %get3A_461 = arith.constant 144 : index
    %get3A_462 = tpu.vector_load %arg17[%get3A_461] {strides = array<i32>} : memref<512xi32, #tpu.memory_space<vmem>>, vector<16xi32>,
    %get3A_463 = arith.constant 144 : index
    %get3A_464 = tpu.vector_load %arg21[%get3A_463] {strides = array<i32>} : memref<512xi32, #tpu.memory_space<vmem>>, vector<16xi32>,
    %gather3A_465 = tpu.vector_load_idx %arg24[%get3A_462, %get3A_464] : memref<7x7xf32, #tpu.memory_space<vmem>>[vector<16xi32>, vector<16xi32>], vector<16xf32>,
    %add3A_466 = arith.addf %gather3A_460, %gather3A_465 : vector<16xf32>
    %get3A_467 = arith.constant 144 : index
    %get3A_468 = tpu.vector_load %arg16[%get3A_467] {strides = array<i32>} : memref<512xi32, #tpu.memory_space<vmem>>, vector<16xi32>,
    %get3A_469 = arith.constant 144 : index
    %get3A_470 = tpu.vector_load %arg20[%get3A_469] {strides = array<i32>} : memref<512xi32, #tpu.memory_space<vmem>>, vector<16xi32>,
    %gather3A_471 = tpu.vector_load_idx %arg25[%get3A_468, %get3A_470] : memref<8x8xf32, #tpu.memory_space<vmem>>[vector<16xi32>, vector<16xi32>], vector<16xf32>,
    %add3A_472 = arith.addf %add3A_466, %gather3A_471 : vector<16xf32>
    %get3A_473 = arith.constant 144 : index
    %get3A_474 = tpu.vector_load %arg18[%get3A_473] {strides = array<i32>} : memref<512xi32, #tpu.memory_space<vmem>>, vector<16xi32>,
    %get3A_475 = arith.constant 144 : index
    %get3A_476 = tpu.vector_load %arg22[%get3A_475] {strides = array<i32>} : memref<512xi32, #tpu.memory_space<vmem>>, vector<16xi32>,
    %gather3A_477 = tpu.vector_load_idx %arg26[%get3A_474, %get3A_476] : memref<17x17xf32, #tpu.memory_space<vmem>>[vector<16xi32>, vector<16xi32>], vector<16xf32>,
    %add3A_478 = arith.addf %add3A_472, %gather3A_477 : vector<16xf32>
    %neg3A_479 = arith.constant 0.000000e+00 : f32
    %neg3A_480 = vector.broadcast %neg3A_479 : f32 to vector<16xf32>
    %neg3A_481 = arith.subf %neg3A_480, %add3A_478 : vector<16xf32>
    %exp3A_482 = math.exp %neg3A_481 : vector<16xf32>
    %add3A_483 = arith.constant 1.000000e+00 : f32
    %add3A_484 = vector.broadcast %add3A_483 : f32 to vector<16xf32>
    %add3A_485 = arith.addf %add3A_484, %exp3A_482 : vector<16xf32>
    %div3A_486 = arith.constant 1.000000e+00 : f32
    %div3A_487 = vector.broadcast %div3A_486 : f32 to vector<16xf32>
    %div3A_488 = arith.divf %div3A_487, %add3A_485 : vector<16xf32>
    %swap3A_489 = arith.constant 144 : index
    %swap3A_490 = tpu.vector_load %arg27[%swap3A_489] {strides = array<i32>} : memref<512xf32, #tpu.memory_space<vmem>>, vector<16xf32>,
    tpu.vector_store %arg27[%swap3A_489], %div3A_488 {strides = array<i32>} : memref<512xf32, #tpu.memory_space<vmem>>, vector<16xf32>,
    %get3A_491 = arith.constant 160 : index
    %get3A_492 = tpu.vector_load %arg15[%get3A_491] {strides = array<i32>} : memref<512xi32, #tpu.memory_space<vmem>>, vector<16xi32>,
    %get3A_493 = arith.constant 160 : index
    %get3A_494 = tpu.vector_load %arg19[%get3A_493] {strides = array<i32>} : memref<512xi32, #tpu.memory_space<vmem>>, vector<16xi32>,
    %gather3A_495 = tpu.vector_load_idx %arg23[%get3A_492, %get3A_494] : memref<2x2xf32, #tpu.memory_space<vmem>>[vector<16xi32>, vector<16xi32>], vector<16xf32>,
    %get3A_496 = arith.constant 160 : index
    %get3A_497 = tpu.vector_load %arg17[%get3A_496] {strides = array<i32>} : memref<512xi32, #tpu.memory_space<vmem>>, vector<16xi32>,
    %get3A_498 = arith.constant 160 : index
    %get3A_499 = tpu.vector_load %arg21[%get3A_498] {strides = array<i32>} : memref<512xi32, #tpu.memory_space<vmem>>, vector<16xi32>,
    %gather3A_500 = tpu.vector_load_idx %arg24[%get3A_497, %get3A_499] : memref<7x7xf32, #tpu.memory_space<vmem>>[vector<16xi32>, vector<16xi32>], vector<16xf32>,
    %add3A_501 = arith.addf %gather3A_495, %gather3A_500 : vector<16xf32>
    %get3A_502 = arith.constant 160 : index
    %get3A_503 = tpu.vector_load %arg16[%get3A_502] {strides = array<i32>} : memref<512xi32, #tpu.memory_space<vmem>>, vector<16xi32>,
    %get3A_504 = arith.constant 160 : index
    %get3A_505 = tpu.vector_load %arg20[%get3A_504] {strides = array<i32>} : memref<512xi32, #tpu.memory_space<vmem>>, vector<16xi32>,
    %gather3A_506 = tpu.vector_load_idx %arg25[%get3A_503, %get3A_505] : memref<8x8xf32, #tpu.memory_space<vmem>>[vector<16xi32>, vector<16xi32>], vector<16xf32>,
    %add3A_507 = arith.addf %add3A_501, %gather3A_506 : vector<16xf32>
    %get3A_508 = arith.constant 160 : index
    %get3A_509 = tpu.vector_load %arg18[%get3A_508] {strides = array<i32>} : memref<512xi32, #tpu.memory_space<vmem>>, vector<16xi32>,
    %get3A_510 = arith.constant 160 : index
    %get3A_511 = tpu.vector_load %arg22[%get3A_510] {strides = array<i32>} : memref<512xi32, #tpu.memory_space<vmem>>, vector<16xi32>,
    %gather3A_512 = tpu.vector_load_idx %arg26[%get3A_509, %get3A_511] : memref<17x17xf32, #tpu.memory_space<vmem>>[vector<16xi32>, vector<16xi32>], vector<16xf32>,
    %add3A_513 = arith.addf %add3A_507, %gather3A_512 : vector<16xf32>
    %neg3A_514 = arith.constant 0.000000e+00 : f32
    %neg3A_515 = vector.broadcast %neg3A_514 : f32 to vector<16xf32>
    %neg3A_516 = arith.subf %neg3A_515, %add3A_513 : vector<16xf32>
    %exp3A_517 = math.exp %neg3A_516 : vector<16xf32>
    %add3A_518 = arith.constant 1.000000e+00 : f32
    %add3A_519 = vector.broadcast %add3A_518 : f32 to vector<16xf32>
    %add3A_520 = arith.addf %add3A_519, %exp3A_517 : vector<16xf32>
    %div3A_521 = arith.constant 1.000000e+00 : f32
    %div3A_522 = vector.broadcast %div3A_521 : f32 to vector<16xf32>
    %div3A_523 = arith.divf %div3A_522, %add3A_520 : vector<16xf32>
    %swap3A_524 = arith.constant 160 : index
    %swap3A_525 = tpu.vector_load %arg27[%swap3A_524] {strides = array<i32>} : memref<512xf32, #tpu.memory_space<vmem>>, vector<16xf32>,
    tpu.vector_store %arg27[%swap3A_524], %div3A_523 {strides = array<i32>} : memref<512xf32, #tpu.memory_space<vmem>>, vector<16xf32>,
    %get3A_526 = arith.constant 176 : index
    %get3A_527 = tpu.vector_load %arg15[%get3A_526] {strides = array<i32>} : memref<512xi32, #tpu.memory_space<vmem>>, vector<16xi32>,
    %get3A_528 = arith.constant 176 : index
    %get3A_529 = tpu.vector_load %arg19[%get3A_528] {strides = array<i32>} : memref<512xi32, #tpu.memory_space<vmem>>, vector<16xi32>,
    %gather3A_530 = tpu.vector_load_idx %arg23[%get3A_527, %get3A_529] : memref<2x2xf32, #tpu.memory_space<vmem>>[vector<16xi32>, vector<16xi32>], vector<16xf32>,
    %get3A_531 = arith.constant 176 : index
    %get3A_532 = tpu.vector_load %arg17[%get3A_531] {strides = array<i32>} : memref<512xi32, #tpu.memory_space<vmem>>, vector<16xi32>,
    %get3A_533 = arith.constant 176 : index
    %get3A_534 = tpu.vector_load %arg21[%get3A_533] {strides = array<i32>} : memref<512xi32, #tpu.memory_space<vmem>>, vector<16xi32>,
    %gather3A_535 = tpu.vector_load_idx %arg24[%get3A_532, %get3A_534] : memref<7x7xf32, #tpu.memory_space<vmem>>[vector<16xi32>, vector<16xi32>], vector<16xf32>,
    %add3A_536 = arith.addf %gather3A_530, %gather3A_535 : vector<16xf32>
    %get3A_537 = arith.constant 176 : index
    %get3A_538 = tpu.vector_load %arg16[%get3A_537] {strides = array<i32>} : memref<512xi32, #tpu.memory_space<vmem>>, vector<16xi32>,
    %get3A_539 = arith.constant 176 : index
    %get3A_540 = tpu.vector_load %arg20[%get3A_539] {strides = array<i32>} : memref<512xi32, #tpu.memory_space<vmem>>, vector<16xi32>,
    %gather3A_541 = tpu.vector_load_idx %arg25[%get3A_538, %get3A_540] : memref<8x8xf32, #tpu.memory_space<vmem>>[vector<16xi32>, vector<16xi32>], vector<16xf32>,
    %add3A_542 = arith.addf %add3A_536, %gather3A_541 : vector<16xf32>
    %get3A_543 = arith.constant 176 : index
    %get3A_544 = tpu.vector_load %arg18[%get3A_543] {strides = array<i32>} : memref<512xi32, #tpu.memory_space<vmem>>, vector<16xi32>,
    %get3A_545 = arith.constant 176 : index
    %get3A_546 = tpu.vector_load %arg22[%get3A_545] {strides = array<i32>} : memref<512xi32, #tpu.memory_space<vmem>>, vector<16xi32>,
    %gather3A_547 = tpu.vector_load_idx %arg26[%get3A_544, %get3A_546] : memref<17x17xf32, #tpu.memory_space<vmem>>[vector<16xi32>, vector<16xi32>], vector<16xf32>,
    %add3A_548 = arith.addf %add3A_542, %gather3A_547 : vector<16xf32>
    %neg3A_549 = arith.constant 0.000000e+00 : f32
    %neg3A_550 = vector.broadcast %neg3A_549 : f32 to vector<16xf32>
    %neg3A_551 = arith.subf %neg3A_550, %add3A_548 : vector<16xf32>
    %exp3A_552 = math.exp %neg3A_551 : vector<16xf32>
    %add3A_553 = arith.constant 1.000000e+00 : f32
    %add3A_554 = vector.broadcast %add3A_553 : f32 to vector<16xf32>
    %add3A_555 = arith.addf %add3A_554, %exp3A_552 : vector<16xf32>
    %div3A_556 = arith.constant 1.000000e+00 : f32
    %div3A_557 = vector.broadcast %div3A_556 : f32 to vector<16xf32>
    %div3A_558 = arith.divf %div3A_557, %add3A_555 : vector<16xf32>
    %swap3A_559 = arith.constant 176 : index
    %swap3A_560 = tpu.vector_load %arg27[%swap3A_559] {strides = array<i32>} : memref<512xf32, #tpu.memory_space<vmem>>, vector<16xf32>,
    tpu.vector_store %arg27[%swap3A_559], %div3A_558 {strides = array<i32>} : memref<512xf32, #tpu.memory_space<vmem>>, vector<16xf32>,
    %get3A_561 = arith.constant 192 : index
    %get3A_562 = tpu.vector_load %arg15[%get3A_561] {strides = array<i32>} : memref<512xi32, #tpu.memory_space<vmem>>, vector<16xi32>,
    %get3A_563 = arith.constant 192 : index
    %get3A_564 = tpu.vector_load %arg19[%get3A_563] {strides = array<i32>} : memref<512xi32, #tpu.memory_space<vmem>>, vector<16xi32>,
    %gather3A_565 = tpu.vector_load_idx %arg23[%get3A_562, %get3A_564] : memref<2x2xf32, #tpu.memory_space<vmem>>[vector<16xi32>, vector<16xi32>], vector<16xf32>,
    %get3A_566 = arith.constant 192 : index
    %get3A_567 = tpu.vector_load %arg17[%get3A_566] {strides = array<i32>} : memref<512xi32, #tpu.memory_space<vmem>>, vector<16xi32>,
    %get3A_568 = arith.constant 192 : index
    %get3A_569 = tpu.vector_load %arg21[%get3A_568] {strides = array<i32>} : memref<512xi32, #tpu.memory_space<vmem>>, vector<16xi32>,
    %gather3A_570 = tpu.vector_load_idx %arg24[%get3A_567, %get3A_569] : memref<7x7xf32, #tpu.memory_space<vmem>>[vector<16xi32>, vector<16xi32>], vector<16xf32>,
    %add3A_571 = arith.addf %gather3A_565, %gather3A_570 : vector<16xf32>
    %get3A_572 = arith.constant 192 : index
    %get3A_573 = tpu.vector_load %arg16[%get3A_572] {strides = array<i32>} : memref<512xi32, #tpu.memory_space<vmem>>, vector<16xi32>,
    %get3A_574 = arith.constant 192 : index
    %get3A_575 = tpu.vector_load %arg20[%get3A_574] {strides = array<i32>} : memref<512xi32, #tpu.memory_space<vmem>>, vector<16xi32>,
    %gather3A_576 = tpu.vector_load_idx %arg25[%get3A_573, %get3A_575] : memref<8x8xf32, #tpu.memory_space<vmem>>[vector<16xi32>, vector<16xi32>], vector<16xf32>,
    %add3A_577 = arith.addf %add3A_571, %gather3A_576 : vector<16xf32>
    %get3A_578 = arith.constant 192 : index
    %get3A_579 = tpu.vector_load %arg18[%get3A_578] {strides = array<i32>} : memref<512xi32, #tpu.memory_space<vmem>>, vector<16xi32>,
    %get3A_580 = arith.constant 192 : index
    %get3A_581 = tpu.vector_load %arg22[%get3A_580] {strides = array<i32>} : memref<512xi32, #tpu.memory_space<vmem>>, vector<16xi32>,
    %gather3A_582 = tpu.vector_load_idx %arg26[%get3A_579, %get3A_581] : memref<17x17xf32, #tpu.memory_space<vmem>>[vector<16xi32>, vector<16xi32>], vector<16xf32>,
    %add3A_583 = arith.addf %add3A_577, %gather3A_582 : vector<16xf32>
    %neg3A_584 = arith.constant 0.000000e+00 : f32
    %neg3A_585 = vector.broadcast %neg3A_584 : f32 to vector<16xf32>
    %neg3A_586 = arith.subf %neg3A_585, %add3A_583 : vector<16xf32>
    %exp3A_587 = math.exp %neg3A_586 : vector<16xf32>
    %add3A_588 = arith.constant 1.000000e+00 : f32
    %add3A_589 = vector.broadcast %add3A_588 : f32 to vector<16xf32>
    %add3A_590 = arith.addf %add3A_589, %exp3A_587 : vector<16xf32>
    %div3A_591 = arith.constant 1.000000e+00 : f32
    %div3A_592 = vector.broadcast %div3A_591 : f32 to vector<16xf32>
    %div3A_593 = arith.divf %div3A_592, %add3A_590 : vector<16xf32>
    %swap3A_594 = arith.constant 192 : index
    %swap3A_595 = tpu.vector_load %arg27[%swap3A_594] {strides = array<i32>} : memref<512xf32, #tpu.memory_space<vmem>>, vector<16xf32>,
    tpu.vector_store %arg27[%swap3A_594], %div3A_593 {strides = array<i32>} : memref<512xf32, #tpu.memory_space<vmem>>, vector<16xf32>,
    %get3A_596 = arith.constant 208 : index
    %get3A_597 = tpu.vector_load %arg15[%get3A_596] {strides = array<i32>} : memref<512xi32, #tpu.memory_space<vmem>>, vector<16xi32>,
    %get3A_598 = arith.constant 208 : index
    %get3A_599 = tpu.vector_load %arg19[%get3A_598] {strides = array<i32>} : memref<512xi32, #tpu.memory_space<vmem>>, vector<16xi32>,
    %gather3A_600 = tpu.vector_load_idx %arg23[%get3A_597, %get3A_599] : memref<2x2xf32, #tpu.memory_space<vmem>>[vector<16xi32>, vector<16xi32>], vector<16xf32>,
    %get3A_601 = arith.constant 208 : index
    %get3A_602 = tpu.vector_load %arg17[%get3A_601] {strides = array<i32>} : memref<512xi32, #tpu.memory_space<vmem>>, vector<16xi32>,
    %get3A_603 = arith.constant 208 : index
    %get3A_604 = tpu.vector_load %arg21[%get3A_603] {strides = array<i32>} : memref<512xi32, #tpu.memory_space<vmem>>, vector<16xi32>,
    %gather3A_605 = tpu.vector_load_idx %arg24[%get3A_602, %get3A_604] : memref<7x7xf32, #tpu.memory_space<vmem>>[vector<16xi32>, vector<16xi32>], vector<16xf32>,
    %add3A_606 = arith.addf %gather3A_600, %gather3A_605 : vector<16xf32>
    %get3A_607 = arith.constant 208 : index
    %get3A_608 = tpu.vector_load %arg16[%get3A_607] {strides = array<i32>} : memref<512xi32, #tpu.memory_space<vmem>>, vector<16xi32>,
    %get3A_609 = arith.constant 208 : index
    %get3A_610 = tpu.vector_load %arg20[%get3A_609] {strides = array<i32>} : memref<512xi32, #tpu.memory_space<vmem>>, vector<16xi32>,
    %gather3A_611 = tpu.vector_load_idx %arg25[%get3A_608, %get3A_610] : memref<8x8xf32, #tpu.memory_space<vmem>>[vector<16xi32>, vector<16xi32>], vector<16xf32>,
    %add3A_612 = arith.addf %add3A_606, %gather3A_611 : vector<16xf32>
    %get3A_613 = arith.constant 208 : index
    %get3A_614 = tpu.vector_load %arg18[%get3A_613] {strides = array<i32>} : memref<512xi32, #tpu.memory_space<vmem>>, vector<16xi32>,
    %get3A_615 = arith.constant 208 : index
    %get3A_616 = tpu.vector_load %arg22[%get3A_615] {strides = array<i32>} : memref<512xi32, #tpu.memory_space<vmem>>, vector<16xi32>,
    %gather3A_617 = tpu.vector_load_idx %arg26[%get3A_614, %get3A_616] : memref<17x17xf32, #tpu.memory_space<vmem>>[vector<16xi32>, vector<16xi32>], vector<16xf32>,
    %add3A_618 = arith.addf %add3A_612, %gather3A_617 : vector<16xf32>
    %neg3A_619 = arith.constant 0.000000e+00 : f32
    %neg3A_620 = vector.broadcast %neg3A_619 : f32 to vector<16xf32>
    %neg3A_621 = arith.subf %neg3A_620, %add3A_618 : vector<16xf32>
    %exp3A_622 = math.exp %neg3A_621 : vector<16xf32>
    %add3A_623 = arith.constant 1.000000e+00 : f32
    %add3A_624 = vector.broadcast %add3A_623 : f32 to vector<16xf32>
    %add3A_625 = arith.addf %add3A_624, %exp3A_622 : vector<16xf32>
    %div3A_626 = arith.constant 1.000000e+00 : f32
    %div3A_627 = vector.broadcast %div3A_626 : f32 to vector<16xf32>
    %div3A_628 = arith.divf %div3A_627, %add3A_625 : vector<16xf32>
    %swap3A_629 = arith.constant 208 : index
    %swap3A_630 = tpu.vector_load %arg27[%swap3A_629] {strides = array<i32>} : memref<512xf32, #tpu.memory_space<vmem>>, vector<16xf32>,
    tpu.vector_store %arg27[%swap3A_629], %div3A_628 {strides = array<i32>} : memref<512xf32, #tpu.memory_space<vmem>>, vector<16xf32>,
    %get3A_631 = arith.constant 224 : index
    %get3A_632 = tpu.vector_load %arg15[%get3A_631] {strides = array<i32>} : memref<512xi32, #tpu.memory_space<vmem>>, vector<16xi32>,
    %get3A_633 = arith.constant 224 : index
    %get3A_634 = tpu.vector_load %arg19[%get3A_633] {strides = array<i32>} : memref<512xi32, #tpu.memory_space<vmem>>, vector<16xi32>,
    %gather3A_635 = tpu.vector_load_idx %arg23[%get3A_632, %get3A_634] : memref<2x2xf32, #tpu.memory_space<vmem>>[vector<16xi32>, vector<16xi32>], vector<16xf32>,
    %get3A_636 = arith.constant 224 : index
    %get3A_637 = tpu.vector_load %arg17[%get3A_636] {strides = array<i32>} : memref<512xi32, #tpu.memory_space<vmem>>, vector<16xi32>,
    %get3A_638 = arith.constant 224 : index
    %get3A_639 = tpu.vector_load %arg21[%get3A_638] {strides = array<i32>} : memref<512xi32, #tpu.memory_space<vmem>>, vector<16xi32>,
    %gather3A_640 = tpu.vector_load_idx %arg24[%get3A_637, %get3A_639] : memref<7x7xf32, #tpu.memory_space<vmem>>[vector<16xi32>, vector<16xi32>], vector<16xf32>,
    %add3A_641 = arith.addf %gather3A_635, %gather3A_640 : vector<16xf32>
    %get3A_642 = arith.constant 224 : index
    %get3A_643 = tpu.vector_load %arg16[%get3A_642] {strides = array<i32>} : memref<512xi32, #tpu.memory_space<vmem>>, vector<16xi32>,
    %get3A_644 = arith.constant 224 : index
    %get3A_645 = tpu.vector_load %arg20[%get3A_644] {strides = array<i32>} : memref<512xi32, #tpu.memory_space<vmem>>, vector<16xi32>,
    %gather3A_646 = tpu.vector_load_idx %arg25[%get3A_643, %get3A_645] : memref<8x8xf32, #tpu.memory_space<vmem>>[vector<16xi32>, vector<16xi32>], vector<16xf32>,
    %add3A_647 = arith.addf %add3A_641, %gather3A_646 : vector<16xf32>
    %get3A_648 = arith.constant 224 : index
    %get3A_649 = tpu.vector_load %arg18[%get3A_648] {strides = array<i32>} : memref<512xi32, #tpu.memory_space<vmem>>, vector<16xi32>,
    %get3A_650 = arith.constant 224 : index
    %get3A_651 = tpu.vector_load %arg22[%get3A_650] {strides = array<i32>} : memref<512xi32, #tpu.memory_space<vmem>>, vector<16xi32>,
    %gather3A_652 = tpu.vector_load_idx %arg26[%get3A_649, %get3A_651] : memref<17x17xf32, #tpu.memory_space<vmem>>[vector<16xi32>, vector<16xi32>], vector<16xf32>,
    %add3A_653 = arith.addf %add3A_647, %gather3A_652 : vector<16xf32>
    %neg3A_654 = arith.constant 0.000000e+00 : f32
    %neg3A_655 = vector.broadcast %neg3A_654 : f32 to vector<16xf32>
    %neg3A_656 = arith.subf %neg3A_655, %add3A_653 : vector<16xf32>
    %exp3A_657 = math.exp %neg3A_656 : vector<16xf32>
    %add3A_658 = arith.constant 1.000000e+00 : f32
    %add3A_659 = vector.broadcast %add3A_658 : f32 to vector<16xf32>
    %add3A_660 = arith.addf %add3A_659, %exp3A_657 : vector<16xf32>
    %div3A_661 = arith.constant 1.000000e+00 : f32
    %div3A_662 = vector.broadcast %div3A_661 : f32 to vector<16xf32>
    %div3A_663 = arith.divf %div3A_662, %add3A_660 : vector<16xf32>
    %swap3A_664 = arith.constant 224 : index
    %swap3A_665 = tpu.vector_load %arg27[%swap3A_664] {strides = array<i32>} : memref<512xf32, #tpu.memory_space<vmem>>, vector<16xf32>,
    tpu.vector_store %arg27[%swap3A_664], %div3A_663 {strides = array<i32>} : memref<512xf32, #tpu.memory_space<vmem>>, vector<16xf32>,
    %get3A_666 = arith.constant 240 : index
    %get3A_667 = tpu.vector_load %arg15[%get3A_666] {strides = array<i32>} : memref<512xi32, #tpu.memory_space<vmem>>, vector<16xi32>,
    %get3A_668 = arith.constant 240 : index
    %get3A_669 = tpu.vector_load %arg19[%get3A_668] {strides = array<i32>} : memref<512xi32, #tpu.memory_space<vmem>>, vector<16xi32>,
    %gather3A_670 = tpu.vector_load_idx %arg23[%get3A_667, %get3A_669] : memref<2x2xf32, #tpu.memory_space<vmem>>[vector<16xi32>, vector<16xi32>], vector<16xf32>,
    %get3A_671 = arith.constant 240 : index
    %get3A_672 = tpu.vector_load %arg17[%get3A_671] {strides = array<i32>} : memref<512xi32, #tpu.memory_space<vmem>>, vector<16xi32>,
    %get3A_673 = arith.constant 240 : index
    %get3A_674 = tpu.vector_load %arg21[%get3A_673] {strides = array<i32>} : memref<512xi32, #tpu.memory_space<vmem>>, vector<16xi32>,
    %gather3A_675 = tpu.vector_load_idx %arg24[%get3A_672, %get3A_674] : memref<7x7xf32, #tpu.memory_space<vmem>>[vector<16xi32>, vector<16xi32>], vector<16xf32>,
    %add3A_676 = arith.addf %gather3A_670, %gather3A_675 : vector<16xf32>
    %get3A_677 = arith.constant 240 : index
    %get3A_678 = tpu.vector_load %arg16[%get3A_677] {strides = array<i32>} : memref<512xi32, #tpu.memory_space<vmem>>, vector<16xi32>,
    %get3A_679 = arith.constant 240 : index
    %get3A_680 = tpu.vector_load %arg20[%get3A_679] {strides = array<i32>} : memref<512xi32, #tpu.memory_space<vmem>>, vector<16xi32>,
    %gather3A_681 = tpu.vector_load_idx %arg25[%get3A_678, %get3A_680] : memref<8x8xf32, #tpu.memory_space<vmem>>[vector<16xi32>, vector<16xi32>], vector<16xf32>,
    %add3A_682 = arith.addf %add3A_676, %gather3A_681 : vector<16xf32>
    %get3A_683 = arith.constant 240 : index
    %get3A_684 = tpu.vector_load %arg18[%get3A_683] {strides = array<i32>} : memref<512xi32, #tpu.memory_space<vmem>>, vector<16xi32>,
    %get3A_685 = arith.constant 240 : index
    %get3A_686 = tpu.vector_load %arg22[%get3A_685] {strides = array<i32>} : memref<512xi32, #tpu.memory_space<vmem>>, vector<16xi32>,
    %gather3A_687 = tpu.vector_load_idx %arg26[%get3A_684, %get3A_686] : memref<17x17xf32, #tpu.memory_space<vmem>>[vector<16xi32>, vector<16xi32>], vector<16xf32>,
    %add3A_688 = arith.addf %add3A_682, %gather3A_687 : vector<16xf32>
    %neg3A_689 = arith.constant 0.000000e+00 : f32
    %neg3A_690 = vector.broadcast %neg3A_689 : f32 to vector<16xf32>
    %neg3A_691 = arith.subf %neg3A_690, %add3A_688 : vector<16xf32>
    %exp3A_692 = math.exp %neg3A_691 : vector<16xf32>
    %add3A_693 = arith.constant 1.000000e+00 : f32
    %add3A_694 = vector.broadcast %add3A_693 : f32 to vector<16xf32>
    %add3A_695 = arith.addf %add3A_694, %exp3A_692 : vector<16xf32>
    %div3A_696 = arith.constant 1.000000e+00 : f32
    %div3A_697 = vector.broadcast %div3A_696 : f32 to vector<16xf32>
    %div3A_698 = arith.divf %div3A_697, %add3A_695 : vector<16xf32>
    %swap3A_699 = arith.constant 240 : index
    %swap3A_700 = tpu.vector_load %arg27[%swap3A_699] {strides = array<i32>} : memref<512xf32, #tpu.memory_space<vmem>>, vector<16xf32>,
    tpu.vector_store %arg27[%swap3A_699], %div3A_698 {strides = array<i32>} : memref<512xf32, #tpu.memory_space<vmem>>, vector<16xf32>,
    %dma_start3A_701 = arith.constant 0 : i32
    %dma_start3A_702 = tpu.memref_slice %arg27[%dma_start3A_701] : memref<512xf32, #tpu.memory_space<vmem>> -> memref<256xf32, #tpu.memory_space<vmem>>
    %dma_start3A_703 = tpu.memref_slice %arg14[%mul3A_2] : memref<16384xf32, #tpu.memory_space<hbm>> -> memref<256xf32, #tpu.memory_space<hbm>>
    %dma_start3A_704 = tpu.memref_slice %arg14[%mul3A_2] : memref<16384xf32, #tpu.memory_space<hbm>> -> memref<256xf32, #tpu.memory_space<hbm>>
    %dma_start3A_705 = arith.constant 0 : i32
    %dma_start3A_706 = tpu.memref_slice %arg27[%dma_start3A_705] : memref<512xf32, #tpu.memory_space<vmem>> -> memref<256xf32, #tpu.memory_space<vmem>>
    tpu.enqueue_dma source(%dma_start3A_706 : memref<256xf32, #tpu.memory_space<vmem>>) target(%dma_start3A_704 : memref<256xf32, #tpu.memory_space<hbm>>) target_semaphore(%arg28 : memref<!tpu.dma_semaphore, #tpu.memory_space<semaphore_mem>>)
    %dma_wait3A_707 = arith.constant 256 : i32
    %dma_wait3A_708 = tpu.memref_slice %arg15[%dma_wait3A_707] : memref<512xi32, #tpu.memory_space<vmem>> -> memref<256xi32, #tpu.memory_space<vmem>>
    %dma_wait3A_709 = tpu.memref_slice %arg2[%add3A_4] : memref<16384xi32, #tpu.memory_space<hbm>> -> memref<256xi32, #tpu.memory_space<hbm>>
    %dma_wait3A_710 = arith.constant 256 : i32
    %dma_wait3A_711 = tpu.memref_slice %arg15[%dma_wait3A_710] : memref<512xi32, #tpu.memory_space<vmem>> -> memref<256xi32, #tpu.memory_space<vmem>>
    %dma_wait3A_712 = tpu.memref_slice %arg2[%add3A_4] : memref<16384xi32, #tpu.memory_space<hbm>> -> memref<256xi32, #tpu.memory_space<hbm>>
    tpu.wait_dma2 semaphore(%arg29 : memref<!tpu.dma_semaphore, #tpu.memory_space<semaphore_mem>>) src(%dma_wait3A_712 : memref<256xi32, #tpu.memory_space<hbm>>) dst(%dma_wait3A_711 : memref<256xi32, #tpu.memory_space<vmem>>)
    %dma_wait3A_713 = arith.constant 256 : i32
    %dma_wait3A_714 = tpu.memref_slice %arg16[%dma_wait3A_713] : memref<512xi32, #tpu.memory_space<vmem>> -> memref<256xi32, #tpu.memory_space<vmem>>
    %dma_wait3A_715 = tpu.memref_slice %arg3[%add3A_4] : memref<16384xi32, #tpu.memory_space<hbm>> -> memref<256xi32, #tpu.memory_space<hbm>>
    %dma_wait3A_716 = arith.constant 256 : i32
    %dma_wait3A_717 = tpu.memref_slice %arg16[%dma_wait3A_716] : memref<512xi32, #tpu.memory_space<vmem>> -> memref<256xi32, #tpu.memory_space<vmem>>
    %dma_wait3A_718 = tpu.memref_slice %arg3[%add3A_4] : memref<16384xi32, #tpu.memory_space<hbm>> -> memref<256xi32, #tpu.memory_space<hbm>>
    tpu.wait_dma2 semaphore(%arg29 : memref<!tpu.dma_semaphore, #tpu.memory_space<semaphore_mem>>) src(%dma_wait3A_718 : memref<256xi32, #tpu.memory_space<hbm>>) dst(%dma_wait3A_717 : memref<256xi32, #tpu.memory_space<vmem>>)
    %dma_wait3A_719 = arith.constant 256 : i32
    %dma_wait3A_720 = tpu.memref_slice %arg17[%dma_wait3A_719] : memref<512xi32, #tpu.memory_space<vmem>> -> memref<256xi32, #tpu.memory_space<vmem>>
    %dma_wait3A_721 = tpu.memref_slice %arg4[%add3A_4] : memref<16384xi32, #tpu.memory_space<hbm>> -> memref<256xi32, #tpu.memory_space<hbm>>
    %dma_wait3A_722 = arith.constant 256 : i32
    %dma_wait3A_723 = tpu.memref_slice %arg17[%dma_wait3A_722] : memref<512xi32, #tpu.memory_space<vmem>> -> memref<256xi32, #tpu.memory_space<vmem>>
    %dma_wait3A_724 = tpu.memref_slice %arg4[%add3A_4] : memref<16384xi32, #tpu.memory_space<hbm>> -> memref<256xi32, #tpu.memory_space<hbm>>
    tpu.wait_dma2 semaphore(%arg29 : memref<!tpu.dma_semaphore, #tpu.memory_space<semaphore_mem>>) src(%dma_wait3A_724 : memref<256xi32, #tpu.memory_space<hbm>>) dst(%dma_wait3A_723 : memref<256xi32, #tpu.memory_space<vmem>>)
    %dma_wait3A_725 = arith.constant 256 : i32
    %dma_wait3A_726 = tpu.memref_slice %arg18[%dma_wait3A_725] : memref<512xi32, #tpu.memory_space<vmem>> -> memref<256xi32, #tpu.memory_space<vmem>>
    %dma_wait3A_727 = tpu.memref_slice %arg5[%add3A_4] : memref<16384xi32, #tpu.memory_space<hbm>> -> memref<256xi32, #tpu.memory_space<hbm>>
    %dma_wait3A_728 = arith.constant 256 : i32
    %dma_wait3A_729 = tpu.memref_slice %arg18[%dma_wait3A_728] : memref<512xi32, #tpu.memory_space<vmem>> -> memref<256xi32, #tpu.memory_space<vmem>>
    %dma_wait3A_730 = tpu.memref_slice %arg5[%add3A_4] : memref<16384xi32, #tpu.memory_space<hbm>> -> memref<256xi32, #tpu.memory_space<hbm>>
    tpu.wait_dma2 semaphore(%arg29 : memref<!tpu.dma_semaphore, #tpu.memory_space<semaphore_mem>>) src(%dma_wait3A_730 : memref<256xi32, #tpu.memory_space<hbm>>) dst(%dma_wait3A_729 : memref<256xi32, #tpu.memory_space<vmem>>)
    %dma_wait3A_731 = arith.constant 256 : i32
    %dma_wait3A_732 = tpu.memref_slice %arg19[%dma_wait3A_731] : memref<512xi32, #tpu.memory_space<vmem>> -> memref<256xi32, #tpu.memory_space<vmem>>
    %dma_wait3A_733 = tpu.memref_slice %arg6[%add3A_4] : memref<16384xi32, #tpu.memory_space<hbm>> -> memref<256xi32, #tpu.memory_space<hbm>>
    %dma_wait3A_734 = arith.constant 256 : i32
    %dma_wait3A_735 = tpu.memref_slice %arg19[%dma_wait3A_734] : memref<512xi32, #tpu.memory_space<vmem>> -> memref<256xi32, #tpu.memory_space<vmem>>
    %dma_wait3A_736 = tpu.memref_slice %arg6[%add3A_4] : memref<16384xi32, #tpu.memory_space<hbm>> -> memref<256xi32, #tpu.memory_space<hbm>>
    tpu.wait_dma2 semaphore(%arg29 : memref<!tpu.dma_semaphore, #tpu.memory_space<semaphore_mem>>) src(%dma_wait3A_736 : memref<256xi32, #tpu.memory_space<hbm>>) dst(%dma_wait3A_735 : memref<256xi32, #tpu.memory_space<vmem>>)
    %dma_wait3A_737 = arith.constant 256 : i32
    %dma_wait3A_738 = tpu.memref_slice %arg20[%dma_wait3A_737] : memref<512xi32, #tpu.memory_space<vmem>> -> memref<256xi32, #tpu.memory_space<vmem>>
    %dma_wait3A_739 = tpu.memref_slice %arg7[%add3A_4] : memref<16384xi32, #tpu.memory_space<hbm>> -> memref<256xi32, #tpu.memory_space<hbm>>
    %dma_wait3A_740 = arith.constant 256 : i32
    %dma_wait3A_741 = tpu.memref_slice %arg20[%dma_wait3A_740] : memref<512xi32, #tpu.memory_space<vmem>> -> memref<256xi32, #tpu.memory_space<vmem>>
    %dma_wait3A_742 = tpu.memref_slice %arg7[%add3A_4] : memref<16384xi32, #tpu.memory_space<hbm>> -> memref<256xi32, #tpu.memory_space<hbm>>
    tpu.wait_dma2 semaphore(%arg29 : memref<!tpu.dma_semaphore, #tpu.memory_space<semaphore_mem>>) src(%dma_wait3A_742 : memref<256xi32, #tpu.memory_space<hbm>>) dst(%dma_wait3A_741 : memref<256xi32, #tpu.memory_space<vmem>>)
    %dma_wait3A_743 = arith.constant 256 : i32
    %dma_wait3A_744 = tpu.memref_slice %arg21[%dma_wait3A_743] : memref<512xi32, #tpu.memory_space<vmem>> -> memref<256xi32, #tpu.memory_space<vmem>>
    %dma_wait3A_745 = tpu.memref_slice %arg8[%add3A_4] : memref<16384xi32, #tpu.memory_space<hbm>> -> memref<256xi32, #tpu.memory_space<hbm>>
    %dma_wait3A_746 = arith.constant 256 : i32
    %dma_wait3A_747 = tpu.memref_slice %arg21[%dma_wait3A_746] : memref<512xi32, #tpu.memory_space<vmem>> -> memref<256xi32, #tpu.memory_space<vmem>>
    %dma_wait3A_748 = tpu.memref_slice %arg8[%add3A_4] : memref<16384xi32, #tpu.memory_space<hbm>> -> memref<256xi32, #tpu.memory_space<hbm>>
    tpu.wait_dma2 semaphore(%arg29 : memref<!tpu.dma_semaphore, #tpu.memory_space<semaphore_mem>>) src(%dma_wait3A_748 : memref<256xi32, #tpu.memory_space<hbm>>) dst(%dma_wait3A_747 : memref<256xi32, #tpu.memory_space<vmem>>)
    %dma_wait3A_749 = arith.constant 256 : i32
    %dma_wait3A_750 = tpu.memref_slice %arg22[%dma_wait3A_749] : memref<512xi32, #tpu.memory_space<vmem>> -> memref<256xi32, #tpu.memory_space<vmem>>
    %dma_wait3A_751 = tpu.memref_slice %arg9[%add3A_4] : memref<16384xi32, #tpu.memory_space<hbm>> -> memref<256xi32, #tpu.memory_space<hbm>>
    %dma_wait3A_752 = arith.constant 256 : i32
    %dma_wait3A_753 = tpu.memref_slice %arg22[%dma_wait3A_752] : memref<512xi32, #tpu.memory_space<vmem>> -> memref<256xi32, #tpu.memory_space<vmem>>
    %dma_wait3A_754 = tpu.memref_slice %arg9[%add3A_4] : memref<16384xi32, #tpu.memory_space<hbm>> -> memref<256xi32, #tpu.memory_space<hbm>>
    tpu.wait_dma2 semaphore(%arg29 : memref<!tpu.dma_semaphore, #tpu.memory_space<semaphore_mem>>) src(%dma_wait3A_754 : memref<256xi32, #tpu.memory_space<hbm>>) dst(%dma_wait3A_753 : memref<256xi32, #tpu.memory_space<vmem>>)
    %get3A_755 = arith.constant 256 : index
    %get3A_756 = tpu.vector_load %arg15[%get3A_755] {strides = array<i32>} : memref<512xi32, #tpu.memory_space<vmem>>, vector<16xi32>,
    %get3A_757 = arith.constant 256 : index
    %get3A_758 = tpu.vector_load %arg19[%get3A_757] {strides = array<i32>} : memref<512xi32, #tpu.memory_space<vmem>>, vector<16xi32>,
    %gather3A_759 = tpu.vector_load_idx %arg23[%get3A_756, %get3A_758] : memref<2x2xf32, #tpu.memory_space<vmem>>[vector<16xi32>, vector<16xi32>], vector<16xf32>,
    %get3A_760 = arith.constant 256 : index
    %get3A_761 = tpu.vector_load %arg17[%get3A_760] {strides = array<i32>} : memref<512xi32, #tpu.memory_space<vmem>>, vector<16xi32>,
    %get3A_762 = arith.constant 256 : index
    %get3A_763 = tpu.vector_load %arg21[%get3A_762] {strides = array<i32>} : memref<512xi32, #tpu.memory_space<vmem>>, vector<16xi32>,
    %gather3A_764 = tpu.vector_load_idx %arg24[%get3A_761, %get3A_763] : memref<7x7xf32, #tpu.memory_space<vmem>>[vector<16xi32>, vector<16xi32>], vector<16xf32>,
    %add3A_765 = arith.addf %gather3A_759, %gather3A_764 : vector<16xf32>
    %get3A_766 = arith.constant 256 : index
    %get3A_767 = tpu.vector_load %arg16[%get3A_766] {strides = array<i32>} : memref<512xi32, #tpu.memory_space<vmem>>, vector<16xi32>,
    %get3A_768 = arith.constant 256 : index
    %get3A_769 = tpu.vector_load %arg20[%get3A_768] {strides = array<i32>} : memref<512xi32, #tpu.memory_space<vmem>>, vector<16xi32>,
    %gather3A_770 = tpu.vector_load_idx %arg25[%get3A_767, %get3A_769] : memref<8x8xf32, #tpu.memory_space<vmem>>[vector<16xi32>, vector<16xi32>], vector<16xf32>,
    %add3A_771 = arith.addf %add3A_765, %gather3A_770 : vector<16xf32>
    %get3A_772 = arith.constant 256 : index
    %get3A_773 = tpu.vector_load %arg18[%get3A_772] {strides = array<i32>} : memref<512xi32, #tpu.memory_space<vmem>>, vector<16xi32>,
    %get3A_774 = arith.constant 256 : index
    %get3A_775 = tpu.vector_load %arg22[%get3A_774] {strides = array<i32>} : memref<512xi32, #tpu.memory_space<vmem>>, vector<16xi32>,
    %gather3A_776 = tpu.vector_load_idx %arg26[%get3A_773, %get3A_775] : memref<17x17xf32, #tpu.memory_space<vmem>>[vector<16xi32>, vector<16xi32>], vector<16xf32>,
    %add3A_777 = arith.addf %add3A_771, %gather3A_776 : vector<16xf32>
    %neg3A_778 = arith.constant 0.000000e+00 : f32
    %neg3A_779 = vector.broadcast %neg3A_778 : f32 to vector<16xf32>
    %neg3A_780 = arith.subf %neg3A_779, %add3A_777 : vector<16xf32>
    %exp3A_781 = math.exp %neg3A_780 : vector<16xf32>
    %add3A_782 = arith.constant 1.000000e+00 : f32
    %add3A_783 = vector.broadcast %add3A_782 : f32 to vector<16xf32>
    %add3A_784 = arith.addf %add3A_783, %exp3A_781 : vector<16xf32>
    %div3A_785 = arith.constant 1.000000e+00 : f32
    %div3A_786 = vector.broadcast %div3A_785 : f32 to vector<16xf32>
    %div3A_787 = arith.divf %div3A_786, %add3A_784 : vector<16xf32>
    %swap3A_788 = arith.constant 256 : index
    %swap3A_789 = tpu.vector_load %arg27[%swap3A_788] {strides = array<i32>} : memref<512xf32, #tpu.memory_space<vmem>>, vector<16xf32>,
    tpu.vector_store %arg27[%swap3A_788], %div3A_787 {strides = array<i32>} : memref<512xf32, #tpu.memory_space<vmem>>, vector<16xf32>,
    %get3A_790 = arith.constant 272 : index
    %get3A_791 = tpu.vector_load %arg15[%get3A_790] {strides = array<i32>} : memref<512xi32, #tpu.memory_space<vmem>>, vector<16xi32>,
    %get3A_792 = arith.constant 272 : index
    %get3A_793 = tpu.vector_load %arg19[%get3A_792] {strides = array<i32>} : memref<512xi32, #tpu.memory_space<vmem>>, vector<16xi32>,
    %gather3A_794 = tpu.vector_load_idx %arg23[%get3A_791, %get3A_793] : memref<2x2xf32, #tpu.memory_space<vmem>>[vector<16xi32>, vector<16xi32>], vector<16xf32>,
    %get3A_795 = arith.constant 272 : index
    %get3A_796 = tpu.vector_load %arg17[%get3A_795] {strides = array<i32>} : memref<512xi32, #tpu.memory_space<vmem>>, vector<16xi32>,
    %get3A_797 = arith.constant 272 : index
    %get3A_798 = tpu.vector_load %arg21[%get3A_797] {strides = array<i32>} : memref<512xi32, #tpu.memory_space<vmem>>, vector<16xi32>,
    %gather3A_799 = tpu.vector_load_idx %arg24[%get3A_796, %get3A_798] : memref<7x7xf32, #tpu.memory_space<vmem>>[vector<16xi32>, vector<16xi32>], vector<16xf32>,
    %add3A_800 = arith.addf %gather3A_794, %gather3A_799 : vector<16xf32>
    %get3A_801 = arith.constant 272 : index
    %get3A_802 = tpu.vector_load %arg16[%get3A_801] {strides = array<i32>} : memref<512xi32, #tpu.memory_space<vmem>>, vector<16xi32>,
    %get3A_803 = arith.constant 272 : index
    %get3A_804 = tpu.vector_load %arg20[%get3A_803] {strides = array<i32>} : memref<512xi32, #tpu.memory_space<vmem>>, vector<16xi32>,
    %gather3A_805 = tpu.vector_load_idx %arg25[%get3A_802, %get3A_804] : memref<8x8xf32, #tpu.memory_space<vmem>>[vector<16xi32>, vector<16xi32>], vector<16xf32>,
    %add3A_806 = arith.addf %add3A_800, %gather3A_805 : vector<16xf32>
    %get3A_807 = arith.constant 272 : index
    %get3A_808 = tpu.vector_load %arg18[%get3A_807] {strides = array<i32>} : memref<512xi32, #tpu.memory_space<vmem>>, vector<16xi32>,
    %get3A_809 = arith.constant 272 : index
    %get3A_810 = tpu.vector_load %arg22[%get3A_809] {strides = array<i32>} : memref<512xi32, #tpu.memory_space<vmem>>, vector<16xi32>,
    %gather3A_811 = tpu.vector_load_idx %arg26[%get3A_808, %get3A_810] : memref<17x17xf32, #tpu.memory_space<vmem>>[vector<16xi32>, vector<16xi32>], vector<16xf32>,
    %add3A_812 = arith.addf %add3A_806, %gather3A_811 : vector<16xf32>
    %neg3A_813 = arith.constant 0.000000e+00 : f32
    %neg3A_814 = vector.broadcast %neg3A_813 : f32 to vector<16xf32>
    %neg3A_815 = arith.subf %neg3A_814, %add3A_812 : vector<16xf32>
    %exp3A_816 = math.exp %neg3A_815 : vector<16xf32>
    %add3A_817 = arith.constant 1.000000e+00 : f32
    %add3A_818 = vector.broadcast %add3A_817 : f32 to vector<16xf32>
    %add3A_819 = arith.addf %add3A_818, %exp3A_816 : vector<16xf32>
    %div3A_820 = arith.constant 1.000000e+00 : f32
    %div3A_821 = vector.broadcast %div3A_820 : f32 to vector<16xf32>
    %div3A_822 = arith.divf %div3A_821, %add3A_819 : vector<16xf32>
    %swap3A_823 = arith.constant 272 : index
    %swap3A_824 = tpu.vector_load %arg27[%swap3A_823] {strides = array<i32>} : memref<512xf32, #tpu.memory_space<vmem>>, vector<16xf32>,
    tpu.vector_store %arg27[%swap3A_823], %div3A_822 {strides = array<i32>} : memref<512xf32, #tpu.memory_space<vmem>>, vector<16xf32>,
    %get3A_825 = arith.constant 288 : index
    %get3A_826 = tpu.vector_load %arg15[%get3A_825] {strides = array<i32>} : memref<512xi32, #tpu.memory_space<vmem>>, vector<16xi32>,
    %get3A_827 = arith.constant 288 : index
    %get3A_828 = tpu.vector_load %arg19[%get3A_827] {strides = array<i32>} : memref<512xi32, #tpu.memory_space<vmem>>, vector<16xi32>,
    %gather3A_829 = tpu.vector_load_idx %arg23[%get3A_826, %get3A_828] : memref<2x2xf32, #tpu.memory_space<vmem>>[vector<16xi32>, vector<16xi32>], vector<16xf32>,
    %get3A_830 = arith.constant 288 : index
    %get3A_831 = tpu.vector_load %arg17[%get3A_830] {strides = array<i32>} : memref<512xi32, #tpu.memory_space<vmem>>, vector<16xi32>,
    %get3A_832 = arith.constant 288 : index
    %get3A_833 = tpu.vector_load %arg21[%get3A_832] {strides = array<i32>} : memref<512xi32, #tpu.memory_space<vmem>>, vector<16xi32>,
    %gather3A_834 = tpu.vector_load_idx %arg24[%get3A_831, %get3A_833] : memref<7x7xf32, #tpu.memory_space<vmem>>[vector<16xi32>, vector<16xi32>], vector<16xf32>,
    %add3A_835 = arith.addf %gather3A_829, %gather3A_834 : vector<16xf32>
    %get3A_836 = arith.constant 288 : index
    %get3A_837 = tpu.vector_load %arg16[%get3A_836] {strides = array<i32>} : memref<512xi32, #tpu.memory_space<vmem>>, vector<16xi32>,
    %get3A_838 = arith.constant 288 : index
    %get3A_839 = tpu.vector_load %arg20[%get3A_838] {strides = array<i32>} : memref<512xi32, #tpu.memory_space<vmem>>, vector<16xi32>,
    %gather3A_840 = tpu.vector_load_idx %arg25[%get3A_837, %get3A_839] : memref<8x8xf32, #tpu.memory_space<vmem>>[vector<16xi32>, vector<16xi32>], vector<16xf32>,
    %add3A_841 = arith.addf %add3A_835, %gather3A_840 : vector<16xf32>
    %get3A_842 = arith.constant 288 : index
    %get3A_843 = tpu.vector_load %arg18[%get3A_842] {strides = array<i32>} : memref<512xi32, #tpu.memory_space<vmem>>, vector<16xi32>,
    %get3A_844 = arith.constant 288 : index
    %get3A_845 = tpu.vector_load %arg22[%get3A_844] {strides = array<i32>} : memref<512xi32, #tpu.memory_space<vmem>>, vector<16xi32>,
    %gather3A_846 = tpu.vector_load_idx %arg26[%get3A_843, %get3A_845] : memref<17x17xf32, #tpu.memory_space<vmem>>[vector<16xi32>, vector<16xi32>], vector<16xf32>,
    %add3A_847 = arith.addf %add3A_841, %gather3A_846 : vector<16xf32>
    %neg3A_848 = arith.constant 0.000000e+00 : f32
    %neg3A_849 = vector.broadcast %neg3A_848 : f32 to vector<16xf32>
    %neg3A_850 = arith.subf %neg3A_849, %add3A_847 : vector<16xf32>
    %exp3A_851 = math.exp %neg3A_850 : vector<16xf32>
    %add3A_852 = arith.constant 1.000000e+00 : f32
    %add3A_853 = vector.broadcast %add3A_852 : f32 to vector<16xf32>
    %add3A_854 = arith.addf %add3A_853, %exp3A_851 : vector<16xf32>
    %div3A_855 = arith.constant 1.000000e+00 : f32
    %div3A_856 = vector.broadcast %div3A_855 : f32 to vector<16xf32>
    %div3A_857 = arith.divf %div3A_856, %add3A_854 : vector<16xf32>
    %swap3A_858 = arith.constant 288 : index
    %swap3A_859 = tpu.vector_load %arg27[%swap3A_858] {strides = array<i32>} : memref<512xf32, #tpu.memory_space<vmem>>, vector<16xf32>,
    tpu.vector_store %arg27[%swap3A_858], %div3A_857 {strides = array<i32>} : memref<512xf32, #tpu.memory_space<vmem>>, vector<16xf32>,
    %get3A_860 = arith.constant 304 : index
    %get3A_861 = tpu.vector_load %arg15[%get3A_860] {strides = array<i32>} : memref<512xi32, #tpu.memory_space<vmem>>, vector<16xi32>,
    %get3A_862 = arith.constant 304 : index
    %get3A_863 = tpu.vector_load %arg19[%get3A_862] {strides = array<i32>} : memref<512xi32, #tpu.memory_space<vmem>>, vector<16xi32>,
    %gather3A_864 = tpu.vector_load_idx %arg23[%get3A_861, %get3A_863] : memref<2x2xf32, #tpu.memory_space<vmem>>[vector<16xi32>, vector<16xi32>], vector<16xf32>,
    %get3A_865 = arith.constant 304 : index
    %get3A_866 = tpu.vector_load %arg17[%get3A_865] {strides = array<i32>} : memref<512xi32, #tpu.memory_space<vmem>>, vector<16xi32>,
    %get3A_867 = arith.constant 304 : index
    %get3A_868 = tpu.vector_load %arg21[%get3A_867] {strides = array<i32>} : memref<512xi32, #tpu.memory_space<vmem>>, vector<16xi32>,
    %gather3A_869 = tpu.vector_load_idx %arg24[%get3A_866, %get3A_868] : memref<7x7xf32, #tpu.memory_space<vmem>>[vector<16xi32>, vector<16xi32>], vector<16xf32>,
    %add3A_870 = arith.addf %gather3A_864, %gather3A_869 : vector<16xf32>
    %get3A_871 = arith.constant 304 : index
    %get3A_872 = tpu.vector_load %arg16[%get3A_871] {strides = array<i32>} : memref<512xi32, #tpu.memory_space<vmem>>, vector<16xi32>,
    %get3A_873 = arith.constant 304 : index
    %get3A_874 = tpu.vector_load %arg20[%get3A_873] {strides = array<i32>} : memref<512xi32, #tpu.memory_space<vmem>>, vector<16xi32>,
    %gather3A_875 = tpu.vector_load_idx %arg25[%get3A_872, %get3A_874] : memref<8x8xf32, #tpu.memory_space<vmem>>[vector<16xi32>, vector<16xi32>], vector<16xf32>,
    %add3A_876 = arith.addf %add3A_870, %gather3A_875 : vector<16xf32>
    %get3A_877 = arith.constant 304 : index
    %get3A_878 = tpu.vector_load %arg18[%get3A_877] {strides = array<i32>} : memref<512xi32, #tpu.memory_space<vmem>>, vector<16xi32>,
    %get3A_879 = arith.constant 304 : index
    %get3A_880 = tpu.vector_load %arg22[%get3A_879] {strides = array<i32>} : memref<512xi32, #tpu.memory_space<vmem>>, vector<16xi32>,
    %gather3A_881 = tpu.vector_load_idx %arg26[%get3A_878, %get3A_880] : memref<17x17xf32, #tpu.memory_space<vmem>>[vector<16xi32>, vector<16xi32>], vector<16xf32>,
    %add3A_882 = arith.addf %add3A_876, %gather3A_881 : vector<16xf32>
    %neg3A_883 = arith.constant 0.000000e+00 : f32
    %neg3A_884 = vector.broadcast %neg3A_883 : f32 to vector<16xf32>
    %neg3A_885 = arith.subf %neg3A_884, %add3A_882 : vector<16xf32>
    %exp3A_886 = math.exp %neg3A_885 : vector<16xf32>
    %add3A_887 = arith.constant 1.000000e+00 : f32
    %add3A_888 = vector.broadcast %add3A_887 : f32 to vector<16xf32>
    %add3A_889 = arith.addf %add3A_888, %exp3A_886 : vector<16xf32>
    %div3A_890 = arith.constant 1.000000e+00 : f32
    %div3A_891 = vector.broadcast %div3A_890 : f32 to vector<16xf32>
    %div3A_892 = arith.divf %div3A_891, %add3A_889 : vector<16xf32>
    %swap3A_893 = arith.constant 304 : index
    %swap3A_894 = tpu.vector_load %arg27[%swap3A_893] {strides = array<i32>} : memref<512xf32, #tpu.memory_space<vmem>>, vector<16xf32>,
    tpu.vector_store %arg27[%swap3A_893], %div3A_892 {strides = array<i32>} : memref<512xf32, #tpu.memory_space<vmem>>, vector<16xf32>,
    %get3A_895 = arith.constant 320 : index
    %get3A_896 = tpu.vector_load %arg15[%get3A_895] {strides = array<i32>} : memref<512xi32, #tpu.memory_space<vmem>>, vector<16xi32>,
    %get3A_897 = arith.constant 320 : index
    %get3A_898 = tpu.vector_load %arg19[%get3A_897] {strides = array<i32>} : memref<512xi32, #tpu.memory_space<vmem>>, vector<16xi32>,
    %gather3A_899 = tpu.vector_load_idx %arg23[%get3A_896, %get3A_898] : memref<2x2xf32, #tpu.memory_space<vmem>>[vector<16xi32>, vector<16xi32>], vector<16xf32>,
    %get3A_900 = arith.constant 320 : index
    %get3A_901 = tpu.vector_load %arg17[%get3A_900] {strides = array<i32>} : memref<512xi32, #tpu.memory_space<vmem>>, vector<16xi32>,
    %get3A_902 = arith.constant 320 : index
    %get3A_903 = tpu.vector_load %arg21[%get3A_902] {strides = array<i32>} : memref<512xi32, #tpu.memory_space<vmem>>, vector<16xi32>,
    %gather3A_904 = tpu.vector_load_idx %arg24[%get3A_901, %get3A_903] : memref<7x7xf32, #tpu.memory_space<vmem>>[vector<16xi32>, vector<16xi32>], vector<16xf32>,
    %add3A_905 = arith.addf %gather3A_899, %gather3A_904 : vector<16xf32>
    %get3A_906 = arith.constant 320 : index
    %get3A_907 = tpu.vector_load %arg16[%get3A_906] {strides = array<i32>} : memref<512xi32, #tpu.memory_space<vmem>>, vector<16xi32>,
    %get3A_908 = arith.constant 320 : index
    %get3A_909 = tpu.vector_load %arg20[%get3A_908] {strides = array<i32>} : memref<512xi32, #tpu.memory_space<vmem>>, vector<16xi32>,
    %gather3A_910 = tpu.vector_load_idx %arg25[%get3A_907, %get3A_909] : memref<8x8xf32, #tpu.memory_space<vmem>>[vector<16xi32>, vector<16xi32>], vector<16xf32>,
    %add3A_911 = arith.addf %add3A_905, %gather3A_910 : vector<16xf32>
    %get3A_912 = arith.constant 320 : index
    %get3A_913 = tpu.vector_load %arg18[%get3A_912] {strides = array<i32>} : memref<512xi32, #tpu.memory_space<vmem>>, vector<16xi32>,
    %get3A_914 = arith.constant 320 : index
    %get3A_915 = tpu.vector_load %arg22[%get3A_914] {strides = array<i32>} : memref<512xi32, #tpu.memory_space<vmem>>, vector<16xi32>,
    %gather3A_916 = tpu.vector_load_idx %arg26[%get3A_913, %get3A_915] : memref<17x17xf32, #tpu.memory_space<vmem>>[vector<16xi32>, vector<16xi32>], vector<16xf32>,
    %add3A_917 = arith.addf %add3A_911, %gather3A_916 : vector<16xf32>
    %neg3A_918 = arith.constant 0.000000e+00 : f32
    %neg3A_919 = vector.broadcast %neg3A_918 : f32 to vector<16xf32>
    %neg3A_920 = arith.subf %neg3A_919, %add3A_917 : vector<16xf32>
    %exp3A_921 = math.exp %neg3A_920 : vector<16xf32>
    %add3A_922 = arith.constant 1.000000e+00 : f32
    %add3A_923 = vector.broadcast %add3A_922 : f32 to vector<16xf32>
    %add3A_924 = arith.addf %add3A_923, %exp3A_921 : vector<16xf32>
    %div3A_925 = arith.constant 1.000000e+00 : f32
    %div3A_926 = vector.broadcast %div3A_925 : f32 to vector<16xf32>
    %div3A_927 = arith.divf %div3A_926, %add3A_924 : vector<16xf32>
    %swap3A_928 = arith.constant 320 : index
    %swap3A_929 = tpu.vector_load %arg27[%swap3A_928] {strides = array<i32>} : memref<512xf32, #tpu.memory_space<vmem>>, vector<16xf32>,
    tpu.vector_store %arg27[%swap3A_928], %div3A_927 {strides = array<i32>} : memref<512xf32, #tpu.memory_space<vmem>>, vector<16xf32>,
    %get3A_930 = arith.constant 336 : index
    %get3A_931 = tpu.vector_load %arg15[%get3A_930] {strides = array<i32>} : memref<512xi32, #tpu.memory_space<vmem>>, vector<16xi32>,
    %get3A_932 = arith.constant 336 : index
    %get3A_933 = tpu.vector_load %arg19[%get3A_932] {strides = array<i32>} : memref<512xi32, #tpu.memory_space<vmem>>, vector<16xi32>,
    %gather3A_934 = tpu.vector_load_idx %arg23[%get3A_931, %get3A_933] : memref<2x2xf32, #tpu.memory_space<vmem>>[vector<16xi32>, vector<16xi32>], vector<16xf32>,
    %get3A_935 = arith.constant 336 : index
    %get3A_936 = tpu.vector_load %arg17[%get3A_935] {strides = array<i32>} : memref<512xi32, #tpu.memory_space<vmem>>, vector<16xi32>,
    %get3A_937 = arith.constant 336 : index
    %get3A_938 = tpu.vector_load %arg21[%get3A_937] {strides = array<i32>} : memref<512xi32, #tpu.memory_space<vmem>>, vector<16xi32>,
    %gather3A_939 = tpu.vector_load_idx %arg24[%get3A_936, %get3A_938] : memref<7x7xf32, #tpu.memory_space<vmem>>[vector<16xi32>, vector<16xi32>], vector<16xf32>,
    %add3A_940 = arith.addf %gather3A_934, %gather3A_939 : vector<16xf32>
    %get3A_941 = arith.constant 336 : index
    %get3A_942 = tpu.vector_load %arg16[%get3A_941] {strides = array<i32>} : memref<512xi32, #tpu.memory_space<vmem>>, vector<16xi32>,
    %get3A_943 = arith.constant 336 : index
    %get3A_944 = tpu.vector_load %arg20[%get3A_943] {strides = array<i32>} : memref<512xi32, #tpu.memory_space<vmem>>, vector<16xi32>,
    %gather3A_945 = tpu.vector_load_idx %arg25[%get3A_942, %get3A_944] : memref<8x8xf32, #tpu.memory_space<vmem>>[vector<16xi32>, vector<16xi32>], vector<16xf32>,
    %add3A_946 = arith.addf %add3A_940, %gather3A_945 : vector<16xf32>
    %get3A_947 = arith.constant 336 : index
    %get3A_948 = tpu.vector_load %arg18[%get3A_947] {strides = array<i32>} : memref<512xi32, #tpu.memory_space<vmem>>, vector<16xi32>,
    %get3A_949 = arith.constant 336 : index
    %get3A_950 = tpu.vector_load %arg22[%get3A_949] {strides = array<i32>} : memref<512xi32, #tpu.memory_space<vmem>>, vector<16xi32>,
    %gather3A_951 = tpu.vector_load_idx %arg26[%get3A_948, %get3A_950] : memref<17x17xf32, #tpu.memory_space<vmem>>[vector<16xi32>, vector<16xi32>], vector<16xf32>,
    %add3A_952 = arith.addf %add3A_946, %gather3A_951 : vector<16xf32>
    %neg3A_953 = arith.constant 0.000000e+00 : f32
    %neg3A_954 = vector.broadcast %neg3A_953 : f32 to vector<16xf32>
    %neg3A_955 = arith.subf %neg3A_954, %add3A_952 : vector<16xf32>
    %exp3A_956 = math.exp %neg3A_955 : vector<16xf32>
    %add3A_957 = arith.constant 1.000000e+00 : f32
    %add3A_958 = vector.broadcast %add3A_957 : f32 to vector<16xf32>
    %add3A_959 = arith.addf %add3A_958, %exp3A_956 : vector<16xf32>
    %div3A_960 = arith.constant 1.000000e+00 : f32
    %div3A_961 = vector.broadcast %div3A_960 : f32 to vector<16xf32>
    %div3A_962 = arith.divf %div3A_961, %add3A_959 : vector<16xf32>
    %swap3A_963 = arith.constant 336 : index
    %swap3A_964 = tpu.vector_load %arg27[%swap3A_963] {strides = array<i32>} : memref<512xf32, #tpu.memory_space<vmem>>, vector<16xf32>,
    tpu.vector_store %arg27[%swap3A_963], %div3A_962 {strides = array<i32>} : memref<512xf32, #tpu.memory_space<vmem>>, vector<16xf32>,
    %get3A_965 = arith.constant 352 : index
    %get3A_966 = tpu.vector_load %arg15[%get3A_965] {strides = array<i32>} : memref<512xi32, #tpu.memory_space<vmem>>, vector<16xi32>,
    %get3A_967 = arith.constant 352 : index
    %get3A_968 = tpu.vector_load %arg19[%get3A_967] {strides = array<i32>} : memref<512xi32, #tpu.memory_space<vmem>>, vector<16xi32>,
    %gather3A_969 = tpu.vector_load_idx %arg23[%get3A_966, %get3A_968] : memref<2x2xf32, #tpu.memory_space<vmem>>[vector<16xi32>, vector<16xi32>], vector<16xf32>,
    %get3A_970 = arith.constant 352 : index
    %get3A_971 = tpu.vector_load %arg17[%get3A_970] {strides = array<i32>} : memref<512xi32, #tpu.memory_space<vmem>>, vector<16xi32>,
    %get3A_972 = arith.constant 352 : index
    %get3A_973 = tpu.vector_load %arg21[%get3A_972] {strides = array<i32>} : memref<512xi32, #tpu.memory_space<vmem>>, vector<16xi32>,
    %gather3A_974 = tpu.vector_load_idx %arg24[%get3A_971, %get3A_973] : memref<7x7xf32, #tpu.memory_space<vmem>>[vector<16xi32>, vector<16xi32>], vector<16xf32>,
    %add3A_975 = arith.addf %gather3A_969, %gather3A_974 : vector<16xf32>
    %get3A_976 = arith.constant 352 : index
    %get3A_977 = tpu.vector_load %arg16[%get3A_976] {strides = array<i32>} : memref<512xi32, #tpu.memory_space<vmem>>, vector<16xi32>,
    %get3A_978 = arith.constant 352 : index
    %get3A_979 = tpu.vector_load %arg20[%get3A_978] {strides = array<i32>} : memref<512xi32, #tpu.memory_space<vmem>>, vector<16xi32>,
    %gather3A_980 = tpu.vector_load_idx %arg25[%get3A_977, %get3A_979] : memref<8x8xf32, #tpu.memory_space<vmem>>[vector<16xi32>, vector<16xi32>], vector<16xf32>,
    %add3A_981 = arith.addf %add3A_975, %gather3A_980 : vector<16xf32>
    %get3A_982 = arith.constant 352 : index
    %get3A_983 = tpu.vector_load %arg18[%get3A_982] {strides = array<i32>} : memref<512xi32, #tpu.memory_space<vmem>>, vector<16xi32>,
    %get3A_984 = arith.constant 352 : index
    %get3A_985 = tpu.vector_load %arg22[%get3A_984] {strides = array<i32>} : memref<512xi32, #tpu.memory_space<vmem>>, vector<16xi32>,
    %gather3A_986 = tpu.vector_load_idx %arg26[%get3A_983, %get3A_985] : memref<17x17xf32, #tpu.memory_space<vmem>>[vector<16xi32>, vector<16xi32>], vector<16xf32>,
    %add3A_987 = arith.addf %add3A_981, %gather3A_986 : vector<16xf32>
    %neg3A_988 = arith.constant 0.000000e+00 : f32
    %neg3A_989 = vector.broadcast %neg3A_988 : f32 to vector<16xf32>
    %neg3A_990 = arith.subf %neg3A_989, %add3A_987 : vector<16xf32>
    %exp3A_991 = math.exp %neg3A_990 : vector<16xf32>
    %add3A_992 = arith.constant 1.000000e+00 : f32
    %add3A_993 = vector.broadcast %add3A_992 : f32 to vector<16xf32>
    %add3A_994 = arith.addf %add3A_993, %exp3A_991 : vector<16xf32>
    %div3A_995 = arith.constant 1.000000e+00 : f32
    %div3A_996 = vector.broadcast %div3A_995 : f32 to vector<16xf32>
    %div3A_997 = arith.divf %div3A_996, %add3A_994 : vector<16xf32>
    %swap3A_998 = arith.constant 352 : index
    %swap3A_999 = tpu.vector_load %arg27[%swap3A_998] {strides = array<i32>} : memref<512xf32, #tpu.memory_space<vmem>>, vector<16xf32>,
    tpu.vector_store %arg27[%swap3A_998], %div3A_997 {strides = array<i32>} : memref<512xf32, #tpu.memory_space<vmem>>, vector<16xf32>,
    %get3A_1000 = arith.constant 368 : index
    %get3A_1001 = tpu.vector_load %arg15[%get3A_1000] {strides = array<i32>} : memref<512xi32, #tpu.memory_space<vmem>>, vector<16xi32>,
    %get3A_1002 = arith.constant 368 : index
    %get3A_1003 = tpu.vector_load %arg19[%get3A_1002] {strides = array<i32>} : memref<512xi32, #tpu.memory_space<vmem>>, vector<16xi32>,
    %gather3A_1004 = tpu.vector_load_idx %arg23[%get3A_1001, %get3A_1003] : memref<2x2xf32, #tpu.memory_space<vmem>>[vector<16xi32>, vector<16xi32>], vector<16xf32>,
    %get3A_1005 = arith.constant 368 : index
    %get3A_1006 = tpu.vector_load %arg17[%get3A_1005] {strides = array<i32>} : memref<512xi32, #tpu.memory_space<vmem>>, vector<16xi32>,
    %get3A_1007 = arith.constant 368 : index
    %get3A_1008 = tpu.vector_load %arg21[%get3A_1007] {strides = array<i32>} : memref<512xi32, #tpu.memory_space<vmem>>, vector<16xi32>,
    %gather3A_1009 = tpu.vector_load_idx %arg24[%get3A_1006, %get3A_1008] : memref<7x7xf32, #tpu.memory_space<vmem>>[vector<16xi32>, vector<16xi32>], vector<16xf32>,
    %add3A_1010 = arith.addf %gather3A_1004, %gather3A_1009 : vector<16xf32>
    %get3A_1011 = arith.constant 368 : index
    %get3A_1012 = tpu.vector_load %arg16[%get3A_1011] {strides = array<i32>} : memref<512xi32, #tpu.memory_space<vmem>>, vector<16xi32>,
    %get3A_1013 = arith.constant 368 : index
    %get3A_1014 = tpu.vector_load %arg20[%get3A_1013] {strides = array<i32>} : memref<512xi32, #tpu.memory_space<vmem>>, vector<16xi32>,
    %gather3A_1015 = tpu.vector_load_idx %arg25[%get3A_1012, %get3A_1014] : memref<8x8xf32, #tpu.memory_space<vmem>>[vector<16xi32>, vector<16xi32>], vector<16xf32>,
    %add3A_1016 = arith.addf %add3A_1010, %gather3A_1015 : vector<16xf32>
    %get3A_1017 = arith.constant 368 : index
    %get3A_1018 = tpu.vector_load %arg18[%get3A_1017] {strides = array<i32>} : memref<512xi32, #tpu.memory_space<vmem>>, vector<16xi32>,
    %get3A_1019 = arith.constant 368 : index
    %get3A_1020 = tpu.vector_load %arg22[%get3A_1019] {strides = array<i32>} : memref<512xi32, #tpu.memory_space<vmem>>, vector<16xi32>,
    %gather3A_1021 = tpu.vector_load_idx %arg26[%get3A_1018, %get3A_1020] : memref<17x17xf32, #tpu.memory_space<vmem>>[vector<16xi32>, vector<16xi32>], vector<16xf32>,
    %add3A_1022 = arith.addf %add3A_1016, %gather3A_1021 : vector<16xf32>
    %neg3A_1023 = arith.constant 0.000000e+00 : f32
    %neg3A_1024 = vector.broadcast %neg3A_1023 : f32 to vector<16xf32>
    %neg3A_1025 = arith.subf %neg3A_1024, %add3A_1022 : vector<16xf32>
    %exp3A_1026 = math.exp %neg3A_1025 : vector<16xf32>
    %add3A_1027 = arith.constant 1.000000e+00 : f32
    %add3A_1028 = vector.broadcast %add3A_1027 : f32 to vector<16xf32>
    %add3A_1029 = arith.addf %add3A_1028, %exp3A_1026 : vector<16xf32>
    %div3A_1030 = arith.constant 1.000000e+00 : f32
    %div3A_1031 = vector.broadcast %div3A_1030 : f32 to vector<16xf32>
    %div3A_1032 = arith.divf %div3A_1031, %add3A_1029 : vector<16xf32>
    %swap3A_1033 = arith.constant 368 : index
    %swap3A_1034 = tpu.vector_load %arg27[%swap3A_1033] {strides = array<i32>} : memref<512xf32, #tpu.memory_space<vmem>>, vector<16xf32>,
    tpu.vector_store %arg27[%swap3A_1033], %div3A_1032 {strides = array<i32>} : memref<512xf32, #tpu.memory_space<vmem>>, vector<16xf32>,
    %get3A_1035 = arith.constant 384 : index
    %get3A_1036 = tpu.vector_load %arg15[%get3A_1035] {strides = array<i32>} : memref<512xi32, #tpu.memory_space<vmem>>, vector<16xi32>,
    %get3A_1037 = arith.constant 384 : index
    %get3A_1038 = tpu.vector_load %arg19[%get3A_1037] {strides = array<i32>} : memref<512xi32, #tpu.memory_space<vmem>>, vector<16xi32>,
    %gather3A_1039 = tpu.vector_load_idx %arg23[%get3A_1036, %get3A_1038] : memref<2x2xf32, #tpu.memory_space<vmem>>[vector<16xi32>, vector<16xi32>], vector<16xf32>,
    %get3A_1040 = arith.constant 384 : index
    %get3A_1041 = tpu.vector_load %arg17[%get3A_1040] {strides = array<i32>} : memref<512xi32, #tpu.memory_space<vmem>>, vector<16xi32>,
    %get3A_1042 = arith.constant 384 : index
    %get3A_1043 = tpu.vector_load %arg21[%get3A_1042] {strides = array<i32>} : memref<512xi32, #tpu.memory_space<vmem>>, vector<16xi32>,
    %gather3A_1044 = tpu.vector_load_idx %arg24[%get3A_1041, %get3A_1043] : memref<7x7xf32, #tpu.memory_space<vmem>>[vector<16xi32>, vector<16xi32>], vector<16xf32>,
    %add3A_1045 = arith.addf %gather3A_1039, %gather3A_1044 : vector<16xf32>
    %get3A_1046 = arith.constant 384 : index
    %get3A_1047 = tpu.vector_load %arg16[%get3A_1046] {strides = array<i32>} : memref<512xi32, #tpu.memory_space<vmem>>, vector<16xi32>,
    %get3A_1048 = arith.constant 384 : index
    %get3A_1049 = tpu.vector_load %arg20[%get3A_1048] {strides = array<i32>} : memref<512xi32, #tpu.memory_space<vmem>>, vector<16xi32>,
    %gather3A_1050 = tpu.vector_load_idx %arg25[%get3A_1047, %get3A_1049] : memref<8x8xf32, #tpu.memory_space<vmem>>[vector<16xi32>, vector<16xi32>], vector<16xf32>,
    %add3A_1051 = arith.addf %add3A_1045, %gather3A_1050 : vector<16xf32>
    %get3A_1052 = arith.constant 384 : index
    %get3A_1053 = tpu.vector_load %arg18[%get3A_1052] {strides = array<i32>} : memref<512xi32, #tpu.memory_space<vmem>>, vector<16xi32>,
    %get3A_1054 = arith.constant 384 : index
    %get3A_1055 = tpu.vector_load %arg22[%get3A_1054] {strides = array<i32>} : memref<512xi32, #tpu.memory_space<vmem>>, vector<16xi32>,
    %gather3A_1056 = tpu.vector_load_idx %arg26[%get3A_1053, %get3A_1055] : memref<17x17xf32, #tpu.memory_space<vmem>>[vector<16xi32>, vector<16xi32>], vector<16xf32>,
    %add3A_1057 = arith.addf %add3A_1051, %gather3A_1056 : vector<16xf32>
    %neg3A_1058 = arith.constant 0.000000e+00 : f32
    %neg3A_1059 = vector.broadcast %neg3A_1058 : f32 to vector<16xf32>
    %neg3A_1060 = arith.subf %neg3A_1059, %add3A_1057 : vector<16xf32>
    %exp3A_1061 = math.exp %neg3A_1060 : vector<16xf32>
    %add3A_1062 = arith.constant 1.000000e+00 : f32
    %add3A_1063 = vector.broadcast %add3A_1062 : f32 to vector<16xf32>
    %add3A_1064 = arith.addf %add3A_1063, %exp3A_1061 : vector<16xf32>
    %div3A_1065 = arith.constant 1.000000e+00 : f32
    %div3A_1066 = vector.broadcast %div3A_1065 : f32 to vector<16xf32>
    %div3A_1067 = arith.divf %div3A_1066, %add3A_1064 : vector<16xf32>
    %swap3A_1068 = arith.constant 384 : index
    %swap3A_1069 = tpu.vector_load %arg27[%swap3A_1068] {strides = array<i32>} : memref<512xf32, #tpu.memory_space<vmem>>, vector<16xf32>,
    tpu.vector_store %arg27[%swap3A_1068], %div3A_1067 {strides = array<i32>} : memref<512xf32, #tpu.memory_space<vmem>>, vector<16xf32>,
    %get3A_1070 = arith.constant 400 : index
    %get3A_1071 = tpu.vector_load %arg15[%get3A_1070] {strides = array<i32>} : memref<512xi32, #tpu.memory_space<vmem>>, vector<16xi32>,
    %get3A_1072 = arith.constant 400 : index
    %get3A_1073 = tpu.vector_load %arg19[%get3A_1072] {strides = array<i32>} : memref<512xi32, #tpu.memory_space<vmem>>, vector<16xi32>,
    %gather3A_1074 = tpu.vector_load_idx %arg23[%get3A_1071, %get3A_1073] : memref<2x2xf32, #tpu.memory_space<vmem>>[vector<16xi32>, vector<16xi32>], vector<16xf32>,
    %get3A_1075 = arith.constant 400 : index
    %get3A_1076 = tpu.vector_load %arg17[%get3A_1075] {strides = array<i32>} : memref<512xi32, #tpu.memory_space<vmem>>, vector<16xi32>,
    %get3A_1077 = arith.constant 400 : index
    %get3A_1078 = tpu.vector_load %arg21[%get3A_1077] {strides = array<i32>} : memref<512xi32, #tpu.memory_space<vmem>>, vector<16xi32>,
    %gather3A_1079 = tpu.vector_load_idx %arg24[%get3A_1076, %get3A_1078] : memref<7x7xf32, #tpu.memory_space<vmem>>[vector<16xi32>, vector<16xi32>], vector<16xf32>,
    %add3A_1080 = arith.addf %gather3A_1074, %gather3A_1079 : vector<16xf32>
    %get3A_1081 = arith.constant 400 : index
    %get3A_1082 = tpu.vector_load %arg16[%get3A_1081] {strides = array<i32>} : memref<512xi32, #tpu.memory_space<vmem>>, vector<16xi32>,
    %get3A_1083 = arith.constant 400 : index
    %get3A_1084 = tpu.vector_load %arg20[%get3A_1083] {strides = array<i32>} : memref<512xi32, #tpu.memory_space<vmem>>, vector<16xi32>,
    %gather3A_1085 = tpu.vector_load_idx %arg25[%get3A_1082, %get3A_1084] : memref<8x8xf32, #tpu.memory_space<vmem>>[vector<16xi32>, vector<16xi32>], vector<16xf32>,
    %add3A_1086 = arith.addf %add3A_1080, %gather3A_1085 : vector<16xf32>
    %get3A_1087 = arith.constant 400 : index
    %get3A_1088 = tpu.vector_load %arg18[%get3A_1087] {strides = array<i32>} : memref<512xi32, #tpu.memory_space<vmem>>, vector<16xi32>,
    %get3A_1089 = arith.constant 400 : index
    %get3A_1090 = tpu.vector_load %arg22[%get3A_1089] {strides = array<i32>} : memref<512xi32, #tpu.memory_space<vmem>>, vector<16xi32>,
    %gather3A_1091 = tpu.vector_load_idx %arg26[%get3A_1088, %get3A_1090] : memref<17x17xf32, #tpu.memory_space<vmem>>[vector<16xi32>, vector<16xi32>], vector<16xf32>,
    %add3A_1092 = arith.addf %add3A_1086, %gather3A_1091 : vector<16xf32>
    %neg3A_1093 = arith.constant 0.000000e+00 : f32
    %neg3A_1094 = vector.broadcast %neg3A_1093 : f32 to vector<16xf32>
    %neg3A_1095 = arith.subf %neg3A_1094, %add3A_1092 : vector<16xf32>
    %exp3A_1096 = math.exp %neg3A_1095 : vector<16xf32>
    %add3A_1097 = arith.constant 1.000000e+00 : f32
    %add3A_1098 = vector.broadcast %add3A_1097 : f32 to vector<16xf32>
    %add3A_1099 = arith.addf %add3A_1098, %exp3A_1096 : vector<16xf32>
    %div3A_1100 = arith.constant 1.000000e+00 : f32
    %div3A_1101 = vector.broadcast %div3A_1100 : f32 to vector<16xf32>
    %div3A_1102 = arith.divf %div3A_1101, %add3A_1099 : vector<16xf32>
    %swap3A_1103 = arith.constant 400 : index
    %swap3A_1104 = tpu.vector_load %arg27[%swap3A_1103] {strides = array<i32>} : memref<512xf32, #tpu.memory_space<vmem>>, vector<16xf32>,
    tpu.vector_store %arg27[%swap3A_1103], %div3A_1102 {strides = array<i32>} : memref<512xf32, #tpu.memory_space<vmem>>, vector<16xf32>,
    %get3A_1105 = arith.constant 416 : index
    %get3A_1106 = tpu.vector_load %arg15[%get3A_1105] {strides = array<i32>} : memref<512xi32, #tpu.memory_space<vmem>>, vector<16xi32>,
    %get3A_1107 = arith.constant 416 : index
    %get3A_1108 = tpu.vector_load %arg19[%get3A_1107] {strides = array<i32>} : memref<512xi32, #tpu.memory_space<vmem>>, vector<16xi32>,
    %gather3A_1109 = tpu.vector_load_idx %arg23[%get3A_1106, %get3A_1108] : memref<2x2xf32, #tpu.memory_space<vmem>>[vector<16xi32>, vector<16xi32>], vector<16xf32>,
    %get3A_1110 = arith.constant 416 : index
    %get3A_1111 = tpu.vector_load %arg17[%get3A_1110] {strides = array<i32>} : memref<512xi32, #tpu.memory_space<vmem>>, vector<16xi32>,
    %get3A_1112 = arith.constant 416 : index
    %get3A_1113 = tpu.vector_load %arg21[%get3A_1112] {strides = array<i32>} : memref<512xi32, #tpu.memory_space<vmem>>, vector<16xi32>,
    %gather3A_1114 = tpu.vector_load_idx %arg24[%get3A_1111, %get3A_1113] : memref<7x7xf32, #tpu.memory_space<vmem>>[vector<16xi32>, vector<16xi32>], vector<16xf32>,
    %add3A_1115 = arith.addf %gather3A_1109, %gather3A_1114 : vector<16xf32>
    %get3A_1116 = arith.constant 416 : index
    %get3A_1117 = tpu.vector_load %arg16[%get3A_1116] {strides = array<i32>} : memref<512xi32, #tpu.memory_space<vmem>>, vector<16xi32>,
    %get3A_1118 = arith.constant 416 : index
    %get3A_1119 = tpu.vector_load %arg20[%get3A_1118] {strides = array<i32>} : memref<512xi32, #tpu.memory_space<vmem>>, vector<16xi32>,
    %gather3A_1120 = tpu.vector_load_idx %arg25[%get3A_1117, %get3A_1119] : memref<8x8xf32, #tpu.memory_space<vmem>>[vector<16xi32>, vector<16xi32>], vector<16xf32>,
    %add3A_1121 = arith.addf %add3A_1115, %gather3A_1120 : vector<16xf32>
    %get3A_1122 = arith.constant 416 : index
    %get3A_1123 = tpu.vector_load %arg18[%get3A_1122] {strides = array<i32>} : memref<512xi32, #tpu.memory_space<vmem>>, vector<16xi32>,
    %get3A_1124 = arith.constant 416 : index
    %get3A_1125 = tpu.vector_load %arg22[%get3A_1124] {strides = array<i32>} : memref<512xi32, #tpu.memory_space<vmem>>, vector<16xi32>,
    %gather3A_1126 = tpu.vector_load_idx %arg26[%get3A_1123, %get3A_1125] : memref<17x17xf32, #tpu.memory_space<vmem>>[vector<16xi32>, vector<16xi32>], vector<16xf32>,
    %add3A_1127 = arith.addf %add3A_1121, %gather3A_1126 : vector<16xf32>
    %neg3A_1128 = arith.constant 0.000000e+00 : f32
    %neg3A_1129 = vector.broadcast %neg3A_1128 : f32 to vector<16xf32>
    %neg3A_1130 = arith.subf %neg3A_1129, %add3A_1127 : vector<16xf32>
    %exp3A_1131 = math.exp %neg3A_1130 : vector<16xf32>
    %add3A_1132 = arith.constant 1.000000e+00 : f32
    %add3A_1133 = vector.broadcast %add3A_1132 : f32 to vector<16xf32>
    %add3A_1134 = arith.addf %add3A_1133, %exp3A_1131 : vector<16xf32>
    %div3A_1135 = arith.constant 1.000000e+00 : f32
    %div3A_1136 = vector.broadcast %div3A_1135 : f32 to vector<16xf32>
    %div3A_1137 = arith.divf %div3A_1136, %add3A_1134 : vector<16xf32>
    %swap3A_1138 = arith.constant 416 : index
    %swap3A_1139 = tpu.vector_load %arg27[%swap3A_1138] {strides = array<i32>} : memref<512xf32, #tpu.memory_space<vmem>>, vector<16xf32>,
    tpu.vector_store %arg27[%swap3A_1138], %div3A_1137 {strides = array<i32>} : memref<512xf32, #tpu.memory_space<vmem>>, vector<16xf32>,
    %get3A_1140 = arith.constant 432 : index
    %get3A_1141 = tpu.vector_load %arg15[%get3A_1140] {strides = array<i32>} : memref<512xi32, #tpu.memory_space<vmem>>, vector<16xi32>,
    %get3A_1142 = arith.constant 432 : index
    %get3A_1143 = tpu.vector_load %arg19[%get3A_1142] {strides = array<i32>} : memref<512xi32, #tpu.memory_space<vmem>>, vector<16xi32>,
    %gather3A_1144 = tpu.vector_load_idx %arg23[%get3A_1141, %get3A_1143] : memref<2x2xf32, #tpu.memory_space<vmem>>[vector<16xi32>, vector<16xi32>], vector<16xf32>,
    %get3A_1145 = arith.constant 432 : index
    %get3A_1146 = tpu.vector_load %arg17[%get3A_1145] {strides = array<i32>} : memref<512xi32, #tpu.memory_space<vmem>>, vector<16xi32>,
    %get3A_1147 = arith.constant 432 : index
    %get3A_1148 = tpu.vector_load %arg21[%get3A_1147] {strides = array<i32>} : memref<512xi32, #tpu.memory_space<vmem>>, vector<16xi32>,
    %gather3A_1149 = tpu.vector_load_idx %arg24[%get3A_1146, %get3A_1148] : memref<7x7xf32, #tpu.memory_space<vmem>>[vector<16xi32>, vector<16xi32>], vector<16xf32>,
    %add3A_1150 = arith.addf %gather3A_1144, %gather3A_1149 : vector<16xf32>
    %get3A_1151 = arith.constant 432 : index
    %get3A_1152 = tpu.vector_load %arg16[%get3A_1151] {strides = array<i32>} : memref<512xi32, #tpu.memory_space<vmem>>, vector<16xi32>,
    %get3A_1153 = arith.constant 432 : index
    %get3A_1154 = tpu.vector_load %arg20[%get3A_1153] {strides = array<i32>} : memref<512xi32, #tpu.memory_space<vmem>>, vector<16xi32>,
    %gather3A_1155 = tpu.vector_load_idx %arg25[%get3A_1152, %get3A_1154] : memref<8x8xf32, #tpu.memory_space<vmem>>[vector<16xi32>, vector<16xi32>], vector<16xf32>,
    %add3A_1156 = arith.addf %add3A_1150, %gather3A_1155 : vector<16xf32>
    %get3A_1157 = arith.constant 432 : index
    %get3A_1158 = tpu.vector_load %arg18[%get3A_1157] {strides = array<i32>} : memref<512xi32, #tpu.memory_space<vmem>>, vector<16xi32>,
    %get3A_1159 = arith.constant 432 : index
    %get3A_1160 = tpu.vector_load %arg22[%get3A_1159] {strides = array<i32>} : memref<512xi32, #tpu.memory_space<vmem>>, vector<16xi32>,
    %gather3A_1161 = tpu.vector_load_idx %arg26[%get3A_1158, %get3A_1160] : memref<17x17xf32, #tpu.memory_space<vmem>>[vector<16xi32>, vector<16xi32>], vector<16xf32>,
    %add3A_1162 = arith.addf %add3A_1156, %gather3A_1161 : vector<16xf32>
    %neg3A_1163 = arith.constant 0.000000e+00 : f32
    %neg3A_1164 = vector.broadcast %neg3A_1163 : f32 to vector<16xf32>
    %neg3A_1165 = arith.subf %neg3A_1164, %add3A_1162 : vector<16xf32>
    %exp3A_1166 = math.exp %neg3A_1165 : vector<16xf32>
    %add3A_1167 = arith.constant 1.000000e+00 : f32
    %add3A_1168 = vector.broadcast %add3A_1167 : f32 to vector<16xf32>
    %add3A_1169 = arith.addf %add3A_1168, %exp3A_1166 : vector<16xf32>
    %div3A_1170 = arith.constant 1.000000e+00 : f32
    %div3A_1171 = vector.broadcast %div3A_1170 : f32 to vector<16xf32>
    %div3A_1172 = arith.divf %div3A_1171, %add3A_1169 : vector<16xf32>
    %swap3A_1173 = arith.constant 432 : index
    %swap3A_1174 = tpu.vector_load %arg27[%swap3A_1173] {strides = array<i32>} : memref<512xf32, #tpu.memory_space<vmem>>, vector<16xf32>,
    tpu.vector_store %arg27[%swap3A_1173], %div3A_1172 {strides = array<i32>} : memref<512xf32, #tpu.memory_space<vmem>>, vector<16xf32>,
    %get3A_1175 = arith.constant 448 : index
    %get3A_1176 = tpu.vector_load %arg15[%get3A_1175] {strides = array<i32>} : memref<512xi32, #tpu.memory_space<vmem>>, vector<16xi32>,
    %get3A_1177 = arith.constant 448 : index
    %get3A_1178 = tpu.vector_load %arg19[%get3A_1177] {strides = array<i32>} : memref<512xi32, #tpu.memory_space<vmem>>, vector<16xi32>,
    %gather3A_1179 = tpu.vector_load_idx %arg23[%get3A_1176, %get3A_1178] : memref<2x2xf32, #tpu.memory_space<vmem>>[vector<16xi32>, vector<16xi32>], vector<16xf32>,
    %get3A_1180 = arith.constant 448 : index
    %get3A_1181 = tpu.vector_load %arg17[%get3A_1180] {strides = array<i32>} : memref<512xi32, #tpu.memory_space<vmem>>, vector<16xi32>,
    %get3A_1182 = arith.constant 448 : index
    %get3A_1183 = tpu.vector_load %arg21[%get3A_1182] {strides = array<i32>} : memref<512xi32, #tpu.memory_space<vmem>>, vector<16xi32>,
    %gather3A_1184 = tpu.vector_load_idx %arg24[%get3A_1181, %get3A_1183] : memref<7x7xf32, #tpu.memory_space<vmem>>[vector<16xi32>, vector<16xi32>], vector<16xf32>,
    %add3A_1185 = arith.addf %gather3A_1179, %gather3A_1184 : vector<16xf32>
    %get3A_1186 = arith.constant 448 : index
    %get3A_1187 = tpu.vector_load %arg16[%get3A_1186] {strides = array<i32>} : memref<512xi32, #tpu.memory_space<vmem>>, vector<16xi32>,
    %get3A_1188 = arith.constant 448 : index
    %get3A_1189 = tpu.vector_load %arg20[%get3A_1188] {strides = array<i32>} : memref<512xi32, #tpu.memory_space<vmem>>, vector<16xi32>,
    %gather3A_1190 = tpu.vector_load_idx %arg25[%get3A_1187, %get3A_1189] : memref<8x8xf32, #tpu.memory_space<vmem>>[vector<16xi32>, vector<16xi32>], vector<16xf32>,
    %add3A_1191 = arith.addf %add3A_1185, %gather3A_1190 : vector<16xf32>
    %get3A_1192 = arith.constant 448 : index
    %get3A_1193 = tpu.vector_load %arg18[%get3A_1192] {strides = array<i32>} : memref<512xi32, #tpu.memory_space<vmem>>, vector<16xi32>,
    %get3A_1194 = arith.constant 448 : index
    %get3A_1195 = tpu.vector_load %arg22[%get3A_1194] {strides = array<i32>} : memref<512xi32, #tpu.memory_space<vmem>>, vector<16xi32>,
    %gather3A_1196 = tpu.vector_load_idx %arg26[%get3A_1193, %get3A_1195] : memref<17x17xf32, #tpu.memory_space<vmem>>[vector<16xi32>, vector<16xi32>], vector<16xf32>,
    %add3A_1197 = arith.addf %add3A_1191, %gather3A_1196 : vector<16xf32>
    %neg3A_1198 = arith.constant 0.000000e+00 : f32
    %neg3A_1199 = vector.broadcast %neg3A_1198 : f32 to vector<16xf32>
    %neg3A_1200 = arith.subf %neg3A_1199, %add3A_1197 : vector<16xf32>
    %exp3A_1201 = math.exp %neg3A_1200 : vector<16xf32>
    %add3A_1202 = arith.constant 1.000000e+00 : f32
    %add3A_1203 = vector.broadcast %add3A_1202 : f32 to vector<16xf32>
    %add3A_1204 = arith.addf %add3A_1203, %exp3A_1201 : vector<16xf32>
    %div3A_1205 = arith.constant 1.000000e+00 : f32
    %div3A_1206 = vector.broadcast %div3A_1205 : f32 to vector<16xf32>
    %div3A_1207 = arith.divf %div3A_1206, %add3A_1204 : vector<16xf32>
    %swap3A_1208 = arith.constant 448 : index
    %swap3A_1209 = tpu.vector_load %arg27[%swap3A_1208] {strides = array<i32>} : memref<512xf32, #tpu.memory_space<vmem>>, vector<16xf32>,
    tpu.vector_store %arg27[%swap3A_1208], %div3A_1207 {strides = array<i32>} : memref<512xf32, #tpu.memory_space<vmem>>, vector<16xf32>,
    %get3A_1210 = arith.constant 464 : index
    %get3A_1211 = tpu.vector_load %arg15[%get3A_1210] {strides = array<i32>} : memref<512xi32, #tpu.memory_space<vmem>>, vector<16xi32>,
    %get3A_1212 = arith.constant 464 : index
    %get3A_1213 = tpu.vector_load %arg19[%get3A_1212] {strides = array<i32>} : memref<512xi32, #tpu.memory_space<vmem>>, vector<16xi32>,
    %gather3A_1214 = tpu.vector_load_idx %arg23[%get3A_1211, %get3A_1213] : memref<2x2xf32, #tpu.memory_space<vmem>>[vector<16xi32>, vector<16xi32>], vector<16xf32>,
    %get3A_1215 = arith.constant 464 : index
    %get3A_1216 = tpu.vector_load %arg17[%get3A_1215] {strides = array<i32>} : memref<512xi32, #tpu.memory_space<vmem>>, vector<16xi32>,
    %get3A_1217 = arith.constant 464 : index
    %get3A_1218 = tpu.vector_load %arg21[%get3A_1217] {strides = array<i32>} : memref<512xi32, #tpu.memory_space<vmem>>, vector<16xi32>,
    %gather3A_1219 = tpu.vector_load_idx %arg24[%get3A_1216, %get3A_1218] : memref<7x7xf32, #tpu.memory_space<vmem>>[vector<16xi32>, vector<16xi32>], vector<16xf32>,
    %add3A_1220 = arith.addf %gather3A_1214, %gather3A_1219 : vector<16xf32>
    %get3A_1221 = arith.constant 464 : index
    %get3A_1222 = tpu.vector_load %arg16[%get3A_1221] {strides = array<i32>} : memref<512xi32, #tpu.memory_space<vmem>>, vector<16xi32>,
    %get3A_1223 = arith.constant 464 : index
    %get3A_1224 = tpu.vector_load %arg20[%get3A_1223] {strides = array<i32>} : memref<512xi32, #tpu.memory_space<vmem>>, vector<16xi32>,
    %gather3A_1225 = tpu.vector_load_idx %arg25[%get3A_1222, %get3A_1224] : memref<8x8xf32, #tpu.memory_space<vmem>>[vector<16xi32>, vector<16xi32>], vector<16xf32>,
    %add3A_1226 = arith.addf %add3A_1220, %gather3A_1225 : vector<16xf32>
    %get3A_1227 = arith.constant 464 : index
    %get3A_1228 = tpu.vector_load %arg18[%get3A_1227] {strides = array<i32>} : memref<512xi32, #tpu.memory_space<vmem>>, vector<16xi32>,
    %get3A_1229 = arith.constant 464 : index
    %get3A_1230 = tpu.vector_load %arg22[%get3A_1229] {strides = array<i32>} : memref<512xi32, #tpu.memory_space<vmem>>, vector<16xi32>,
    %gather3A_1231 = tpu.vector_load_idx %arg26[%get3A_1228, %get3A_1230] : memref<17x17xf32, #tpu.memory_space<vmem>>[vector<16xi32>, vector<16xi32>], vector<16xf32>,
    %add3A_1232 = arith.addf %add3A_1226, %gather3A_1231 : vector<16xf32>
    %neg3A_1233 = arith.constant 0.000000e+00 : f32
    %neg3A_1234 = vector.broadcast %neg3A_1233 : f32 to vector<16xf32>
    %neg3A_1235 = arith.subf %neg3A_1234, %add3A_1232 : vector<16xf32>
    %exp3A_1236 = math.exp %neg3A_1235 : vector<16xf32>
    %add3A_1237 = arith.constant 1.000000e+00 : f32
    %add3A_1238 = vector.broadcast %add3A_1237 : f32 to vector<16xf32>
    %add3A_1239 = arith.addf %add3A_1238, %exp3A_1236 : vector<16xf32>
    %div3A_1240 = arith.constant 1.000000e+00 : f32
    %div3A_1241 = vector.broadcast %div3A_1240 : f32 to vector<16xf32>
    %div3A_1242 = arith.divf %div3A_1241, %add3A_1239 : vector<16xf32>
    %swap3A_1243 = arith.constant 464 : index
    %swap3A_1244 = tpu.vector_load %arg27[%swap3A_1243] {strides = array<i32>} : memref<512xf32, #tpu.memory_space<vmem>>, vector<16xf32>,
    tpu.vector_store %arg27[%swap3A_1243], %div3A_1242 {strides = array<i32>} : memref<512xf32, #tpu.memory_space<vmem>>, vector<16xf32>,
    %get3A_1245 = arith.constant 480 : index
    %get3A_1246 = tpu.vector_load %arg15[%get3A_1245] {strides = array<i32>} : memref<512xi32, #tpu.memory_space<vmem>>, vector<16xi32>,
    %get3A_1247 = arith.constant 480 : index
    %get3A_1248 = tpu.vector_load %arg19[%get3A_1247] {strides = array<i32>} : memref<512xi32, #tpu.memory_space<vmem>>, vector<16xi32>,
    %gather3A_1249 = tpu.vector_load_idx %arg23[%get3A_1246, %get3A_1248] : memref<2x2xf32, #tpu.memory_space<vmem>>[vector<16xi32>, vector<16xi32>], vector<16xf32>,
    %get3A_1250 = arith.constant 480 : index
    %get3A_1251 = tpu.vector_load %arg17[%get3A_1250] {strides = array<i32>} : memref<512xi32, #tpu.memory_space<vmem>>, vector<16xi32>,
    %get3A_1252 = arith.constant 480 : index
    %get3A_1253 = tpu.vector_load %arg21[%get3A_1252] {strides = array<i32>} : memref<512xi32, #tpu.memory_space<vmem>>, vector<16xi32>,
    %gather3A_1254 = tpu.vector_load_idx %arg24[%get3A_1251, %get3A_1253] : memref<7x7xf32, #tpu.memory_space<vmem>>[vector<16xi32>, vector<16xi32>], vector<16xf32>,
    %add3A_1255 = arith.addf %gather3A_1249, %gather3A_1254 : vector<16xf32>
    %get3A_1256 = arith.constant 480 : index
    %get3A_1257 = tpu.vector_load %arg16[%get3A_1256] {strides = array<i32>} : memref<512xi32, #tpu.memory_space<vmem>>, vector<16xi32>,
    %get3A_1258 = arith.constant 480 : index
    %get3A_1259 = tpu.vector_load %arg20[%get3A_1258] {strides = array<i32>} : memref<512xi32, #tpu.memory_space<vmem>>, vector<16xi32>,
    %gather3A_1260 = tpu.vector_load_idx %arg25[%get3A_1257, %get3A_1259] : memref<8x8xf32, #tpu.memory_space<vmem>>[vector<16xi32>, vector<16xi32>], vector<16xf32>,
    %add3A_1261 = arith.addf %add3A_1255, %gather3A_1260 : vector<16xf32>
    %get3A_1262 = arith.constant 480 : index
    %get3A_1263 = tpu.vector_load %arg18[%get3A_1262] {strides = array<i32>} : memref<512xi32, #tpu.memory_space<vmem>>, vector<16xi32>,
    %get3A_1264 = arith.constant 480 : index
    %get3A_1265 = tpu.vector_load %arg22[%get3A_1264] {strides = array<i32>} : memref<512xi32, #tpu.memory_space<vmem>>, vector<16xi32>,
    %gather3A_1266 = tpu.vector_load_idx %arg26[%get3A_1263, %get3A_1265] : memref<17x17xf32, #tpu.memory_space<vmem>>[vector<16xi32>, vector<16xi32>], vector<16xf32>,
    %add3A_1267 = arith.addf %add3A_1261, %gather3A_1266 : vector<16xf32>
    %neg3A_1268 = arith.constant 0.000000e+00 : f32
    %neg3A_1269 = vector.broadcast %neg3A_1268 : f32 to vector<16xf32>
    %neg3A_1270 = arith.subf %neg3A_1269, %add3A_1267 : vector<16xf32>
    %exp3A_1271 = math.exp %neg3A_1270 : vector<16xf32>
    %add3A_1272 = arith.constant 1.000000e+00 : f32
    %add3A_1273 = vector.broadcast %add3A_1272 : f32 to vector<16xf32>
    %add3A_1274 = arith.addf %add3A_1273, %exp3A_1271 : vector<16xf32>
    %div3A_1275 = arith.constant 1.000000e+00 : f32
    %div3A_1276 = vector.broadcast %div3A_1275 : f32 to vector<16xf32>
    %div3A_1277 = arith.divf %div3A_1276, %add3A_1274 : vector<16xf32>
    %swap3A_1278 = arith.constant 480 : index
    %swap3A_1279 = tpu.vector_load %arg27[%swap3A_1278] {strides = array<i32>} : memref<512xf32, #tpu.memory_space<vmem>>, vector<16xf32>,
    tpu.vector_store %arg27[%swap3A_1278], %div3A_1277 {strides = array<i32>} : memref<512xf32, #tpu.memory_space<vmem>>, vector<16xf32>,
    %get3A_1280 = arith.constant 496 : index
    %get3A_1281 = tpu.vector_load %arg15[%get3A_1280] {strides = array<i32>} : memref<512xi32, #tpu.memory_space<vmem>>, vector<16xi32>,
    %get3A_1282 = arith.constant 496 : index
    %get3A_1283 = tpu.vector_load %arg19[%get3A_1282] {strides = array<i32>} : memref<512xi32, #tpu.memory_space<vmem>>, vector<16xi32>,
    %gather3A_1284 = tpu.vector_load_idx %arg23[%get3A_1281, %get3A_1283] : memref<2x2xf32, #tpu.memory_space<vmem>>[vector<16xi32>, vector<16xi32>], vector<16xf32>,
    %get3A_1285 = arith.constant 496 : index
    %get3A_1286 = tpu.vector_load %arg17[%get3A_1285] {strides = array<i32>} : memref<512xi32, #tpu.memory_space<vmem>>, vector<16xi32>,
    %get3A_1287 = arith.constant 496 : index
    %get3A_1288 = tpu.vector_load %arg21[%get3A_1287] {strides = array<i32>} : memref<512xi32, #tpu.memory_space<vmem>>, vector<16xi32>,
    %gather3A_1289 = tpu.vector_load_idx %arg24[%get3A_1286, %get3A_1288] : memref<7x7xf32, #tpu.memory_space<vmem>>[vector<16xi32>, vector<16xi32>], vector<16xf32>,
    %add3A_1290 = arith.addf %gather3A_1284, %gather3A_1289 : vector<16xf32>
    %get3A_1291 = arith.constant 496 : index
    %get3A_1292 = tpu.vector_load %arg16[%get3A_1291] {strides = array<i32>} : memref<512xi32, #tpu.memory_space<vmem>>, vector<16xi32>,
    %get3A_1293 = arith.constant 496 : index
    %get3A_1294 = tpu.vector_load %arg20[%get3A_1293] {strides = array<i32>} : memref<512xi32, #tpu.memory_space<vmem>>, vector<16xi32>,
    %gather3A_1295 = tpu.vector_load_idx %arg25[%get3A_1292, %get3A_1294] : memref<8x8xf32, #tpu.memory_space<vmem>>[vector<16xi32>, vector<16xi32>], vector<16xf32>,
    %add3A_1296 = arith.addf %add3A_1290, %gather3A_1295 : vector<16xf32>
    %get3A_1297 = arith.constant 496 : index
    %get3A_1298 = tpu.vector_load %arg18[%get3A_1297] {strides = array<i32>} : memref<512xi32, #tpu.memory_space<vmem>>, vector<16xi32>,
    %get3A_1299 = arith.constant 496 : index
    %get3A_1300 = tpu.vector_load %arg22[%get3A_1299] {strides = array<i32>} : memref<512xi32, #tpu.memory_space<vmem>>, vector<16xi32>,
    %gather3A_1301 = tpu.vector_load_idx %arg26[%get3A_1298, %get3A_1300] : memref<17x17xf32, #tpu.memory_space<vmem>>[vector<16xi32>, vector<16xi32>], vector<16xf32>,
    %add3A_1302 = arith.addf %add3A_1296, %gather3A_1301 : vector<16xf32>
    %neg3A_1303 = arith.constant 0.000000e+00 : f32
    %neg3A_1304 = vector.broadcast %neg3A_1303 : f32 to vector<16xf32>
    %neg3A_1305 = arith.subf %neg3A_1304, %add3A_1302 : vector<16xf32>
    %exp3A_1306 = math.exp %neg3A_1305 : vector<16xf32>
    %add3A_1307 = arith.constant 1.000000e+00 : f32
    %add3A_1308 = vector.broadcast %add3A_1307 : f32 to vector<16xf32>
    %add3A_1309 = arith.addf %add3A_1308, %exp3A_1306 : vector<16xf32>
    %div3A_1310 = arith.constant 1.000000e+00 : f32
    %div3A_1311 = vector.broadcast %div3A_1310 : f32 to vector<16xf32>
    %div3A_1312 = arith.divf %div3A_1311, %add3A_1309 : vector<16xf32>
    %swap3A_1313 = arith.constant 496 : index
    %swap3A_1314 = tpu.vector_load %arg27[%swap3A_1313] {strides = array<i32>} : memref<512xf32, #tpu.memory_space<vmem>>, vector<16xf32>,
    tpu.vector_store %arg27[%swap3A_1313], %div3A_1312 {strides = array<i32>} : memref<512xf32, #tpu.memory_space<vmem>>, vector<16xf32>,
    %dma_start3A_1315 = arith.constant 256 : i32
    %dma_start3A_1316 = tpu.memref_slice %arg27[%dma_start3A_1315] : memref<512xf32, #tpu.memory_space<vmem>> -> memref<256xf32, #tpu.memory_space<vmem>>
    %dma_start3A_1317 = tpu.memref_slice %arg14[%add3A_4] : memref<16384xf32, #tpu.memory_space<hbm>> -> memref<256xf32, #tpu.memory_space<hbm>>
    %dma_start3A_1318 = tpu.memref_slice %arg14[%add3A_4] : memref<16384xf32, #tpu.memory_space<hbm>> -> memref<256xf32, #tpu.memory_space<hbm>>
    %dma_start3A_1319 = arith.constant 256 : i32
    %dma_start3A_1320 = tpu.memref_slice %arg27[%dma_start3A_1319] : memref<512xf32, #tpu.memory_space<vmem>> -> memref<256xf32, #tpu.memory_space<vmem>>
    tpu.enqueue_dma source(%dma_start3A_1320 : memref<256xf32, #tpu.memory_space<vmem>>) target(%dma_start3A_1318 : memref<256xf32, #tpu.memory_space<hbm>>) target_semaphore(%arg29 : memref<!tpu.dma_semaphore, #tpu.memory_space<semaphore_mem>>)
    %dma_wait3A_1321 = arith.constant 0 : i32
    %dma_wait3A_1322 = tpu.memref_slice %arg27[%dma_wait3A_1321] : memref<512xf32, #tpu.memory_space<vmem>> -> memref<256xf32, #tpu.memory_space<vmem>>
    %dma_wait3A_1323 = tpu.memref_slice %arg14[%mul3A_2] : memref<16384xf32, #tpu.memory_space<hbm>> -> memref<256xf32, #tpu.memory_space<hbm>>
    %dma_wait3A_1324 = tpu.memref_slice %arg14[%mul3A_2] : memref<16384xf32, #tpu.memory_space<hbm>> -> memref<256xf32, #tpu.memory_space<hbm>>
    %dma_wait3A_1325 = arith.constant 0 : i32
    %dma_wait3A_1326 = tpu.memref_slice %arg27[%dma_wait3A_1325] : memref<512xf32, #tpu.memory_space<vmem>> -> memref<256xf32, #tpu.memory_space<vmem>>
    tpu.wait_dma2 semaphore(%arg28 : memref<!tpu.dma_semaphore, #tpu.memory_space<semaphore_mem>>) src(%dma_wait3A_1326 : memref<256xf32, #tpu.memory_space<vmem>>) dst(%dma_wait3A_1324 : memref<256xf32, #tpu.memory_space<hbm>>)
    %dma_wait3A_1327 = arith.constant 256 : i32
    %dma_wait3A_1328 = tpu.memref_slice %arg27[%dma_wait3A_1327] : memref<512xf32, #tpu.memory_space<vmem>> -> memref<256xf32, #tpu.memory_space<vmem>>
    %dma_wait3A_1329 = tpu.memref_slice %arg14[%add3A_4] : memref<16384xf32, #tpu.memory_space<hbm>> -> memref<256xf32, #tpu.memory_space<hbm>>
    %dma_wait3A_1330 = tpu.memref_slice %arg14[%add3A_4] : memref<16384xf32, #tpu.memory_space<hbm>> -> memref<256xf32, #tpu.memory_space<hbm>>
    %dma_wait3A_1331 = arith.constant 256 : i32
    %dma_wait3A_1332 = tpu.memref_slice %arg27[%dma_wait3A_1331] : memref<512xf32, #tpu.memory_space<vmem>> -> memref<256xf32, #tpu.memory_space<vmem>>
    tpu.wait_dma2 semaphore(%arg29 : memref<!tpu.dma_semaphore, #tpu.memory_space<semaphore_mem>>) src(%dma_wait3A_1332 : memref<256xf32, #tpu.memory_space<vmem>>) dst(%dma_wait3A_1330 : memref<256xf32, #tpu.memory_space<hbm>>)
    return
  }
}

module attributes {stable_mosaic.version = 14 : i64} {
  func.func @_prep_body(%arg0: memref<2x4xf32, #tpu.memory_space<vmem>>, %arg1: memref<7x64xf32, #tpu.memory_space<vmem>>, %arg2: memref<8x64xf32, #tpu.memory_space<vmem>>, %arg3: memref<17x512xf32, #tpu.memory_space<vmem>>, %arg4: memref<4xf32, #tpu.memory_space<vmem>>, %arg5: memref<4xf32, #tpu.memory_space<vmem>>, %arg6: memref<1xf32, #tpu.memory_space<vmem>>, %arg7: memref<2x2xf32, #tpu.memory_space<vmem>>, %arg8: memref<7x7xf32, #tpu.memory_space<vmem>>, %arg9: memref<8x8xf32, #tpu.memory_space<vmem>>, %arg10: memref<17x17xf32, #tpu.memory_space<vmem>>) attributes {dimension_semantics = [], scalar_prefetch = 0 : i64, scratch_operands = 0 : i64, tpu.core_type = #tpu.core_type<tc>} {
    %get3A = arith.constant 0 : index
    %get3A_0 = vector.load %arg4[%get3A] : memref<4xf32, #tpu.memory_space<vmem>>, vector<4xf32>
    %get3A_1 = arith.constant 0 : index
    %get3A_2 = vector.load %arg5[%get3A_1] : memref<4xf32, #tpu.memory_space<vmem>>, vector<4xf32>
    %mul3A = arith.mulf %get3A_0, %get3A_2 : vector<4xf32>
    %get3A_3 = arith.constant 0 : index
    %get3A_4 = arith.constant 0 : index
    %get3A_5 = vector.load %arg0[%get3A_3, %get3A_4] : memref<2x4xf32, #tpu.memory_space<vmem>>, vector<2x4xf32>
    %mul3A_6 = arith.mulf %get3A_5, %get3A_5 : vector<2x4xf32>
    %reduce_sum3A = arith.constant dense<0.000000e+00> : vector<2xf32>
    %reduce_sum3A_7 = vector.multi_reduction <add>, %mul3A_6, %reduce_sum3A [1] : vector<2x4xf32> to vector<2xf32>
    %broadcast_in_dim3A = vector.shape_cast %reduce_sum3A_7 : vector<2xf32> to vector<2x1xf32>
    %sqrt3A = math.sqrt %broadcast_in_dim3A : vector<2x1xf32>
    %max3A = arith.constant 9.99999993E-9 : f32
    %max3A_8 = vector.broadcast %max3A : f32 to vector<2x1xf32>
    %max3A_9 = arith.maximumf %sqrt3A, %max3A_8 : vector<2x1xf32>
    %div3A = vector.broadcast %max3A_9 : vector<2x1xf32> to vector<2x4xf32>
    %div3A_10 = arith.divf %get3A_5, %div3A : vector<2x4xf32>
    %dot_general3A = arith.constant dense<0.000000e+00> : vector<2x2xf32>
    %dot_general3A_11 = tpu.matmul %div3A_10, %div3A_10, %dot_general3A {dimension_numbers = #tpu.dot_dimension_numbers<[1], [1], [0], [0], [0, 0, 1, 0], [], []>, transpose_lhs_hint = false} : vector<2x4xf32>, vector<2x4xf32>, vector<2x2xf32> -> vector<2x2xf32>
    %slice3A = vector.extract_strided_slice %mul3A {offsets = [0], sizes = [1], strides = [1]} : vector<4xf32> to vector<1xf32>
    %broadcast_in_dim3A_12 = vector.shape_cast %slice3A : vector<1xf32> to vector<1x1xf32>
    %mul3A_13 = vector.broadcast %broadcast_in_dim3A_12 : vector<1x1xf32> to vector<2x2xf32>
    %mul3A_14 = arith.mulf %dot_general3A_11, %mul3A_13 : vector<2x2xf32>
    %get3A_15 = arith.constant 0 : index
    %get3A_16 = vector.load %arg6[%get3A_15] : memref<1xf32, #tpu.memory_space<vmem>>, vector<1xf32>
    %broadcast_in_dim3A_17 = vector.shape_cast %get3A_16 : vector<1xf32> to vector<1x1xf32>
    %add3A = vector.broadcast %broadcast_in_dim3A_17 : vector<1x1xf32> to vector<2x2xf32>
    %add3A_18 = arith.addf %mul3A_14, %add3A : vector<2x2xf32>
    %swap3A = arith.constant 0 : index
    %swap3A_19 = arith.constant 0 : index
    %swap3A_20 = vector.load %arg7[%swap3A, %swap3A_19] : memref<2x2xf32, #tpu.memory_space<vmem>>, vector<2x2xf32>
    tpu.vector_store %arg7[%swap3A, %swap3A_19], %add3A_18 {strides = array<i32>} : memref<2x2xf32, #tpu.memory_space<vmem>>, vector<2x2xf32>,
    %get3A_21 = arith.constant 0 : index
    %get3A_22 = arith.constant 0 : index
    %get3A_23 = vector.load %arg1[%get3A_21, %get3A_22] : memref<7x64xf32, #tpu.memory_space<vmem>>, vector<7x64xf32>
    %mul3A_24 = arith.mulf %get3A_23, %get3A_23 : vector<7x64xf32>
    %reduce_sum3A_25 = arith.constant dense<0.000000e+00> : vector<7xf32>
    %reduce_sum3A_26 = vector.multi_reduction <add>, %mul3A_24, %reduce_sum3A_25 [1] : vector<7x64xf32> to vector<7xf32>
    %broadcast_in_dim3A_27 = vector.shape_cast %reduce_sum3A_26 : vector<7xf32> to vector<7x1xf32>
    %sqrt3A_28 = math.sqrt %broadcast_in_dim3A_27 : vector<7x1xf32>
    %max3A_29 = arith.constant 9.99999993E-9 : f32
    %max3A_30 = vector.broadcast %max3A_29 : f32 to vector<7x1xf32>
    %max3A_31 = arith.maximumf %sqrt3A_28, %max3A_30 : vector<7x1xf32>
    %div3A_32 = vector.broadcast %max3A_31 : vector<7x1xf32> to vector<7x64xf32>
    %div3A_33 = arith.divf %get3A_23, %div3A_32 : vector<7x64xf32>
    %dot_general3A_34 = arith.constant dense<0.000000e+00> : vector<7x7xf32>
    %dot_general3A_35 = tpu.matmul %div3A_33, %div3A_33, %dot_general3A_34 {dimension_numbers = #tpu.dot_dimension_numbers<[1], [1], [0], [0], [0, 0, 1, 0], [], []>, transpose_lhs_hint = false} : vector<7x64xf32>, vector<7x64xf32>, vector<7x7xf32> -> vector<7x7xf32>
    %slice3A_36 = vector.extract_strided_slice %mul3A {offsets = [1], sizes = [1], strides = [1]} : vector<4xf32> to vector<1xf32>
    %broadcast_in_dim3A_37 = vector.shape_cast %slice3A_36 : vector<1xf32> to vector<1x1xf32>
    %mul3A_38 = vector.broadcast %broadcast_in_dim3A_37 : vector<1x1xf32> to vector<7x7xf32>
    %mul3A_39 = arith.mulf %dot_general3A_35, %mul3A_38 : vector<7x7xf32>
    %swap3A_40 = arith.constant 0 : index
    %swap3A_41 = arith.constant 0 : index
    %swap3A_42 = vector.load %arg8[%swap3A_40, %swap3A_41] : memref<7x7xf32, #tpu.memory_space<vmem>>, vector<7x7xf32>
    tpu.vector_store %arg8[%swap3A_40, %swap3A_41], %mul3A_39 {strides = array<i32>} : memref<7x7xf32, #tpu.memory_space<vmem>>, vector<7x7xf32>,
    %get3A_43 = arith.constant 0 : index
    %get3A_44 = arith.constant 0 : index
    %get3A_45 = vector.load %arg2[%get3A_43, %get3A_44] : memref<8x64xf32, #tpu.memory_space<vmem>>, vector<8x64xf32>
    %mul3A_46 = arith.mulf %get3A_45, %get3A_45 : vector<8x64xf32>
    %reduce_sum3A_47 = arith.constant dense<0.000000e+00> : vector<8xf32>
    %reduce_sum3A_48 = vector.multi_reduction <add>, %mul3A_46, %reduce_sum3A_47 [1] : vector<8x64xf32> to vector<8xf32>
    %broadcast_in_dim3A_49 = vector.shape_cast %reduce_sum3A_48 : vector<8xf32> to vector<8x1xf32>
    %sqrt3A_50 = math.sqrt %broadcast_in_dim3A_49 : vector<8x1xf32>
    %max3A_51 = arith.constant 9.99999993E-9 : f32
    %max3A_52 = vector.broadcast %max3A_51 : f32 to vector<8x1xf32>
    %max3A_53 = arith.maximumf %sqrt3A_50, %max3A_52 : vector<8x1xf32>
    %div3A_54 = vector.broadcast %max3A_53 : vector<8x1xf32> to vector<8x64xf32>
    %div3A_55 = arith.divf %get3A_45, %div3A_54 : vector<8x64xf32>
    %dot_general3A_56 = arith.constant dense<0.000000e+00> : vector<8x8xf32>
    %dot_general3A_57 = tpu.matmul %div3A_55, %div3A_55, %dot_general3A_56 {dimension_numbers = #tpu.dot_dimension_numbers<[1], [1], [0], [0], [0, 0, 1, 0], [], []>, transpose_lhs_hint = false} : vector<8x64xf32>, vector<8x64xf32>, vector<8x8xf32> -> vector<8x8xf32>
    %slice3A_58 = vector.extract_strided_slice %mul3A {offsets = [2], sizes = [1], strides = [1]} : vector<4xf32> to vector<1xf32>
    %broadcast_in_dim3A_59 = vector.shape_cast %slice3A_58 : vector<1xf32> to vector<1x1xf32>
    %mul3A_60 = vector.broadcast %broadcast_in_dim3A_59 : vector<1x1xf32> to vector<8x8xf32>
    %mul3A_61 = arith.mulf %dot_general3A_57, %mul3A_60 : vector<8x8xf32>
    %swap3A_62 = arith.constant 0 : index
    %swap3A_63 = arith.constant 0 : index
    %swap3A_64 = vector.load %arg9[%swap3A_62, %swap3A_63] : memref<8x8xf32, #tpu.memory_space<vmem>>, vector<8x8xf32>
    tpu.vector_store %arg9[%swap3A_62, %swap3A_63], %mul3A_61 {strides = array<i32>} : memref<8x8xf32, #tpu.memory_space<vmem>>, vector<8x8xf32>,
    %get3A_65 = arith.constant 0 : index
    %get3A_66 = arith.constant 0 : index
    %get3A_67 = vector.load %arg3[%get3A_65, %get3A_66] : memref<17x512xf32, #tpu.memory_space<vmem>>, vector<17x512xf32>
    %mul3A_68 = arith.mulf %get3A_67, %get3A_67 : vector<17x512xf32>
    %reduce_sum3A_69 = arith.constant dense<0.000000e+00> : vector<17xf32>
    %reduce_sum3A_70 = vector.multi_reduction <add>, %mul3A_68, %reduce_sum3A_69 [1] : vector<17x512xf32> to vector<17xf32>
    %broadcast_in_dim3A_71 = vector.shape_cast %reduce_sum3A_70 : vector<17xf32> to vector<17x1xf32>
    %sqrt3A_72 = math.sqrt %broadcast_in_dim3A_71 : vector<17x1xf32>
    %max3A_73 = arith.constant 9.99999993E-9 : f32
    %max3A_74 = vector.broadcast %max3A_73 : f32 to vector<17x1xf32>
    %max3A_75 = arith.maximumf %sqrt3A_72, %max3A_74 : vector<17x1xf32>
    %div3A_76 = vector.broadcast %max3A_75 : vector<17x1xf32> to vector<17x512xf32>
    %div3A_77 = arith.divf %get3A_67, %div3A_76 : vector<17x512xf32>
    %dot_general3A_78 = arith.constant dense<0.000000e+00> : vector<17x17xf32>
    %dot_general3A_79 = tpu.matmul %div3A_77, %div3A_77, %dot_general3A_78 {dimension_numbers = #tpu.dot_dimension_numbers<[1], [1], [0], [0], [0, 0, 1, 0], [], []>, transpose_lhs_hint = false} : vector<17x512xf32>, vector<17x512xf32>, vector<17x17xf32> -> vector<17x17xf32>
    %slice3A_80 = vector.extract_strided_slice %mul3A {offsets = [3], sizes = [1], strides = [1]} : vector<4xf32> to vector<1xf32>
    %broadcast_in_dim3A_81 = vector.shape_cast %slice3A_80 : vector<1xf32> to vector<1x1xf32>
    %mul3A_82 = vector.broadcast %broadcast_in_dim3A_81 : vector<1x1xf32> to vector<17x17xf32>
    %mul3A_83 = arith.mulf %dot_general3A_79, %mul3A_82 : vector<17x17xf32>
    %swap3A_84 = arith.constant 0 : index
    %swap3A_85 = arith.constant 0 : index
    %swap3A_86 = vector.load %arg10[%swap3A_84, %swap3A_85] : memref<17x17xf32, #tpu.memory_space<vmem>>, vector<17x17xf32>
    tpu.vector_store %arg10[%swap3A_84, %swap3A_85], %mul3A_83 {strides = array<i32>} : memref<17x17xf32, #tpu.memory_space<vmem>>, vector<17x17xf32>,
    return
  }
}

</mosaic_0001>

<sc_bundles>
// kernel: kernel.4.cloned.1.call-start
scs
__scs_entry_jumppad:
0x0: {  	(pc) =	sbr.rel $0x88, $3  }
0x1: {  	(tag) =	ssettag $0x0;
	lr =	simm.s32 $0x1  }
0x2: {  	[smem:$0x3F92] =	sst lr;
	_ =	strace $0xD0000000  }
0x3: {  	_ = 	snop  }
0x4: {  	_ = 	snop  }
0x5: {  	_ = 	snop  }
0x6: {  	_ = 	snop  }
0x7: {  	_ = 	snop  }
__scs_overlays_trampoline_lowered:
0x8: {  	[smem:$0x3FA1] =	sst s0  }
0x9: {  	[smem:$0x3FA2] =	sst s1  }
0xa: {  	[smem:$0x3FA3] =	sst s2  }
0xb: {  	[smem:$0x3FA4] =	sst s3  }
0xc: {  	[smem:$0x3FA5] =	sst s4  }
0xd: {  	[smem:$0x3FA6] =	sst s5  }
0xe: {  	[smem:$0x3FA7] =	sst s6  }
0xf: {  	[smem:$0x3FA8] =	sst s7  }
0x10: {  	[smem:$0x3FA9] =	sst s8  }
0x11: {  	[smem:$0x3FAA] =	sst s9;
	s0 =	simm.s32 @!p0 $0x0  }
0x12: {  	s1 =	sld [smem:$0x3F90];
	s0 =	simm.s32 @p0 $0x1  }
0x13: {  	[smem:$0x3FAB] =	sst s0;
	s0 =	simm.s32 @!p1 $0x0  }
0x14: {  	s2 =	sld [smem:$0x3F8F];
	s0 =	simm.s32 @p1 $0x1  }
0x15: {  	[smem:$0x3FAC] =	sst s0;
	s0 =	simm.s32 @!p2 $0x0  }
0x16: {  	s3 =	sld [smem:$0x3FDB];
	s0 =	simm.s32 @p2 $0x1  }
0x17: {  	s4 =	simm.s32 $0x1BF5;
	[smem:$0x3FAE] =	sst s0  }
0x18: {  	s0 =	sld [smem:$0x3F91];
	_ =	swait.ge [sflag:s4], $0x0  }
0x19: {  	s7 =	sld [smem:$0x3F92]  }
0x1a: {  	s8 =	sadd.s32 $0xFFFFE003, lr  }
0x1b: {  	s9 =	sadd.s32 $0xFFFFFEF7, lr;
	s5 =	simm.s32 $0xFFFFFFFF;
	p2 =	slt.u32 s8, $0xFFFFF086  }
0x1c: {  	p1 =	slt.u32 s9, $0xF7A;
	s5 =	simm.s32 @!p2 $0x0  }
0x1d: {  	s5 =	simm.s32 @p1 $0x1;
	p0 =	seq.s32 s7, s2  }
0x1e: {  	s7 =	smul.u32 @!p0 $0xF7A, s2;
	p2 =	seq.s32 @!p0 s5, $0x0  }
0x1f: {  	s9 =	smul.u32 $0xF7A, s1;
	s8 =	simm.s32 @!p0 $0x1BF5;
	p2 =	por !p2, p0  }
0x20: {  	[sflag:s8] =	ssyncset.s32 @!p0 $0xFFFFF086;
	s6 =	sadd.s32 @!p0 s3, s7;
	s7 =	simm.s32 @!p0 $0x108  }
0x21: {  	s3 =	sadd.s32 s3, s9;
	s6 =	sadd.s32 @!p0 $0x88, s6;
	s7 =	simm.s32 @p2 $0x1082  }
0x22: {  	[simem:s7], [sflag:s8] =	dma.local @!p0 [hbm:s6], $0xF7A  }
0x23: {  	s9 =	sor.u32 $0xD0000000, s2;
	s6 =	simm.s32 $0x108;
	_ =	swait.ge @!p0 [sflag:s8], $0x0  }
0x24: {  	s3 =	sadd.s32 $0x88, s3;
	s6 =	simm.s32 @!p1 $0x1082;
	[sflag:s4] =	ssyncset.s32 $0xFFFFF086  }
0x25: {  	[simem:s6], [sflag:s4] =	dma.local [hbm:s3], $0xF7A  }
0x26: {  	[smem:$0x3F92] =	sst s1;
	(tag) =	ssettag s2;
	_ =	strace s9  }
0x27: {  	s1 =	sld [smem:$0x3FA2]  }
0x28: {  	s2 =	sld [smem:$0x3FA3]  }
0x29: {  	s4 =	sld [smem:$0x3FA5]  }
0x2a: {  	p0 =	seq.s32 s5, $0x0;
	s5 =	sld [smem:$0x3FA6]  }
0x2b: {  	s6 =	sld [smem:$0x3FA7]  }
0x2c: {  	s7 =	sld [smem:$0x3FA8]  }
0x2d: {  	s3 =	simm.s32 $0x108;
	s8 =	sld [smem:$0x3FA9]  }
0x2e: {  	s3 =	simm.s32 @!p0 $0x1082;
	s9 =	sld [smem:$0x3FAA]  }
0x2f: {  	lr =	sadd.s32 s0, s3;
	s0 =	sld [smem:$0x3FA1]  }
0x30: {  	s3 =	sld [smem:$0x3FA4]  }
0x31: {  	[smem:$0x3FAD] =	sst s10  }
0x32: {  	s10 =	sld [smem:$0x3FAB];
	_ =	sdelay $0x3  }
0x33: {  	p0 =	seq.s32 s10, $0x1;
	s10 =	sld [smem:$0x3FAD];
	_ =	sdelay $0x3  }
0x34: {  	[smem:$0x3FAD] =	sst s10  }
0x35: {  	s10 =	sld [smem:$0x3FAC];
	_ =	sdelay $0x3  }
0x36: {  	p1 =	seq.s32 s10, $0x1;
	s10 =	sld [smem:$0x3FAD];
	_ =	sdelay $0x3  }
0x37: {  	[smem:$0x3FAD] =	sst s10  }
0x38: {  	s10 =	sld [smem:$0x3FAE]  }
0x39: {  	_ = 	snop;
	(pc) =	sbr.ind lr, $3  }
0x3a: {  	_ = 	snop  }
0x3b: {  	_ = 	snop  }
0x3c: {  	p2 =	seq.s32 s10, $0x1;
	s10 =	sld [smem:$0x3FAD]  }
0x3d: {  	_ =	shalt  }
0x3e: {  	_ =	shalt  }
0x3f: {  	_ =	shalt  }
0x40: {  	_ =	shalt  }
0x41: {  	_ =	shalt  }
0x42: {  	_ =	shalt  }
0x43: {  	_ =	shalt  }
0x44: {  	_ =	shalt  }
0x45: {  	_ =	shalt  }
0x46: {  	_ =	shalt  }
0x47: {  	_ =	shalt  }
0x48: {  	_ =	shalt  }
0x49: {  	_ =	shalt  }
0x4a: {  	_ =	shalt  }
0x4b: {  	_ =	shalt  }
0x4c: {  	_ =	shalt  }
0x4d: {  	_ =	shalt  }
0x4e: {  	_ =	shalt  }
0x4f: {  	_ =	shalt  }
0x50: {  	_ =	shalt  }
0x51: {  	_ =	shalt  }
0x52: {  	_ =	shalt  }
0x53: {  	_ =	shalt  }
0x54: {  	_ =	shalt  }
0x55: {  	_ =	shalt  }
0x56: {  	_ =	shalt  }
0x57: {  	_ =	shalt  }
0x58: {  	_ =	shalt  }
0x59: {  	_ =	shalt  }
0x5a: {  	_ =	shalt  }
0x5b: {  	_ =	shalt  }
0x5c: {  	_ =	shalt  }
0x5d: {  	_ =	shalt  }
0x5e: {  	_ =	shalt  }
0x5f: {  	_ =	shalt  }
0x60: {  	_ =	shalt  }
0x61: {  	_ =	shalt  }
0x62: {  	_ =	shalt  }
0x63: {  	_ =	shalt  }
0x64: {  	_ =	shalt  }
0x65: {  	_ =	shalt  }
0x66: {  	_ =	shalt  }
0x67: {  	_ =	shalt  }
0x68: {  	_ =	shalt  }
0x69: {  	_ =	shalt  }
0x6a: {  	_ =	shalt  }
0x6b: {  	_ =	shalt  }
0x6c: {  	_ =	shalt  }
0x6d: {  	_ =	shalt  }
0x6e: {  	_ =	shalt  }
0x6f: {  	_ =	shalt  }
0x70: {  	_ =	shalt  }
0x71: {  	_ =	shalt  }
0x72: {  	_ =	shalt  }
0x73: {  	_ =	shalt  }
0x74: {  	_ =	shalt  }
0x75: {  	_ =	shalt  }
0x76: {  	_ =	shalt  }
0x77: {  	_ =	shalt  }
0x78: {  	_ =	shalt  }
0x79: {  	_ =	shalt  }
0x7a: {  	_ =	shalt  }
0x7b: {  	_ =	shalt  }
0x7c: {  	_ =	shalt  }
0x7d: {  	_ =	shalt  }
0x7e: {  	_ =	shalt  }
0x7f: {  	_ =	shalt  }
0x80: {  	_ =	shalt  }
0x81: {  	_ =	shalt  }
0x82: {  	_ =	shalt  }
0x83: {  	_ =	shalt  }
0x84: {  	_ =	shalt  }
0x85: {  	_ =	shalt  }
0x86: {  	_ =	shalt  }
0x87: {  	_ =	shalt  }
.Lfunc_end0:
.L_simem_size_0:
called_computation_lowered:
.L_overlay_start_0:
0x88: {  	s2 =	sld [smem:$0x3FD9]  }
0x89: {  	s3 =	sld [smem:$0x3FFE];
	_ =	sdelay $0x1  }
0x8a: {  	s1 =	srdreg.scid  }
0x8b: {  	s0 =	sand.u32 $0x1, s1  }
0x8c: {  	s17 =	sshll.u32 s0, $0xA;
	s2 =	sadd.s32 s3, s2  }
0x8d: {  	s2 =	sadd.s32 s2, s17  }
0x8e: {  	[smem:$0x3FB9] =	sst s2  }
0x8f: {  	_ = 	snop  }
0x90: {  	s2 =	sld [smem:$0x3FC9]  }
0x91: {  	s18 =	sld [smem:$0x3FC8]  }
0x92: {  	s4 =	sld [smem:$0x3FC7]  }
0x93: {  	s5 =	sld [smem:$0x3FC6]  }
0x94: {  	s6 =	sld [smem:$0x3FC5]  }
0x95: {  	s7 =	sld [smem:$0x3FC4]  }
0x96: {  	s8 =	sld [smem:$0x3FC3]  }
0x97: {  	s9 =	sld [smem:$0x3FC2]  }
0x98: {  	s10 =	sld [smem:$0x3FD0];
	(tm) =	ssettm $0x1  }
0x99: {  	s11 =	sld [smem:$0x3FFB];
	_ =	sdelay $0x3  }
0x9a: {  	_ =	strace s11  }
0x9b: {  	s11 =	sld [smem:$0x3FFC];
	_ =	sdelay $0x3  }
0x9c: {  	_ =	strace s11  }
0x9d: {  	s11 =	sld [smem:$0x3FFD];
	_ =	sdelay $0x3  }
0x9e: {  	_ =	strace s11  }
0x9f: {  	_ =	strace $0x8FFFFFFF  }
0xa0: {  	s19 =	sld [smem:$0x3FDB];
	_ =	sdelay $0x1  }
0xa1: {  	s12 =	simm.s32 $_scs_section_size  }
0xa2: {  	s13 =	simm.s32 $_size__tile_overlayer_lowered;
	s14 =	simm.s32 $_tile_overlayer_lowered  }
0xa3: {  	s22 =	simm.s32 $0x1BFF;
	s21 =	sshll.u32 s14, $0x1;
	s11 =	sadd.s32 s12, s19  }
0xa4: {  	s15 =	simm.s32 $0x0;
	s20 =	sshll.u32 s13, $0x1;
	s13 =	sadd.s32 s21, s11  }
0xa5: {  	[timem:s15], [sflag:s22] =	dma.local [hbm:s13], s20  }
0xa6: {  	_ =	swait.ge [sflag:s22], s20  }
0xa7: {  	s12 =	ssub.s32 $0x0, s20;
	[sflag:s22] =	ssyncset.done $0x0  }
0xa8: {  	[sflag:s22] =	ssyncadd.s32 s12;
	_ =	sdelay $0x1  }
0xa9: {  	s23 =	simm.s32 $0x1B8B  }
0xaa: {  	_ =	swait.ge [sflag:s23], $0x1  }
0xab: {  	[sflag:s23] =	ssyncset.done $0x0  }
0xac: {  	s25 =	simm.s32 $0x1B8E;
	s24 =	sld [smem:$0x3FFE];
	[sflag:s23] =	ssyncadd.s32 $0xFFFFFFFF  }
0xad: {  	s26 =	simm.s32 $execute0_lowered;
	[smem:$0x3FD2] =	sst s25  }
0xae: {  	s13 =	sshll.u32 s26, $0x1;
	_ =	strace $0x80000046;
	[dreg:$0x1] =	wrdreg $0xFFFFFFFF  }
0xaf: {  	s28 =	simm.s32 $_size_execute0_lowered;
	s11 =	sadd.s32 s11, s13;
	[dreg:$0x0] =	wrdreg $0x0  }
0xb0: {  	s13 =	sshll.u32 s28, $0x1;
	[dreg:$0x2] =	wrdreg s11  }
0xb1: {  	[dreg:$0x3] =	wrdreg s13  }
0xb2: {  	[dreg:$0x4] =	wrdreg $0xC0  }
0xb3: {  	_ =	task [dreg:s15], $0x5FFFF  }
0xb4: {  	[dreg:$0x1] =	wrdreg $0xFFFFFFFF  }
0xb5: {  	[dreg:$0x0] =	wrdreg $0x60  }
0xb6: {  	[dreg:$0x2] =	wrdreg s2  }
0xb7: {  	[dreg:$0x3] =	wrdreg s18  }
0xb8: {  	[dreg:$0x4] =	wrdreg s4  }
0xb9: {  	[dreg:$0x5] =	wrdreg s5  }
0xba: {  	[dreg:$0x6] =	wrdreg s6  }
0xbb: {  	[dreg:$0x7] =	wrdreg s7  }
0xbc: {  	[dreg:$0x8] =	wrdreg s8  }
0xbd: {  	[dreg:$0x9] =	wrdreg s9  }
0xbe: {  	[dreg:$0xa] =	wrdreg s24  }
0xbf: {  	[dreg:$0xb] =	wrdreg s10  }
0xc0: {  	[dreg:$0xc] =	wrdreg $0x9  }
0xc1: {  	_ =	task.clear_ibuf [dreg:s15], $0xDFFFF;
	_ =	strace $0x90000046  }
0xc2: {  	s29 =	simm.s32 $0x9;
	_ =	strace $0x80000048  }
0xc3: {  	_ =	swait.ge [sflag:s29], $0x1  }
0xc4: {  	[sflag:s29] =	ssyncadd.s32 $0xFFFFFFFF  }
0xc5: {  	_ =	strace $0x90000048  }
0xc6: {  	_ =	sfence  }
0xc7: {  	s30 =	sld [smem:$0x0];
	_ =	sdelay $0x2  }
0xc8: {  	s31 =	sshll.u32 s1, $0xD;
	s1 =	sshrl.u32 s1, $0x2  }
0xc9: {  	s3 =	sand.u32 $0x4000, s31;
	s1 =	sadd.s32 s1, s30  }
0xca: {  	s0 =	sor.u32 s3, s0;
	s1 =	sshll.u32 s1, $0x11  }
0xcb: {  	s0 =	sor.u32 s1, s0  }
0xcc: {  	s0 =	sadd.s32 $0x8F2B, s0  }
0xcd: {  	[sflag:s0] =	ssyncadd.remote.s32 $0x1  }
0xce: {  	_ =	sfence.sel $0xFFFF  }
0xcf: {  	[dreg:$0x0] =	wrdreg $0xFFFFFFFF;
	(pc) =	sbr.abs _section_cstart, $3  }
0xd0: {  	[dreg:$0x1] =	wrdreg $0xFFFFFFFF  }
0xd1: {  	_ =	task.clear_ibuf [dreg:s15], $0x2FFFF;
	_ =	strace $0x9FFFFFFF  }
0xd2: {  	(tm) =	ssettm $0x7FFFFFFF  }
0xd3: {  	_ =	shalt  }
tec
execute0_lowered:
.L_overlay_start_1:
0x0: {  	(tag) =	ssettag $0x1  }
0x1: {  	s0 =	rddreg [dreg:$0x0]  }
0x2: {  	s3 =	rddreg [dreg:$0x1]  }
0x3: {  	s4 =	rddreg [dreg:$0x2]  }
0x4: {  	s5 =	rddreg [dreg:$0x3]  }
0x5: {  	s6 =	rddreg [dreg:$0x4]  }
0x6: {  	s7 =	rddreg [dreg:$0x5]  }
0x7: {  	s8 =	rddreg [dreg:$0x6]  }
0x8: {  	s9 =	rddreg [dreg:$0x7]  }
0x9: {  	s10 =	rddreg [dreg:$0x8]  }
0xa: {  	s11 =	rddreg [dreg:$0x9];
	s1 =	simm.s32 $0x0;
	s12 =	srdreg.scid  }
0xb: {  	s25 =	stileid.u32;
	s28 =	simm.s32 $0xF00;
	[smem:$0x7FF] =	sst s1  }
0xc: {  	s2 =	sadd.s32 $0x1E00, s10;
	s24 =	sadd.s32 $0x2000, s10;
	s12 =	sand.u32 $0x1, s12  }
0xd: {  	s13 =	sadd.s32 $0x1C00, s10;
	_ =	strace $0x80000047;
	[dreg:$0xb] =	wrdreg s2  }
0xe: {  	s14 =	sshll.u32 s25, $0x7;
	[dreg:$0xc] =	wrdreg s24;
	s15 =	sshll.u32 s12, $0x6  }
0xf: {  	s10 =	sadd.s32 $0x1A00, s10;
	[dreg:$0xd] =	wrdreg s13;
	s13 =	sor.u32 s15, s14  }
0x10: {  	s29 =	simm.s32 $0x1;
	[dreg:$0xe] =	wrdreg s10;
	s26 =	sadd.s32 s0, s13  }
0x11: {  	s30 =	simm.s32 $0x2500;
	s2 =	sadd.s32 s3, s13;
	[dreg:$0xf] =	wrdreg s26  }
0x12: {  	s31 =	simm.s32 $0x2;
	s14 =	sadd.s32 s4, s13;
	[dreg:$0x10] =	wrdreg s2  }
0x13: {  	s21 =	ssub.s32 $0x2, s12;
	s15 =	sadd.s32 s5, s13;
	[dreg:$0x11] =	wrdreg s14  }
0x14: {  	s12 =	simm.s32 $0x800;
	s16 =	sadd.s32 s6, s13;
	[dreg:$0x12] =	wrdreg s15  }
0x15: {  	s23 =	sshrl.u32 s21, $0x1;
	s17 =	sadd.s32 s7, s13;
	[dreg:$0x13] =	wrdreg s16  }
0x16: {  	s18 =	sadd.s32 s8, s13;
	s19 =	sadd.s32 s9, s13;
	[dreg:$0x14] =	wrdreg s17  }
0x17: {  	s25 =	ssub.s32 s21, s23;
	s21 =	simm.s32 $0x300;
	[dreg:$0x15] =	wrdreg s18  }
0x18: {  	s23 =	simm.s32 $0x700;
	s14 =	sor.u32 $0x20, s13;
	[dreg:$0x16] =	wrdreg s19  }
0x19: {  	s15 =	simm.s32 $0xE00;
	s16 =	simm.s32 $0x1000;
	s17 =	simm.s32 $0x1100  }
0x1a: {  	s18 =	simm.s32 $0x1500;
	s19 =	simm.s32 $0x1900;
	s0 =	sadd.s32 s0, s14  }
0x1b: {  	s20 =	sadd.s32 s3, s14;
	s22 =	sadd.s32 s4, s14;
	s24 =	sadd.s32 s5, s14  }
0x1c: {  	s26 =	sadd.s32 s6, s14;
	s3 =	sadd.s32 s7, s14;
	s4 =	sadd.s32 s8, s14  }
0x1d: {  	s5 =	sadd.s32 s9, s14;
	s6 =	sadd.s32 s11, s13;
	[dreg:$0x17] =	wrdreg s0  }
0x1e: {  	s7 =	sadd.s32 s11, s14;
	s8 =	smax.u32 s25, $0x1;
	[dreg:$0x18] =	wrdreg s20  }
0x1f: {  	s11 =	simm.s32 $0x600;
	s13 =	simm.s32 $0xA00;
	[dreg:$0x19] =	wrdreg s22  }
0x20: {  	s14 =	simm.s32 $0xC00;
	s25 =	simm.s32 $0xB00;
	[dreg:$0x1a] =	wrdreg s24  }
0x21: {  	[dreg:$0x1b] =	wrdreg s26;
	s20 =	simm.s32 $0x100;
	s22 =	simm.s32 $0x500  }
0x22: {  	s24 =	simm.s32 $0x900;
	s26 =	simm.s32 $0xD00;
	s0 =	simm.s32 $0x2600  }
.LBB2_1:
0x23: {  	s2 =	rddreg [dreg:$0xf]  }
0x24: {  	[tilespmem:s1], [sflag:$0x1] =	stream.linear.gather [hbm4b:s2+s1], $0x100, $0x38;
	[tilespmem:$0x2700] =	vst v63  }
0x25: {  	s9 =	rddreg [dreg:$0x10];
	s10 =	simm.s32 $0x200  }
0x26: {  	[tilespmem:s10], [sflag:$0x1] =	stream.linear.gather [hbm4b:s9+s1], $0x100, $0x38;
	[tilespmem:$0x2700] =	vst v63  }
0x27: {  	s2 =	rddreg [dreg:$0x11];
	s10 =	simm.s32 $0x400  }
0x28: {  	[tilespmem:s10], [sflag:$0x1] =	stream.linear.gather [hbm4b:s2+s1], $0x100, $0x38;
	[tilespmem:$0x2700] =	vst v63  }
0x29: {  	s9 =	rddreg [dreg:$0x12]  }
0x2a: {  	[tilespmem:s11], [sflag:$0x1] =	stream.linear.gather [hbm4b:s9+s1], $0x100, $0x38;
	[tilespmem:$0x2700] =	vst v63  }
0x2b: {  	s10 =	rddreg [dreg:$0x13]  }
0x2c: {  	[tilespmem:s12], [sflag:$0x1] =	stream.linear.gather [hbm4b:s10+s1], $0x100, $0x38;
	[tilespmem:$0x2700] =	vst v63  }
0x2d: {  	s9 =	rddreg [dreg:$0x14]  }
0x2e: {  	[tilespmem:s13], [sflag:$0x1] =	stream.linear.gather [hbm4b:s9+s1], $0x100, $0x38;
	[tilespmem:$0x2700] =	vst v63  }
0x2f: {  	s10 =	rddreg [dreg:$0x15]  }
0x30: {  	[tilespmem:s14], [sflag:$0x1] =	stream.linear.gather [hbm4b:s10+s1], $0x100, $0x38;
	[tilespmem:$0x2700] =	vst v63  }
0x31: {  	s9 =	rddreg [dreg:$0x16]  }
0x32: {  	[tilespmem:s15], [sflag:$0x1] =	stream.linear.gather [hbm4b:s9+s1], $0x100, $0x38;
	[tilespmem:$0x2700] =	vst v63  }
0x33: {  	s10 =	rddreg [dreg:$0xb]  }
0x34: {  	[tilespmem:s16], [sflag:$0x1] =	stream.linear.gather [hbm4b:s10+s1], $0x100, $0x38;
	[tilespmem:$0x2700] =	vst v63  }
0x35: {  	s9 =	rddreg [dreg:$0xc]  }
0x36: {  	[tilespmem:s17], [sflag:$0x1] =	stream.linear.gather [hbm4b:s9+s1], $0x380, $0x38;
	[tilespmem:$0x2700] =	vst v63  }
0x37: {  	s10 =	rddreg [dreg:$0xd]  }
0x38: {  	[tilespmem:s18], [sflag:$0x1] =	stream.linear.gather [hbm4b:s10+s1], $0x400, $0x38;
	[tilespmem:$0x2700] =	vst v63  }
0x39: {  	s9 =	rddreg [dreg:$0xe]  }
0x3a: {  	[tilespmem:s19], [sflag:$0x1] =	stream.linear.gather [hbm4b:s9+s1], $0x880, $0x38;
	[tilespmem:$0x2700] =	vst v63  }
0x3b: {  	s10 =	rddreg [dreg:$0x17]  }
0x3c: {  	[tilespmem:s20], [sflag:$0x2] =	stream.linear.gather [hbm4b:s10+s1], $0x100, $0x38;
	[tilespmem:$0x2700] =	vst v63  }
0x3d: {  	s9 =	rddreg [dreg:$0x18]  }
0x3e: {  	[tilespmem:s21], [sflag:$0x2] =	stream.linear.gather [hbm4b:s9+s1], $0x100, $0x38;
	[tilespmem:$0x2700] =	vst v63  }
0x3f: {  	s10 =	rddreg [dreg:$0x19]  }
0x40: {  	[tilespmem:s22], [sflag:$0x2] =	stream.linear.gather [hbm4b:s10+s1], $0x100, $0x38;
	[tilespmem:$0x2700] =	vst v63  }
0x41: {  	s9 =	rddreg [dreg:$0x1a]  }
0x42: {  	[tilespmem:s23], [sflag:$0x2] =	stream.linear.gather [hbm4b:s9+s1], $0x100, $0x38;
	[tilespmem:$0x2700] =	vst v63  }
0x43: {  	s10 =	rddreg [dreg:$0x1b]  }
0x44: {  	[tilespmem:s24], [sflag:$0x2] =	stream.linear.gather [hbm4b:s10+s1], $0x100, $0x38;
	[tilespmem:$0x2700] =	vst v63  }
0x45: {  	_ = 	snop  }
0x46: {  	[tilespmem:s25], [sflag:$0x2] =	stream.linear.gather [hbm4b:s3+s1], $0x100, $0x38;
	[tilespmem:$0x2700] =	vst v63  }
0x47: {  	_ = 	snop  }
0x48: {  	[tilespmem:s26], [sflag:$0x2] =	stream.linear.gather [hbm4b:s4+s1], $0x100, $0x38;
	[tilespmem:$0x2700] =	vst v63  }
0x49: {  	_ = 	snop  }
0x4a: {  	[tilespmem:s28], [sflag:$0x2] =	stream.linear.gather [hbm4b:s5+s1], $0x100, $0x38;
	[tilespmem:$0x2700] =	vst v63  }
0x4b: {  	_ =	swait.ge [sflag:s29], $0x100  }
0x4c: {  	[sflag:s29] =	ssyncset.done $0x0  }
0x4d: {  	[sflag:s29] =	ssyncadd.s32 $0xFFFFFF00  }
0x4e: {  	_ =	swait.ge [sflag:s29], $0x100  }
0x4f: {  	[sflag:s29] =	ssyncset.done $0x0  }
0x50: {  	[sflag:s29] =	ssyncadd.s32 $0xFFFFFF00  }
0x51: {  	_ =	swait.ge [sflag:s29], $0x100  }
0x52: {  	[sflag:s29] =	ssyncset.done $0x0  }
0x53: {  	[sflag:s29] =	ssyncadd.s32 $0xFFFFFF00  }
0x54: {  	_ =	swait.ge [sflag:s29], $0x100  }
0x55: {  	[sflag:s29] =	ssyncset.done $0x0  }
0x56: {  	[sflag:s29] =	ssyncadd.s32 $0xFFFFFF00  }
0x57: {  	_ =	swait.ge [sflag:s29], $0x100  }
0x58: {  	[sflag:s29] =	ssyncset.done $0x0  }
0x59: {  	[sflag:s29] =	ssyncadd.s32 $0xFFFFFF00  }
0x5a: {  	_ =	swait.ge [sflag:s29], $0x100  }
0x5b: {  	[sflag:s29] =	ssyncset.done $0x0  }
0x5c: {  	[sflag:s29] =	ssyncadd.s32 $0xFFFFFF00  }
0x5d: {  	_ =	swait.ge [sflag:s29], $0x100  }
0x5e: {  	[sflag:s29] =	ssyncset.done $0x0  }
0x5f: {  	[sflag:s29] =	ssyncadd.s32 $0xFFFFFF00  }
0x60: {  	_ =	swait.ge [sflag:s29], $0x100  }
0x61: {  	[sflag:s29] =	ssyncset.done $0x0  }
0x62: {  	[sflag:s29] =	ssyncadd.s32 $0xFFFFFF00  }
0x63: {  	_ =	swait.ge [sflag:s29], $0x100  }
0x64: {  	[sflag:s29] =	ssyncset.done $0x0  }
0x65: {  	[sflag:s29] =	ssyncadd.s32 $0xFFFFFF00  }
0x66: {  	_ =	swait.ge [sflag:s29], $0x380  }
0x67: {  	[sflag:s29] =	ssyncset.done $0x0  }
0x68: {  	[sflag:s29] =	ssyncadd.s32 $0xFFFFFC80  }
0x69: {  	_ =	swait.ge [sflag:s29], $0x400  }
0x6a: {  	[sflag:s29] =	ssyncset.done $0x0  }
0x6b: {  	[sflag:s29] =	ssyncadd.s32 $0xFFFFFC00  }
0x6c: {  	_ =	swait.ge [sflag:s29], $0x880  }
0x6d: {  	[sflag:s29] =	ssyncset.done $0x0  }
0x6e: {  	[sflag:s29] =	ssyncadd.s32 $0xFFFFF780  }
0x6f: {  	v0 =	vld [tilespmem:$0x0]  }
0x70: {  	v1 =	vld [tilespmem:$0x800]  }
0x71: {  	v2 =	vld [tilespmem:$0x400]  }
0x72: {  	v3 =	vld [tilespmem:$0xC00]  }
0x73: {  	v4 =	vld [tilespmem:$0x200]  }
0x74: {  	v5 =	vld [tilespmem:$0xA00]  }
0x75: {  	v6 =	vld [tilespmem:$0x600]  }
0x76: {  	v8 =	vld [tilespmem:$0xE00];
	v7 =	vand.u32 $0xFFFFFF80, v1;
	v1 =	vand.u32 $0x7F, v1;
	v0 =	vshll.u32 v0, $0x7  }
0x77: {  	v29 =	vand.u32 $0xFFFFFF80, v3;
	v2 =	vshll.u32 v2, $0x7;
	v0 =	vadd.s32 v0, v7  }
0x78: {  	v30 =	vand.u32 $0x7F, v3;
	v2 =	vadd.s32 v2, v29;
	v0 =	vor.u32 v1, v0  }
0x79: {  	v31 =	vand.u32 $0xFFFFFF80, v5;
	v32 =	vshll.u32 v4, $0x7;
	v1 =	vor.u32 v30, v2  }
0x7a: {  	v33 =	vand.u32 $0x7F, v5;
	v2 =	vadd.s32 v32, v31  }
0x7b: {  	v34 =	vand.u32 $0xFFFFFF80, v8;
	v35 =	vshll.u32 v6, $0x7;
	v2 =	vor.u32 v33, v2  }
0x7c: {  	v36 =	vand.u32 $0x7F, v8;
	v3 =	vadd.s32 v35, v34  }
0x7d: {  	v3 =	vor.u32 v36, v3;
	v0 =	vld.idx.msk [tilespmem:v0+s16+$0x0], $0xffff  }
0x7e: {  	v1 =	vld.idx.msk [tilespmem:v1+s17+$0x0], $0xffff;
	_ =	sdelay $0x1  }
0x7f: {  	v2 =	vld.idx.msk [tilespmem:v2+s18+$0x0], $0xffff;
	_ =	sdelay $0x1  }
0x80: {  	v3 =	vld.idx.msk [tilespmem:v3+s19+$0x0], $0xffff  }
0x81: {  	v0 =	vadd.f32 v1, v0;
	_ =	sdelay $0x1  }
0x82: {  	v0 =	vadd.f32 v2, v0;
	_ =	sdelay $0x1  }
0x83: {  	v0 =	vadd.f32 v3, v0;
	_ =	sdelay $0x1  }
0x84: {  	v0 =	vsub.f32 $0.0e+00, v0;
	_ =	sdelay $0x1  }
0x85: {  	v0 =	vmul.f32 $1.442695020e+00, v0;
	_ =	sdelay $0x1  }
0x86: {  	(erf) = vpow2.f32 v0;
	_ =	sdelay $0x8  }
0x87: {  	v37 =	vld [tilespmem:$0x10];
	v0 =	vpop (erf)  }
0x88: {  	v38 =	vld [tilespmem:$0x810];
	v0 =	vadd.f32 $1.000000000e+00, v0  }
0x89: {  	v40 =	vld [tilespmem:$0xC10]  }
0x8a: {  	v39 =	vld [tilespmem:$0x410];
	(erf) = vrcp.f32 v0  }
0x8b: {  	v41 =	vld [tilespmem:$0x210]  }
0x8c: {  	v42 =	vld [tilespmem:$0xA10]  }
0x8d: {  	v43 =	vld [tilespmem:$0x610]  }
0x8e: {  	v45 =	vld [tilespmem:$0xE10];
	v44 =	vand.u32 $0xFFFFFF80, v38;
	v46 =	vand.u32 $0xFFFFFF80, v40;
	v1 =	vshll.u32 v37, $0x7  }
0x8f: {  	v1 =	vadd.s32 v1, v44;
	v2 =	vand.u32 $0x7F, v38;
	v3 =	vshll.u32 v39, $0x7  }
0x90: {  	v1 =	vor.u32 v2, v1;
	v47 =	vadd.s32 v3, v46;
	v0 =	vand.u32 $0x7F, v40  }
0x91: {  	v48 =	vand.u32 $0xFFFFFF80, v42;
	v49 =	vshll.u32 v41, $0x7;
	v0 =	vor.u32 v0, v47  }
0x92: {  	v50 =	vand.u32 $0x7F, v42;
	v2 =	vadd.s32 v49, v48  }
0x93: {  	v52 =	vand.u32 $0xFFFFFF80, v45;
	v53 =	vshll.u32 v43, $0x7;
	v2 =	vor.u32 v50, v2;
	v51 =	vpop (erf)  }
0x94: {  	v54 =	vand.u32 $0x7F, v45;
	v4 =	vadd.s32 v53, v52;
	[tilespmem:$0x2500] =	vst v51  }
0x95: {  	v3 =	vor.u32 v54, v4;
	v1 =	vld.idx.msk [tilespmem:v1+s16+$0x0], $0xffff  }
0x96: {  	v0 =	vld.idx.msk [tilespmem:v0+s17+$0x0], $0xffff;
	_ =	sdelay $0x1  }
0x97: {  	v2 =	vld.idx.msk [tilespmem:v2+s18+$0x0], $0xffff;
	_ =	sdelay $0x1  }
0x98: {  	v3 =	vld.idx.msk [tilespmem:v3+s19+$0x0], $0xffff  }
0x99: {  	v0 =	vadd.f32 v0, v1;
	_ =	sdelay $0x1  }
0x9a: {  	v0 =	vadd.f32 v2, v0;
	_ =	sdelay $0x1  }
0x9b: {  	v0 =	vadd.f32 v3, v0;
	_ =	sdelay $0x1  }
0x9c: {  	v0 =	vsub.f32 $0.0e+00, v0;
	_ =	sdelay $0x1  }
0x9d: {  	v0 =	vmul.f32 $1.442695020e+00, v0;
	_ =	sdelay $0x1  }
0x9e: {  	(erf) = vpow2.f32 v0;
	_ =	sdelay $0x8  }
0x9f: {  	v55 =	vld [tilespmem:$0x20];
	v0 =	vpop (erf)  }
0xa0: {  	v56 =	vld [tilespmem:$0x820];
	v0 =	vadd.f32 $1.000000000e+00, v0  }
0xa1: {  	v58 =	vld [tilespmem:$0xC20]  }
0xa2: {  	v57 =	vld [tilespmem:$0x420];
	(erf) = vrcp.f32 v0  }
0xa3: {  	v59 =	vld [tilespmem:$0x220]  }
0xa4: {  	v60 =	vld [tilespmem:$0xA20]  }
0xa5: {  	v61 =	vld [tilespmem:$0x620]  }
0xa6: {  	v63 =	vld [tilespmem:$0xE20];
	v62 =	vand.u32 $0xFFFFFF80, v56;
	v12 =	vand.u32 $0xFFFFFF80, v58;
	v1 =	vshll.u32 v55, $0x7  }
0xa7: {  	v1 =	vadd.s32 v1, v62;
	v2 =	vand.u32 $0x7F, v56;
	v3 =	vshll.u32 v57, $0x7  }
0xa8: {  	v1 =	vor.u32 v2, v1;
	v13 =	vadd.s32 v3, v12;
	v0 =	vand.u32 $0x7F, v58  }
0xa9: {  	v14 =	vand.u32 $0xFFFFFF80, v60;
	v15 =	vshll.u32 v59, $0x7;
	v0 =	vor.u32 v0, v13  }
0xaa: {  	v16 =	vand.u32 $0x7F, v60;
	v2 =	vadd.s32 v15, v14  }
0xab: {  	v18 =	vand.u32 $0xFFFFFF80, v63;
	v19 =	vshll.u32 v61, $0x7;
	v2 =	vor.u32 v16, v2;
	v17 =	vpop (erf)  }
0xac: {  	v20 =	vand.u32 $0x7F, v63;
	v4 =	vadd.s32 v19, v18;
	[tilespmem:$0x2510] =	vst v17  }
0xad: {  	v3 =	vor.u32 v20, v4;
	v1 =	vld.idx.msk [tilespmem:v1+s16+$0x0], $0xffff  }
0xae: {  	v0 =	vld.idx.msk [tilespmem:v0+s17+$0x0], $0xffff;
	_ =	sdelay $0x1  }
0xaf: {  	v2 =	vld.idx.msk [tilespmem:v2+s18+$0x0], $0xffff;
	_ =	sdelay $0x1  }
0xb0: {  	v3 =	vld.idx.msk [tilespmem:v3+s19+$0x0], $0xffff  }
0xb1: {  	v0 =	vadd.f32 v0, v1;
	_ =	sdelay $0x1  }
0xb2: {  	v0 =	vadd.f32 v2, v0;
	_ =	sdelay $0x1  }
0xb3: {  	v0 =	vadd.f32 v3, v0;
	_ =	sdelay $0x1  }
0xb4: {  	v0 =	vsub.f32 $0.0e+00, v0;
	_ =	sdelay $0x1  }
0xb5: {  	v0 =	vmul.f32 $1.442695020e+00, v0;
	_ =	sdelay $0x1  }
0xb6: {  	(erf) = vpow2.f32 v0;
	_ =	sdelay $0x8  }
0xb7: {  	v21 =	vld [tilespmem:$0x30];
	v0 =	vpop (erf)  }
0xb8: {  	v22 =	vld [tilespmem:$0x830];
	v0 =	vadd.f32 $1.000000000e+00, v0  }
0xb9: {  	v24 =	vld [tilespmem:$0xC30]  }
0xba: {  	v23 =	vld [tilespmem:$0x430];
	(erf) = vrcp.f32 v0  }
0xbb: {  	v25 =	vld [tilespmem:$0x230]  }
0xbc: {  	v26 =	vld [tilespmem:$0xA30]  }
0xbd: {  	v27 =	vld [tilespmem:$0x630]  }
0xbe: {  	v28 =	vand.u32 $0xFFFFFF80, v22;
	v29 =	vld [tilespmem:$0xE30];
	v30 =	vand.u32 $0xFFFFFF80, v24;
	v1 =	vshll.u32 v21, $0x7  }
0xbf: {  	v1 =	vadd.s32 v1, v28;
	v2 =	vand.u32 $0x7F, v22;
	v3 =	vshll.u32 v23, $0x7  }
0xc0: {  	v1 =	vor.u32 v2, v1;
	v31 =	vadd.s32 v3, v30;
	v0 =	vand.u32 $0x7F, v24  }
0xc1: {  	v32 =	vand.u32 $0xFFFFFF80, v26;
	v33 =	vshll.u32 v25, $0x7;
	v0 =	vor.u32 v0, v31  }
0xc2: {  	v34 =	vand.u32 $0x7F, v26;
	v2 =	vadd.s32 v33, v32  }
0xc3: {  	v36 =	vand.u32 $0xFFFFFF80, v29;
	v37 =	vshll.u32 v27, $0x7;
	v2 =	vor.u32 v34, v2;
	v35 =	vpop (erf)  }
0xc4: {  	v38 =	vand.u32 $0x7F, v29;
	v4 =	vadd.s32 v37, v36;
	[tilespmem:$0x2520] =	vst v35  }
0xc5: {  	v3 =	vor.u32 v38, v4;
	v1 =	vld.idx.msk [tilespmem:v1+s16+$0x0], $0xffff  }
0xc6: {  	v0 =	vld.idx.msk [tilespmem:v0+s17+$0x0], $0xffff;
	_ =	sdelay $0x1  }
0xc7: {  	v2 =	vld.idx.msk [tilespmem:v2+s18+$0x0], $0xffff;
	_ =	sdelay $0x1  }
0xc8: {  	v3 =	vld.idx.msk [tilespmem:v3+s19+$0x0], $0xffff  }
0xc9: {  	v0 =	vadd.f32 v0, v1;
	_ =	sdelay $0x1  }
0xca: {  	v0 =	vadd.f32 v2, v0;
	_ =	sdelay $0x1  }
0xcb: {  	v0 =	vadd.f32 v3, v0;
	_ =	sdelay $0x1  }
0xcc: {  	v0 =	vsub.f32 $0.0e+00, v0;
	_ =	sdelay $0x1  }
0xcd: {  	v0 =	vmul.f32 $1.442695020e+00, v0;
	_ =	sdelay $0x1  }
0xce: {  	(erf) = vpow2.f32 v0;
	_ =	sdelay $0x8  }
0xcf: {  	v0 =	vpop (erf)  }
0xd0: {  	v0 =	vadd.f32 $1.000000000e+00, v0;
	_ =	sdelay $0x1  }
0xd1: {  	(erf) = vrcp.f32 v0;
	_ =	sdelay $0x8  }
0xd2: {  	v0 =	vpop (erf)  }
0xd3: {  	v39 =	vld [tilespmem:$0x40]  }
0xd4: {  	v40 =	vld [tilespmem:$0x840]  }
0xd5: {  	v41 =	vld [tilespmem:$0x440]  }
0xd6: {  	v42 =	vld [tilespmem:$0xC40]  }
0xd7: {  	v43 =	vld [tilespmem:$0x240]  }
0xd8: {  	v44 =	vld [tilespmem:$0xA40]  }
0xd9: {  	v45 =	vld [tilespmem:$0x640]  }
0xda: {  	v9 =	vld [tilespmem:$0xE40];
	v46 =	vand.u32 $0xFFFFFF80, v40;
	v2 =	vand.u32 $0x7F, v40;
	v1 =	vshll.u32 v39, $0x7  }
0xdb: {  	v47 =	vand.u32 $0xFFFFFF80, v42;
	v3 =	vshll.u32 v41, $0x7;
	v1 =	vadd.s32 v1, v46  }
0xdc: {  	v48 =	vand.u32 $0x7F, v42;
	v3 =	vadd.s32 v3, v47;
	v1 =	vor.u32 v2, v1  }
0xdd: {  	v49 =	vand.u32 $0xFFFFFF80, v44;
	v50 =	vshll.u32 v43, $0x7;
	v2 =	vor.u32 v48, v3  }
0xde: {  	v51 =	vand.u32 $0x7F, v44;
	v3 =	vadd.s32 v50, v49  }
0xdf: {  	v52 =	vand.u32 $0xFFFFFF80, v9;
	v53 =	vshll.u32 v45, $0x7;
	v3 =	vor.u32 v51, v3  }
0xe0: {  	[tilespmem:$0x2530] =	vst v0;
	v54 =	vand.u32 $0x7F, v9;
	v4 =	vadd.s32 v53, v52  }
0xe1: {  	v0 =	vor.u32 v54, v4;
	v1 =	vld.idx.msk [tilespmem:v1+s16+$0x0], $0xffff  }
0xe2: {  	v2 =	vld.idx.msk [tilespmem:v2+s17+$0x0], $0xffff;
	_ =	sdelay $0x1  }
0xe3: {  	v3 =	vld.idx.msk [tilespmem:v3+s18+$0x0], $0xffff;
	_ =	sdelay $0x1  }
0xe4: {  	v0 =	vld.idx.msk [tilespmem:v0+s19+$0x0], $0xffff  }
0xe5: {  	v1 =	vadd.f32 v2, v1;
	_ =	sdelay $0x1  }
0xe6: {  	v1 =	vadd.f32 v3, v1;
	_ =	sdelay $0x1  }
0xe7: {  	v0 =	vadd.f32 v0, v1;
	_ =	sdelay $0x1  }
0xe8: {  	v0 =	vsub.f32 $0.0e+00, v0;
	_ =	sdelay $0x1  }
0xe9: {  	v0 =	vmul.f32 $1.442695020e+00, v0;
	_ =	sdelay $0x1  }
0xea: {  	(erf) = vpow2.f32 v0;
	_ =	sdelay $0x8  }
0xeb: {  	v55 =	vld [tilespmem:$0x50];
	v0 =	vpop (erf)  }
0xec: {  	v56 =	vld [tilespmem:$0x850];
	v0 =	vadd.f32 $1.000000000e+00, v0  }
0xed: {  	v58 =	vld [tilespmem:$0xC50]  }
0xee: {  	v57 =	vld [tilespmem:$0x450];
	(erf) = vrcp.f32 v0  }
0xef: {  	v59 =	vld [tilespmem:$0x250]  }
0xf0: {  	v60 =	vld [tilespmem:$0xA50]  }
0xf1: {  	v61 =	vld [tilespmem:$0x650]  }
0xf2: {  	v63 =	vld [tilespmem:$0xE50];
	v62 =	vand.u32 $0xFFFFFF80, v56;
	v10 =	vand.u32 $0xFFFFFF80, v58;
	v1 =	vshll.u32 v55, $0x7  }
0xf3: {  	v2 =	vand.u32 $0x7F, v56;
	v3 =	vshll.u32 v57, $0x7;
	v1 =	vadd.s32 v1, v62  }
0xf4: {  	v11 =	vadd.s32 v3, v10;
	v1 =	vor.u32 v2, v1;
	v0 =	vand.u32 $0x7F, v58  }
0xf5: {  	v12 =	vand.u32 $0xFFFFFF80, v60;
	v13 =	vshll.u32 v59, $0x7;
	v0 =	vor.u32 v0, v11  }
0xf6: {  	v14 =	vand.u32 $0x7F, v60;
	v2 =	vadd.s32 v13, v12  }
0xf7: {  	v16 =	vand.u32 $0xFFFFFF80, v63;
	v17 =	vshll.u32 v61, $0x7;
	v2 =	vor.u32 v14, v2;
	v15 =	vpop (erf)  }
0xf8: {  	v18 =	vand.u32 $0x7F, v63;
	v4 =	vadd.s32 v17, v16;
	[tilespmem:$0x2540] =	vst v15  }
0xf9: {  	v3 =	vor.u32 v18, v4;
	v1 =	vld.idx.msk [tilespmem:v1+s16+$0x0], $0xffff  }
0xfa: {  	v0 =	vld.idx.msk [tilespmem:v0+s17+$0x0], $0xffff;
	_ =	sdelay $0x1  }
0xfb: {  	v2 =	vld.idx.msk [tilespmem:v2+s18+$0x0], $0xffff;
	_ =	sdelay $0x1  }
0xfc: {  	v3 =	vld.idx.msk [tilespmem:v3+s19+$0x0], $0xffff  }
0xfd: {  	v0 =	vadd.f32 v0, v1;
	_ =	sdelay $0x1  }
0xfe: {  	v0 =	vadd.f32 v2, v0;
	_ =	sdelay $0x1  }
0xff: {  	v0 =	vadd.f32 v3, v0;
	_ =	sdelay $0x1  }
0x100: {  	v0 =	vsub.f32 $0.0e+00, v0;
	_ =	sdelay $0x1  }
0x101: {  	v0 =	vmul.f32 $1.442695020e+00, v0;
	_ =	sdelay $0x1  }
0x102: {  	(erf) = vpow2.f32 v0;
	_ =	sdelay $0x8  }
0x103: {  	v19 =	vld [tilespmem:$0x60];
	v0 =	vpop (erf)  }
0x104: {  	v20 =	vld [tilespmem:$0x860];
	v0 =	vadd.f32 $1.000000000e+00, v0  }
0x105: {  	v22 =	vld [tilespmem:$0xC60]  }
0x106: {  	v21 =	vld [tilespmem:$0x460];
	(erf) = vrcp.f32 v0  }
0x107: {  	v23 =	vld [tilespmem:$0x260]  }
0x108: {  	v24 =	vld [tilespmem:$0xA60]  }
0x109: {  	v25 =	vld [tilespmem:$0x660]  }
0x10a: {  	v27 =	vld [tilespmem:$0xE60];
	v26 =	vand.u32 $0xFFFFFF80, v20;
	v28 =	vand.u32 $0xFFFFFF80, v22;
	v1 =	vshll.u32 v19, $0x7  }
0x10b: {  	v1 =	vadd.s32 v1, v26;
	v2 =	vand.u32 $0x7F, v20;
	v3 =	vshll.u32 v21, $0x7  }
0x10c: {  	v1 =	vor.u32 v2, v1;
	v29 =	vadd.s32 v3, v28;
	v0 =	vand.u32 $0x7F, v22  }
0x10d: {  	v30 =	vand.u32 $0xFFFFFF80, v24;
	v31 =	vshll.u32 v23, $0x7;
	v0 =	vor.u32 v0, v29  }
0x10e: {  	v32 =	vand.u32 $0x7F, v24;
	v2 =	vadd.s32 v31, v30  }
0x10f: {  	v34 =	vand.u32 $0xFFFFFF80, v27;
	v35 =	vshll.u32 v25, $0x7;
	v2 =	vor.u32 v32, v2;
	v33 =	vpop (erf)  }
0x110: {  	v36 =	vand.u32 $0x7F, v27;
	v4 =	vadd.s32 v35, v34;
	[tilespmem:$0x2550] =	vst v33  }
0x111: {  	v3 =	vor.u32 v36, v4;
	v1 =	vld.idx.msk [tilespmem:v1+s16+$0x0], $0xffff  }
0x112: {  	v0 =	vld.idx.msk [tilespmem:v0+s17+$0x0], $0xffff;
	_ =	sdelay $0x1  }
0x113: {  	v2 =	vld.idx.msk [tilespmem:v2+s18+$0x0], $0xffff;
	_ =	sdelay $0x1  }
0x114: {  	v3 =	vld.idx.msk [tilespmem:v3+s19+$0x0], $0xffff  }
0x115: {  	v0 =	vadd.f32 v0, v1;
	_ =	sdelay $0x1  }
0x116: {  	v0 =	vadd.f32 v2, v0;
	_ =	sdelay $0x1  }
0x117: {  	v0 =	vadd.f32 v3, v0;
	_ =	sdelay $0x1  }
0x118: {  	v0 =	vsub.f32 $0.0e+00, v0;
	_ =	sdelay $0x1  }
0x119: {  	v0 =	vmul.f32 $1.442695020e+00, v0;
	_ =	sdelay $0x1  }
0x11a: {  	(erf) = vpow2.f32 v0;
	_ =	sdelay $0x8  }
0x11b: {  	v37 =	vld [tilespmem:$0x70];
	v0 =	vpop (erf)  }
0x11c: {  	v38 =	vld [tilespmem:$0x870];
	v0 =	vadd.f32 $1.000000000e+00, v0  }
0x11d: {  	v40 =	vld [tilespmem:$0xC70]  }
0x11e: {  	v39 =	vld [tilespmem:$0x470];
	(erf) = vrcp.f32 v0  }
0x11f: {  	v41 =	vld [tilespmem:$0x270]  }
0x120: {  	v42 =	vld [tilespmem:$0xA70]  }
0x121: {  	v43 =	vld [tilespmem:$0x670]  }
0x122: {  	v44 =	vand.u32 $0xFFFFFF80, v38;
	v45 =	vld [tilespmem:$0xE70];
	v46 =	vand.u32 $0xFFFFFF80, v40;
	v1 =	vshll.u32 v37, $0x7  }
0x123: {  	v1 =	vadd.s32 v1, v44;
	v2 =	vand.u32 $0x7F, v38;
	v3 =	vshll.u32 v39, $0x7  }
0x124: {  	v1 =	vor.u32 v2, v1;
	v47 =	vadd.s32 v3, v46;
	v0 =	vand.u32 $0x7F, v40  }
0x125: {  	v48 =	vand.u32 $0xFFFFFF80, v42;
	v49 =	vshll.u32 v41, $0x7;
	v0 =	vor.u32 v0, v47  }
0x126: {  	v50 =	vand.u32 $0x7F, v42;
	v2 =	vadd.s32 v49, v48  }
0x127: {  	v52 =	vand.u32 $0xFFFFFF80, v45;
	v53 =	vshll.u32 v43, $0x7;
	v2 =	vor.u32 v50, v2;
	v51 =	vpop (erf)  }
0x128: {  	v54 =	vand.u32 $0x7F, v45;
	v4 =	vadd.s32 v53, v52;
	[tilespmem:$0x2560] =	vst v51  }
0x129: {  	v3 =	vor.u32 v54, v4;
	v1 =	vld.idx.msk [tilespmem:v1+s16+$0x0], $0xffff  }
0x12a: {  	v0 =	vld.idx.msk [tilespmem:v0+s17+$0x0], $0xffff;
	_ =	sdelay $0x1  }
0x12b: {  	v2 =	vld.idx.msk [tilespmem:v2+s18+$0x0], $0xffff;
	_ =	sdelay $0x1  }
0x12c: {  	v3 =	vld.idx.msk [tilespmem:v3+s19+$0x0], $0xffff  }
0x12d: {  	v0 =	vadd.f32 v0, v1;
	_ =	sdelay $0x1  }
0x12e: {  	v0 =	vadd.f32 v2, v0;
	_ =	sdelay $0x1  }
0x12f: {  	v0 =	vadd.f32 v3, v0;
	_ =	sdelay $0x1  }
0x130: {  	v0 =	vsub.f32 $0.0e+00, v0;
	_ =	sdelay $0x1  }
0x131: {  	v0 =	vmul.f32 $1.442695020e+00, v0;
	_ =	sdelay $0x1  }
0x132: {  	(erf) = vpow2.f32 v0;
	_ =	sdelay $0x8  }
0x133: {  	v56 =	vld [tilespmem:$0x880];
	v0 =	vpop (erf)  }
0x134: {  	v55 =	vld [tilespmem:$0x80];
	v0 =	vadd.f32 $1.000000000e+00, v0  }
0x135: {  	v58 =	vld [tilespmem:$0xC80]  }
0x136: {  	v57 =	vld [tilespmem:$0x480];
	(erf) = vrcp.f32 v0  }
0x137: {  	v59 =	vld [tilespmem:$0x280]  }
0x138: {  	v60 =	vld [tilespmem:$0xA80]  }
0x139: {  	v61 =	vld [tilespmem:$0x680]  }
0x13a: {  	v63 =	vld [tilespmem:$0xE80];
	v62 =	vand.u32 $0xFFFFFF80, v56;
	v10 =	vand.u32 $0xFFFFFF80, v58;
	v1 =	vshll.u32 v55, $0x7  }
0x13b: {  	v1 =	vadd.s32 v1, v62;
	v2 =	vand.u32 $0x7F, v56;
	v3 =	vshll.u32 v57, $0x7  }
0x13c: {  	v1 =	vor.u32 v2, v1;
	v11 =	vadd.s32 v3, v10;
	v0 =	vand.u32 $0x7F, v58  }
0x13d: {  	v12 =	vand.u32 $0xFFFFFF80, v60;
	v13 =	vshll.u32 v59, $0x7;
	v0 =	vor.u32 v0, v11  }
0x13e: {  	v14 =	vand.u32 $0x7F, v60;
	v2 =	vadd.s32 v13, v12  }
0x13f: {  	v16 =	vand.u32 $0xFFFFFF80, v63;
	v17 =	vshll.u32 v61, $0x7;
	v2 =	vor.u32 v14, v2;
	v15 =	vpop (erf)  }
0x140: {  	v18 =	vand.u32 $0x7F, v63;
	v4 =	vadd.s32 v17, v16;
	[tilespmem:$0x2570] =	vst v15  }
0x141: {  	v3 =	vor.u32 v18, v4;
	v1 =	vld.idx.msk [tilespmem:v1+s16+$0x0], $0xffff  }
0x142: {  	v0 =	vld.idx.msk [tilespmem:v0+s17+$0x0], $0xffff;
	_ =	sdelay $0x1  }
0x143: {  	v2 =	vld.idx.msk [tilespmem:v2+s18+$0x0], $0xffff;
	_ =	sdelay $0x1  }
0x144: {  	v3 =	vld.idx.msk [tilespmem:v3+s19+$0x0], $0xffff  }
0x145: {  	v0 =	vadd.f32 v0, v1;
	_ =	sdelay $0x1  }
0x146: {  	v0 =	vadd.f32 v2, v0;
	_ =	sdelay $0x1  }
0x147: {  	v0 =	vadd.f32 v3, v0;
	_ =	sdelay $0x1  }
0x148: {  	v0 =	vsub.f32 $0.0e+00, v0;
	_ =	sdelay $0x1  }
0x149: {  	v0 =	vmul.f32 $1.442695020e+00, v0;
	_ =	sdelay $0x1  }
0x14a: {  	(erf) = vpow2.f32 v0;
	_ =	sdelay $0x8  }
0x14b: {  	v19 =	vld [tilespmem:$0x90];
	v0 =	vpop (erf)  }
0x14c: {  	v20 =	vld [tilespmem:$0x890];
	v0 =	vadd.f32 $1.000000000e+00, v0  }
0x14d: {  	v22 =	vld [tilespmem:$0xC90]  }
0x14e: {  	v21 =	vld [tilespmem:$0x490];
	(erf) = vrcp.f32 v0  }
0x14f: {  	v23 =	vld [tilespmem:$0x290]  }
0x150: {  	v24 =	vld [tilespmem:$0xA90]  }
0x151: {  	v25 =	vld [tilespmem:$0x690]  }
0x152: {  	v27 =	vld [tilespmem:$0xE90];
	v26 =	vand.u32 $0xFFFFFF80, v20;
	v28 =	vand.u32 $0xFFFFFF80, v22;
	v1 =	vshll.u32 v19, $0x7  }
0x153: {  	v1 =	vadd.s32 v1, v26;
	v2 =	vand.u32 $0x7F, v20;
	v3 =	vshll.u32 v21, $0x7  }
0x154: {  	v1 =	vor.u32 v2, v1;
	v29 =	vadd.s32 v3, v28;
	v0 =	vand.u32 $0x7F, v22  }
0x155: {  	v30 =	vand.u32 $0xFFFFFF80, v24;
	v31 =	vshll.u32 v23, $0x7;
	v0 =	vor.u32 v0, v29  }
0x156: {  	v32 =	vand.u32 $0x7F, v24;
	v2 =	vadd.s32 v31, v30  }
0x157: {  	v34 =	vand.u32 $0xFFFFFF80, v27;
	v35 =	vshll.u32 v25, $0x7;
	v2 =	vor.u32 v32, v2;
	v33 =	vpop (erf)  }
0x158: {  	v36 =	vand.u32 $0x7F, v27;
	v4 =	vadd.s32 v35, v34;
	[tilespmem:$0x2580] =	vst v33  }
0x159: {  	v3 =	vor.u32 v36, v4;
	v1 =	vld.idx.msk [tilespmem:v1+s16+$0x0], $0xffff  }
0x15a: {  	v0 =	vld.idx.msk [tilespmem:v0+s17+$0x0], $0xffff;
	_ =	sdelay $0x1  }
0x15b: {  	v2 =	vld.idx.msk [tilespmem:v2+s18+$0x0], $0xffff;
	_ =	sdelay $0x1  }
0x15c: {  	v3 =	vld.idx.msk [tilespmem:v3+s19+$0x0], $0xffff  }
0x15d: {  	v0 =	vadd.f32 v0, v1;
	_ =	sdelay $0x1  }
0x15e: {  	v0 =	vadd.f32 v2, v0;
	_ =	sdelay $0x1  }
0x15f: {  	v0 =	vadd.f32 v3, v0;
	_ =	sdelay $0x1  }
0x160: {  	v0 =	vsub.f32 $0.0e+00, v0;
	_ =	sdelay $0x1  }
0x161: {  	v0 =	vmul.f32 $1.442695020e+00, v0;
	_ =	sdelay $0x1  }
0x162: {  	(erf) = vpow2.f32 v0;
	_ =	sdelay $0x8  }
0x163: {  	v37 =	vld [tilespmem:$0xA0];
	v0 =	vpop (erf)  }
0x164: {  	v38 =	vld [tilespmem:$0x8A0];
	v0 =	vadd.f32 $1.000000000e+00, v0  }
0x165: {  	v40 =	vld [tilespmem:$0xCA0]  }
0x166: {  	v39 =	vld [tilespmem:$0x4A0];
	(erf) = vrcp.f32 v0  }
0x167: {  	v41 =	vld [tilespmem:$0x2A0]  }
0x168: {  	v42 =	vld [tilespmem:$0xAA0]  }
0x169: {  	v43 =	vld [tilespmem:$0x6A0]  }
0x16a: {  	v45 =	vld [tilespmem:$0xEA0];
	v44 =	vand.u32 $0xFFFFFF80, v38;
	v46 =	vand.u32 $0xFFFFFF80, v40;
	v1 =	vshll.u32 v37, $0x7  }
0x16b: {  	v1 =	vadd.s32 v1, v44;
	v2 =	vand.u32 $0x7F, v38;
	v3 =	vshll.u32 v39, $0x7  }
0x16c: {  	v1 =	vor.u32 v2, v1;
	v47 =	vadd.s32 v3, v46;
	v0 =	vand.u32 $0x7F, v40  }
0x16d: {  	v48 =	vand.u32 $0xFFFFFF80, v42;
	v49 =	vshll.u32 v41, $0x7;
	v0 =	vor.u32 v0, v47  }
0x16e: {  	v50 =	vand.u32 $0x7F, v42;
	v2 =	vadd.s32 v49, v48  }
0x16f: {  	v52 =	vand.u32 $0xFFFFFF80, v45;
	v53 =	vshll.u32 v43, $0x7;
	v2 =	vor.u32 v50, v2;
	v51 =	vpop (erf)  }
0x170: {  	v54 =	vand.u32 $0x7F, v45;
	v4 =	vadd.s32 v53, v52;
	[tilespmem:$0x2590] =	vst v51  }
0x171: {  	v3 =	vor.u32 v54, v4;
	v1 =	vld.idx.msk [tilespmem:v1+s16+$0x0], $0xffff  }
0x172: {  	v0 =	vld.idx.msk [tilespmem:v0+s17+$0x0], $0xffff;
	_ =	sdelay $0x1  }
0x173: {  	v2 =	vld.idx.msk [tilespmem:v2+s18+$0x0], $0xffff;
	_ =	sdelay $0x1  }
0x174: {  	v3 =	vld.idx.msk [tilespmem:v3+s19+$0x0], $0xffff  }
0x175: {  	v0 =	vadd.f32 v0, v1;
	_ =	sdelay $0x1  }
0x176: {  	v0 =	vadd.f32 v2, v0;
	_ =	sdelay $0x1  }
0x177: {  	v0 =	vadd.f32 v3, v0;
	_ =	sdelay $0x1  }
0x178: {  	v0 =	vsub.f32 $0.0e+00, v0;
	_ =	sdelay $0x1  }
0x179: {  	v0 =	vmul.f32 $1.442695020e+00, v0;
	_ =	sdelay $0x1  }
0x17a: {  	(erf) = vpow2.f32 v0;
	_ =	sdelay $0x8  }
0x17b: {  	v55 =	vld [tilespmem:$0xB0];
	v0 =	vpop (erf)  }
0x17c: {  	v56 =	vld [tilespmem:$0x8B0];
	v0 =	vadd.f32 $1.000000000e+00, v0  }
0x17d: {  	v58 =	vld [tilespmem:$0xCB0]  }
0x17e: {  	v57 =	vld [tilespmem:$0x4B0];
	(erf) = vrcp.f32 v0  }
0x17f: {  	v59 =	vld [tilespmem:$0x2B0]  }
0x180: {  	v60 =	vld [tilespmem:$0xAB0]  }
0x181: {  	v61 =	vld [tilespmem:$0x6B0]  }
0x182: {  	v63 =	vld [tilespmem:$0xEB0];
	v62 =	vand.u32 $0xFFFFFF80, v56;
	v10 =	vand.u32 $0xFFFFFF80, v58;
	v1 =	vshll.u32 v55, $0x7  }
0x183: {  	v1 =	vadd.s32 v1, v62;
	v2 =	vand.u32 $0x7F, v56;
	v3 =	vshll.u32 v57, $0x7  }
0x184: {  	v1 =	vor.u32 v2, v1;
	v11 =	vadd.s32 v3, v10;
	v0 =	vand.u32 $0x7F, v58  }
0x185: {  	v12 =	vand.u32 $0xFFFFFF80, v60;
	v13 =	vshll.u32 v59, $0x7;
	v0 =	vor.u32 v0, v11  }
0x186: {  	v14 =	vand.u32 $0x7F, v60;
	v2 =	vadd.s32 v13, v12  }
0x187: {  	v16 =	vand.u32 $0xFFFFFF80, v63;
	v17 =	vshll.u32 v61, $0x7;
	v2 =	vor.u32 v14, v2;
	v15 =	vpop (erf)  }
0x188: {  	v18 =	vand.u32 $0x7F, v63;
	v4 =	vadd.s32 v17, v16;
	[tilespmem:$0x25A0] =	vst v15  }
0x189: {  	v3 =	vor.u32 v18, v4;
	v1 =	vld.idx.msk [tilespmem:v1+s16+$0x0], $0xffff  }
0x18a: {  	v0 =	vld.idx.msk [tilespmem:v0+s17+$0x0], $0xffff;
	_ =	sdelay $0x1  }
0x18b: {  	v2 =	vld.idx.msk [tilespmem:v2+s18+$0x0], $0xffff;
	_ =	sdelay $0x1  }
0x18c: {  	v3 =	vld.idx.msk [tilespmem:v3+s19+$0x0], $0xffff  }
0x18d: {  	v0 =	vadd.f32 v0, v1;
	_ =	sdelay $0x1  }
0x18e: {  	v0 =	vadd.f32 v2, v0;
	_ =	sdelay $0x1  }
0x18f: {  	v0 =	vadd.f32 v3, v0;
	_ =	sdelay $0x1  }
0x190: {  	v0 =	vsub.f32 $0.0e+00, v0;
	_ =	sdelay $0x1  }
0x191: {  	v0 =	vmul.f32 $1.442695020e+00, v0;
	_ =	sdelay $0x1  }
0x192: {  	(erf) = vpow2.f32 v0;
	_ =	sdelay $0x8  }
0x193: {  	v19 =	vld [tilespmem:$0xC0];
	v0 =	vpop (erf)  }
0x194: {  	v20 =	vld [tilespmem:$0x8C0];
	v0 =	vadd.f32 $1.000000000e+00, v0  }
0x195: {  	v22 =	vld [tilespmem:$0xCC0]  }
0x196: {  	v21 =	vld [tilespmem:$0x4C0];
	(erf) = vrcp.f32 v0  }
0x197: {  	v23 =	vld [tilespmem:$0x2C0]  }
0x198: {  	v24 =	vld [tilespmem:$0xAC0]  }
0x199: {  	v25 =	vld [tilespmem:$0x6C0]  }
0x19a: {  	v27 =	vld [tilespmem:$0xEC0];
	v26 =	vand.u32 $0xFFFFFF80, v20;
	v28 =	vand.u32 $0xFFFFFF80, v22;
	v1 =	vshll.u32 v19, $0x7  }
0x19b: {  	v1 =	vadd.s32 v1, v26;
	v2 =	vand.u32 $0x7F, v20;
	v3 =	vshll.u32 v21, $0x7  }
0x19c: {  	v1 =	vor.u32 v2, v1;
	v29 =	vadd.s32 v3, v28;
	v0 =	vand.u32 $0x7F, v22  }
0x19d: {  	v30 =	vand.u32 $0xFFFFFF80, v24;
	v31 =	vshll.u32 v23, $0x7;
	v0 =	vor.u32 v0, v29  }
0x19e: {  	v32 =	vand.u32 $0x7F, v24;
	v2 =	vadd.s32 v31, v30  }
0x19f: {  	v34 =	vand.u32 $0xFFFFFF80, v27;
	v35 =	vshll.u32 v25, $0x7;
	v2 =	vor.u32 v32, v2;
	v33 =	vpop (erf)  }
0x1a0: {  	v36 =	vand.u32 $0x7F, v27;
	v4 =	vadd.s32 v35, v34;
	[tilespmem:$0x25B0] =	vst v33  }
0x1a1: {  	v3 =	vor.u32 v36, v4;
	v1 =	vld.idx.msk [tilespmem:v1+s16+$0x0], $0xffff  }
0x1a2: {  	v0 =	vld.idx.msk [tilespmem:v0+s17+$0x0], $0xffff;
	_ =	sdelay $0x1  }
0x1a3: {  	v2 =	vld.idx.msk [tilespmem:v2+s18+$0x0], $0xffff;
	_ =	sdelay $0x1  }
0x1a4: {  	v3 =	vld.idx.msk [tilespmem:v3+s19+$0x0], $0xffff  }
0x1a5: {  	v0 =	vadd.f32 v0, v1;
	_ =	sdelay $0x1  }
0x1a6: {  	v0 =	vadd.f32 v2, v0;
	_ =	sdelay $0x1  }
0x1a7: {  	v0 =	vadd.f32 v3, v0;
	_ =	sdelay $0x1  }
0x1a8: {  	v0 =	vsub.f32 $0.0e+00, v0;
	_ =	sdelay $0x1  }
0x1a9: {  	v0 =	vmul.f32 $1.442695020e+00, v0;
	_ =	sdelay $0x1  }
0x1aa: {  	(erf) = vpow2.f32 v0;
	_ =	sdelay $0x8  }
0x1ab: {  	v37 =	vld [tilespmem:$0xD0];
	v0 =	vpop (erf)  }
0x1ac: {  	v38 =	vld [tilespmem:$0x8D0];
	v0 =	vadd.f32 $1.000000000e+00, v0  }
0x1ad: {  	v40 =	vld [tilespmem:$0xCD0]  }
0x1ae: {  	v39 =	vld [tilespmem:$0x4D0];
	(erf) = vrcp.f32 v0  }
0x1af: {  	v41 =	vld [tilespmem:$0x2D0]  }
0x1b0: {  	v42 =	vld [tilespmem:$0xAD0]  }
0x1b1: {  	v43 =	vld [tilespmem:$0x6D0]  }
0x1b2: {  	v45 =	vld [tilespmem:$0xED0];
	v44 =	vand.u32 $0xFFFFFF80, v38;
	v46 =	vand.u32 $0xFFFFFF80, v40;
	v1 =	vshll.u32 v37, $0x7  }
0x1b3: {  	v1 =	vadd.s32 v1, v44;
	v2 =	vand.u32 $0x7F, v38;
	v3 =	vshll.u32 v39, $0x7  }
0x1b4: {  	v1 =	vor.u32 v2, v1;
	v47 =	vadd.s32 v3, v46;
	v0 =	vand.u32 $0x7F, v40  }
0x1b5: {  	v48 =	vand.u32 $0xFFFFFF80, v42;
	v49 =	vshll.u32 v41, $0x7;
	v0 =	vor.u32 v0, v47  }
0x1b6: {  	v50 =	vand.u32 $0x7F, v42;
	v2 =	vadd.s32 v49, v48  }
0x1b7: {  	v52 =	vand.u32 $0xFFFFFF80, v45;
	v53 =	vshll.u32 v43, $0x7;
	v2 =	vor.u32 v50, v2;
	v51 =	vpop (erf)  }
0x1b8: {  	v54 =	vand.u32 $0x7F, v45;
	v4 =	vadd.s32 v53, v52;
	[tilespmem:$0x25C0] =	vst v51  }
0x1b9: {  	v3 =	vor.u32 v54, v4;
	v1 =	vld.idx.msk [tilespmem:v1+s16+$0x0], $0xffff  }
0x1ba: {  	v0 =	vld.idx.msk [tilespmem:v0+s17+$0x0], $0xffff;
	_ =	sdelay $0x1  }
0x1bb: {  	v2 =	vld.idx.msk [tilespmem:v2+s18+$0x0], $0xffff;
	_ =	sdelay $0x1  }
0x1bc: {  	v3 =	vld.idx.msk [tilespmem:v3+s19+$0x0], $0xffff  }
0x1bd: {  	v0 =	vadd.f32 v0, v1;
	_ =	sdelay $0x1  }
0x1be: {  	v0 =	vadd.f32 v2, v0;
	_ =	sdelay $0x1  }
0x1bf: {  	v0 =	vadd.f32 v3, v0;
	_ =	sdelay $0x1  }
0x1c0: {  	v0 =	vsub.f32 $0.0e+00, v0;
	_ =	sdelay $0x1  }
0x1c1: {  	v0 =	vmul.f32 $1.442695020e+00, v0;
	_ =	sdelay $0x1  }
0x1c2: {  	(erf) = vpow2.f32 v0;
	_ =	sdelay $0x8  }
0x1c3: {  	v55 =	vld [tilespmem:$0xE0];
	v0 =	vpop (erf)  }
0x1c4: {  	v56 =	vld [tilespmem:$0x8E0];
	v0 =	vadd.f32 $1.000000000e+00, v0  }
0x1c5: {  	v58 =	vld [tilespmem:$0xCE0]  }
0x1c6: {  	v57 =	vld [tilespmem:$0x4E0];
	(erf) = vrcp.f32 v0  }
0x1c7: {  	v59 =	vld [tilespmem:$0x2E0]  }
0x1c8: {  	v60 =	vld [tilespmem:$0xAE0]  }
0x1c9: {  	v61 =	vld [tilespmem:$0x6E0]  }
0x1ca: {  	v63 =	vld [tilespmem:$0xEE0];
	v62 =	vand.u32 $0xFFFFFF80, v56;
	v11 =	vand.u32 $0xFFFFFF80, v58;
	v1 =	vshll.u32 v55, $0x7  }
0x1cb: {  	v1 =	vadd.s32 v1, v62;
	v2 =	vand.u32 $0x7F, v56;
	v3 =	vshll.u32 v57, $0x7  }
0x1cc: {  	v1 =	vor.u32 v2, v1;
	v12 =	vadd.s32 v3, v11;
	v0 =	vand.u32 $0x7F, v58  }
0x1cd: {  	v13 =	vand.u32 $0xFFFFFF80, v60;
	v14 =	vshll.u32 v59, $0x7;
	v0 =	vor.u32 v0, v12  }
0x1ce: {  	v15 =	vand.u32 $0x7F, v60;
	v2 =	vadd.s32 v14, v13  }
0x1cf: {  	v17 =	vand.u32 $0xFFFFFF80, v63;
	v18 =	vshll.u32 v61, $0x7;
	v2 =	vor.u32 v15, v2;
	v16 =	vpop (erf)  }
0x1d0: {  	v19 =	vand.u32 $0x7F, v63;
	v4 =	vadd.s32 v18, v17;
	[tilespmem:$0x25D0] =	vst v16  }
0x1d1: {  	v3 =	vor.u32 v19, v4;
	v1 =	vld.idx.msk [tilespmem:v1+s16+$0x0], $0xffff  }
0x1d2: {  	v0 =	vld.idx.msk [tilespmem:v0+s17+$0x0], $0xffff;
	_ =	sdelay $0x1  }
0x1d3: {  	v2 =	vld.idx.msk [tilespmem:v2+s18+$0x0], $0xffff;
	_ =	sdelay $0x1  }
0x1d4: {  	v3 =	vld.idx.msk [tilespmem:v3+s19+$0x0], $0xffff  }
0x1d5: {  	v0 =	vadd.f32 v0, v1;
	_ =	sdelay $0x1  }
0x1d6: {  	v0 =	vadd.f32 v2, v0;
	_ =	sdelay $0x1  }
0x1d7: {  	v0 =	vadd.f32 v3, v0;
	_ =	sdelay $0x1  }
0x1d8: {  	v0 =	vsub.f32 $0.0e+00, v0;
	_ =	sdelay $0x1  }
0x1d9: {  	v0 =	vmul.f32 $1.442695020e+00, v0;
	_ =	sdelay $0x1  }
0x1da: {  	(erf) = vpow2.f32 v0;
	_ =	sdelay $0x8  }
0x1db: {  	v23 =	vld [tilespmem:$0xCF0];
	v0 =	vpop (erf)  }
0x1dc: {  	v20 =	vld [tilespmem:$0xF0];
	v0 =	vadd.f32 $1.000000000e+00, v0  }
0x1dd: {  	v21 =	vld [tilespmem:$0x8F0]  }
0x1de: {  	v22 =	vld [tilespmem:$0x4F0];
	(erf) = vrcp.f32 v0  }
0x1df: {  	v25 =	vld [tilespmem:$0xAF0]  }
0x1e0: {  	v24 =	vld [tilespmem:$0x2F0]  }
0x1e1: {  	v26 =	vld [tilespmem:$0x6F0]  }
0x1e2: {  	v28 =	vld [tilespmem:$0xEF0];
	v27 =	vand.u32 $0xFFFFFF80, v21;
	v29 =	vand.u32 $0xFFFFFF80, v23;
	v1 =	vshll.u32 v20, $0x7  }
0x1e3: {  	v1 =	vadd.s32 v1, v27;
	v2 =	vand.u32 $0x7F, v21;
	v3 =	vshll.u32 v22, $0x7  }
0x1e4: {  	v1 =	vor.u32 v2, v1;
	v30 =	vadd.s32 v3, v29;
	v0 =	vand.u32 $0x7F, v23  }
0x1e5: {  	v31 =	vand.u32 $0xFFFFFF80, v25;
	v32 =	vshll.u32 v24, $0x7;
	v0 =	vor.u32 v0, v30  }
0x1e6: {  	v33 =	vand.u32 $0x7F, v25;
	v2 =	vadd.s32 v32, v31  }
0x1e7: {  	v36 =	vshll.u32 v26, $0x7;
	v35 =	vand.u32 $0xFFFFFF80, v28;
	v2 =	vor.u32 v33, v2;
	v34 =	vpop (erf)  }
0x1e8: {  	v37 =	vand.u32 $0x7F, v28;
	v4 =	vadd.s32 v36, v35;
	[tilespmem:$0x25E0] =	vst v34  }
0x1e9: {  	v3 =	vor.u32 v37, v4;
	v1 =	vld.idx.msk [tilespmem:v1+s16+$0x0], $0xffff  }
0x1ea: {  	v0 =	vld.idx.msk [tilespmem:v0+s17+$0x0], $0xffff;
	_ =	sdelay $0x1  }
0x1eb: {  	v2 =	vld.idx.msk [tilespmem:v2+s18+$0x0], $0xffff;
	_ =	sdelay $0x1  }
0x1ec: {  	v3 =	vld.idx.msk [tilespmem:v3+s19+$0x0], $0xffff  }
0x1ed: {  	v0 =	vadd.f32 v0, v1;
	_ =	sdelay $0x1  }
0x1ee: {  	v0 =	vadd.f32 v2, v0;
	_ =	sdelay $0x1  }
0x1ef: {  	v0 =	vadd.f32 v3, v0;
	_ =	sdelay $0x1  }
0x1f0: {  	v0 =	vsub.f32 $0.0e+00, v0;
	_ =	sdelay $0x1  }
0x1f1: {  	v0 =	vmul.f32 $1.442695020e+00, v0;
	_ =	sdelay $0x1  }
0x1f2: {  	(erf) = vpow2.f32 v0;
	_ =	sdelay $0x8  }
0x1f3: {  	v0 =	vpop (erf)  }
0x1f4: {  	v0 =	vadd.f32 $1.000000000e+00, v0;
	_ =	sdelay $0x1  }
0x1f5: {  	(erf) = vrcp.f32 v0;
	_ =	sdelay $0x8  }
0x1f6: {  	v0 =	vpop (erf)  }
0x1f7: {  	[tilespmem:$0x25F0] =	vst v0  }
0x1f8: {  	[hbm4b:s6+s1] =	stream.linear.scatter [tilespmem:s30], [sflag:$0x1], $0x100, $0x38;
	[tilespmem:$0x2700] =	vst v63  }
0x1f9: {  	_ =	swait.ge [sflag:s31], $0x100  }
0x1fa: {  	[sflag:s31] =	ssyncset.done $0x0  }
0x1fb: {  	[sflag:s31] =	ssyncadd.s32 $0xFFFFFF00  }
0x1fc: {  	_ =	swait.ge [sflag:s31], $0x100  }
0x1fd: {  	[sflag:s31] =	ssyncset.done $0x0  }
0x1fe: {  	[sflag:s31] =	ssyncadd.s32 $0xFFFFFF00  }
0x1ff: {  	_ =	swait.ge [sflag:s31], $0x100  }
0x200: {  	[sflag:s31] =	ssyncset.done $0x0  }
0x201: {  	[sflag:s31] =	ssyncadd.s32 $0xFFFFFF00  }
0x202: {  	_ =	swait.ge [sflag:s31], $0x100  }
0x203: {  	[sflag:s31] =	ssyncset.done $0x0  }
0x204: {  	[sflag:s31] =	ssyncadd.s32 $0xFFFFFF00  }
0x205: {  	_ =	swait.ge [sflag:s31], $0x100  }
0x206: {  	[sflag:s31] =	ssyncset.done $0x0  }
0x207: {  	[sflag:s31] =	ssyncadd.s32 $0xFFFFFF00  }
0x208: {  	_ =	swait.ge [sflag:s31], $0x100  }
0x209: {  	[sflag:s31] =	ssyncset.done $0x0  }
0x20a: {  	[sflag:s31] =	ssyncadd.s32 $0xFFFFFF00  }
0x20b: {  	_ =	swait.ge [sflag:s31], $0x100  }
0x20c: {  	[sflag:s31] =	ssyncset.done $0x0  }
0x20d: {  	[sflag:s31] =	ssyncadd.s32 $0xFFFFFF00  }
0x20e: {  	_ =	swait.ge [sflag:s31], $0x100  }
0x20f: {  	[sflag:s31] =	ssyncset.done $0x0  }
0x210: {  	[sflag:s31] =	ssyncadd.s32 $0xFFFFFF00  }
0x211: {  	v38 =	vld [tilespmem:$0x100]  }
0x212: {  	v39 =	vld [tilespmem:$0x900]  }
0x213: {  	v40 =	vld [tilespmem:$0x500]  }
0x214: {  	v41 =	vld [tilespmem:$0xD00]  }
0x215: {  	v42 =	vld [tilespmem:$0x300]  }
0x216: {  	v43 =	vld [tilespmem:$0xB00]  }
0x217: {  	v44 =	vld [tilespmem:$0x700]  }
0x218: {  	v46 =	vld [tilespmem:$0xF00];
	v45 =	vand.u32 $0xFFFFFF80, v39;
	v1 =	vand.u32 $0x7F, v39;
	v0 =	vshll.u32 v38, $0x7  }
0x219: {  	v47 =	vand.u32 $0xFFFFFF80, v41;
	v2 =	vshll.u32 v40, $0x7;
	v0 =	vadd.s32 v0, v45  }
0x21a: {  	v48 =	vand.u32 $0x7F, v41;
	v2 =	vadd.s32 v2, v47;
	v0 =	vor.u32 v1, v0  }
0x21b: {  	v49 =	vand.u32 $0xFFFFFF80, v43;
	v50 =	vshll.u32 v42, $0x7;
	v1 =	vor.u32 v48, v2  }
0x21c: {  	v51 =	vand.u32 $0x7F, v43;
	v2 =	vadd.s32 v50, v49  }
0x21d: {  	v52 =	vand.u32 $0xFFFFFF80, v46;
	v53 =	vshll.u32 v44, $0x7;
	v2 =	vor.u32 v51, v2  }
0x21e: {  	v54 =	vand.u32 $0x7F, v46;
	v3 =	vadd.s32 v53, v52  }
0x21f: {  	v3 =	vor.u32 v54, v3;
	v0 =	vld.idx.msk [tilespmem:v0+s16+$0x0], $0xffff  }
0x220: {  	v1 =	vld.idx.msk [tilespmem:v1+s17+$0x0], $0xffff;
	_ =	sdelay $0x1  }
0x221: {  	v2 =	vld.idx.msk [tilespmem:v2+s18+$0x0], $0xffff;
	_ =	sdelay $0x1  }
0x222: {  	v3 =	vld.idx.msk [tilespmem:v3+s19+$0x0], $0xffff  }
0x223: {  	v0 =	vadd.f32 v1, v0;
	_ =	sdelay $0x1  }
0x224: {  	v0 =	vadd.f32 v2, v0;
	_ =	sdelay $0x1  }
0x225: {  	v0 =	vadd.f32 v3, v0;
	_ =	sdelay $0x1  }
0x226: {  	v0 =	vsub.f32 $0.0e+00, v0;
	_ =	sdelay $0x1  }
0x227: {  	v0 =	vmul.f32 $1.442695020e+00, v0;
	_ =	sdelay $0x1  }
0x228: {  	(erf) = vpow2.f32 v0;
	_ =	sdelay $0x8  }
0x229: {  	v55 =	vld [tilespmem:$0x110];
	v0 =	vpop (erf)  }
0x22a: {  	v56 =	vld [tilespmem:$0x910];
	v0 =	vadd.f32 $1.000000000e+00, v0  }
0x22b: {  	v58 =	vld [tilespmem:$0xD10]  }
0x22c: {  	v57 =	vld [tilespmem:$0x510];
	(erf) = vrcp.f32 v0  }
0x22d: {  	v59 =	vld [tilespmem:$0x310]  }
0x22e: {  	v60 =	vld [tilespmem:$0xB10]  }
0x22f: {  	v61 =	vld [tilespmem:$0x710]  }
0x230: {  	v63 =	vld [tilespmem:$0xF10];
	v62 =	vand.u32 $0xFFFFFF80, v56;
	v10 =	vand.u32 $0xFFFFFF80, v58;
	v1 =	vshll.u32 v55, $0x7  }
0x231: {  	v1 =	vadd.s32 v1, v62;
	v2 =	vand.u32 $0x7F, v56;
	v3 =	vshll.u32 v57, $0x7  }
0x232: {  	v1 =	vor.u32 v2, v1;
	v11 =	vadd.s32 v3, v10;
	v0 =	vand.u32 $0x7F, v58  }
0x233: {  	v12 =	vand.u32 $0xFFFFFF80, v60;
	v13 =	vshll.u32 v59, $0x7;
	v0 =	vor.u32 v0, v11  }
0x234: {  	v14 =	vand.u32 $0x7F, v60;
	v2 =	vadd.s32 v13, v12  }
0x235: {  	v16 =	vand.u32 $0xFFFFFF80, v63;
	v17 =	vshll.u32 v61, $0x7;
	v2 =	vor.u32 v14, v2;
	v15 =	vpop (erf)  }
0x236: {  	v18 =	vand.u32 $0x7F, v63;
	v4 =	vadd.s32 v17, v16;
	[tilespmem:$0x2600] =	vst v15  }
0x237: {  	v3 =	vor.u32 v18, v4;
	v1 =	vld.idx.msk [tilespmem:v1+s16+$0x0], $0xffff  }
0x238: {  	v0 =	vld.idx.msk [tilespmem:v0+s17+$0x0], $0xffff;
	_ =	sdelay $0x1  }
0x239: {  	v2 =	vld.idx.msk [tilespmem:v2+s18+$0x0], $0xffff;
	_ =	sdelay $0x1  }
0x23a: {  	v3 =	vld.idx.msk [tilespmem:v3+s19+$0x0], $0xffff  }
0x23b: {  	v0 =	vadd.f32 v0, v1;
	_ =	sdelay $0x1  }
0x23c: {  	v0 =	vadd.f32 v2, v0;
	_ =	sdelay $0x1  }
0x23d: {  	v0 =	vadd.f32 v3, v0;
	_ =	sdelay $0x1  }
0x23e: {  	v0 =	vsub.f32 $0.0e+00, v0;
	_ =	sdelay $0x1  }
0x23f: {  	v0 =	vmul.f32 $1.442695020e+00, v0;
	_ =	sdelay $0x1  }
0x240: {  	(erf) = vpow2.f32 v0;
	_ =	sdelay $0x8  }
0x241: {  	v19 =	vld [tilespmem:$0x120];
	v0 =	vpop (erf)  }
0x242: {  	v20 =	vld [tilespmem:$0x920];
	v0 =	vadd.f32 $1.000000000e+00, v0  }
0x243: {  	v22 =	vld [tilespmem:$0xD20]  }
0x244: {  	v21 =	vld [tilespmem:$0x520];
	(erf) = vrcp.f32 v0  }
0x245: {  	v23 =	vld [tilespmem:$0x320]  }
0x246: {  	v24 =	vld [tilespmem:$0xB20]  }
0x247: {  	v25 =	vld [tilespmem:$0x720]  }
0x248: {  	v27 =	vld [tilespmem:$0xF20];
	v26 =	vand.u32 $0xFFFFFF80, v20;
	v28 =	vand.u32 $0xFFFFFF80, v22;
	v1 =	vshll.u32 v19, $0x7  }
0x249: {  	v1 =	vadd.s32 v1, v26;
	v2 =	vand.u32 $0x7F, v20;
	v3 =	vshll.u32 v21, $0x7  }
0x24a: {  	v1 =	vor.u32 v2, v1;
	v29 =	vadd.s32 v3, v28;
	v0 =	vand.u32 $0x7F, v22  }
0x24b: {  	v30 =	vand.u32 $0xFFFFFF80, v24;
	v31 =	vshll.u32 v23, $0x7;
	v0 =	vor.u32 v0, v29  }
0x24c: {  	v32 =	vand.u32 $0x7F, v24;
	v2 =	vadd.s32 v31, v30  }
0x24d: {  	v34 =	vand.u32 $0xFFFFFF80, v27;
	v35 =	vshll.u32 v25, $0x7;
	v2 =	vor.u32 v32, v2;
	v33 =	vpop (erf)  }
0x24e: {  	v36 =	vand.u32 $0x7F, v27;
	v4 =	vadd.s32 v35, v34;
	[tilespmem:$0x2610] =	vst v33  }
0x24f: {  	v3 =	vor.u32 v36, v4;
	v1 =	vld.idx.msk [tilespmem:v1+s16+$0x0], $0xffff  }
0x250: {  	v0 =	vld.idx.msk [tilespmem:v0+s17+$0x0], $0xffff;
	_ =	sdelay $0x1  }
0x251: {  	v2 =	vld.idx.msk [tilespmem:v2+s18+$0x0], $0xffff;
	_ =	sdelay $0x1  }
0x252: {  	v3 =	vld.idx.msk [tilespmem:v3+s19+$0x0], $0xffff  }
0x253: {  	v0 =	vadd.f32 v0, v1;
	_ =	sdelay $0x1  }
0x254: {  	v0 =	vadd.f32 v2, v0;
	_ =	sdelay $0x1  }
0x255: {  	v0 =	vadd.f32 v3, v0;
	_ =	sdelay $0x1  }
0x256: {  	v0 =	vsub.f32 $0.0e+00, v0;
	_ =	sdelay $0x1  }
0x257: {  	v0 =	vmul.f32 $1.442695020e+00, v0;
	_ =	sdelay $0x1  }
0x258: {  	(erf) = vpow2.f32 v0;
	_ =	sdelay $0x8  }
0x259: {  	v37 =	vld [tilespmem:$0x130];
	v0 =	vpop (erf)  }
0x25a: {  	v38 =	vld [tilespmem:$0x930];
	v0 =	vadd.f32 $1.000000000e+00, v0  }
0x25b: {  	v40 =	vld [tilespmem:$0xD30]  }
0x25c: {  	v39 =	vld [tilespmem:$0x530];
	(erf) = vrcp.f32 v0  }
0x25d: {  	v41 =	vld [tilespmem:$0x330]  }
0x25e: {  	v42 =	vld [tilespmem:$0xB30]  }
0x25f: {  	v43 =	vld [tilespmem:$0x730]  }
0x260: {  	v45 =	vld [tilespmem:$0xF30];
	v44 =	vand.u32 $0xFFFFFF80, v38;
	v46 =	vand.u32 $0xFFFFFF80, v40;
	v1 =	vshll.u32 v37, $0x7  }
0x261: {  	v1 =	vadd.s32 v1, v44;
	v2 =	vand.u32 $0x7F, v38;
	v3 =	vshll.u32 v39, $0x7  }
0x262: {  	v1 =	vor.u32 v2, v1;
	v47 =	vadd.s32 v3, v46;
	v0 =	vand.u32 $0x7F, v40  }
0x263: {  	v48 =	vand.u32 $0xFFFFFF80, v42;
	v49 =	vshll.u32 v41, $0x7;
	v0 =	vor.u32 v0, v47  }
0x264: {  	v50 =	vand.u32 $0x7F, v42;
	v2 =	vadd.s32 v49, v48  }
0x265: {  	v53 =	vshll.u32 v43, $0x7;
	v52 =	vand.u32 $0xFFFFFF80, v45;
	v2 =	vor.u32 v50, v2;
	v51 =	vpop (erf)  }
0x266: {  	v54 =	vand.u32 $0x7F, v45;
	v4 =	vadd.s32 v53, v52;
	[tilespmem:$0x2620] =	vst v51  }
0x267: {  	v3 =	vor.u32 v54, v4;
	v1 =	vld.idx.msk [tilespmem:v1+s16+$0x0], $0xffff  }
0x268: {  	v0 =	vld.idx.msk [tilespmem:v0+s17+$0x0], $0xffff;
	_ =	sdelay $0x1  }
0x269: {  	v2 =	vld.idx.msk [tilespmem:v2+s18+$0x0], $0xffff;
	_ =	sdelay $0x1  }
0x26a: {  	v3 =	vld.idx.msk [tilespmem:v3+s19+$0x0], $0xffff  }
0x26b: {  	v0 =	vadd.f32 v0, v1;
	_ =	sdelay $0x1  }
0x26c: {  	v0 =	vadd.f32 v2, v0;
	_ =	sdelay $0x1  }
0x26d: {  	v0 =	vadd.f32 v3, v0;
	_ =	sdelay $0x1  }
0x26e: {  	v0 =	vsub.f32 $0.0e+00, v0;
	_ =	sdelay $0x1  }
0x26f: {  	v0 =	vmul.f32 $1.442695020e+00, v0;
	_ =	sdelay $0x1  }
0x270: {  	(erf) = vpow2.f32 v0;
	_ =	sdelay $0x8  }
0x271: {  	v55 =	vld [tilespmem:$0x140];
	v0 =	vpop (erf)  }
0x272: {  	v56 =	vld [tilespmem:$0x940];
	v0 =	vadd.f32 $1.000000000e+00, v0  }
0x273: {  	v58 =	vld [tilespmem:$0xD40]  }
0x274: {  	v57 =	vld [tilespmem:$0x540];
	(erf) = vrcp.f32 v0  }
0x275: {  	v59 =	vld [tilespmem:$0x340]  }
0x276: {  	v60 =	vld [tilespmem:$0xB40]  }
0x277: {  	v61 =	vld [tilespmem:$0x740]  }
0x278: {  	v63 =	vld [tilespmem:$0xF40];
	v62 =	vand.u32 $0xFFFFFF80, v56;
	v12 =	vand.u32 $0xFFFFFF80, v58;
	v1 =	vshll.u32 v55, $0x7  }
0x279: {  	v1 =	vadd.s32 v1, v62;
	v2 =	vand.u32 $0x7F, v56;
	v3 =	vshll.u32 v57, $0x7  }
0x27a: {  	v1 =	vor.u32 v2, v1;
	v13 =	vadd.s32 v3, v12;
	v0 =	vand.u32 $0x7F, v58  }
0x27b: {  	v14 =	vand.u32 $0xFFFFFF80, v60;
	v15 =	vshll.u32 v59, $0x7;
	v0 =	vor.u32 v0, v13  }
0x27c: {  	v16 =	vand.u32 $0x7F, v60;
	v2 =	vadd.s32 v15, v14  }
0x27d: {  	v18 =	vand.u32 $0xFFFFFF80, v63;
	v19 =	vshll.u32 v61, $0x7;
	v2 =	vor.u32 v16, v2;
	v17 =	vpop (erf)  }
0x27e: {  	v20 =	vand.u32 $0x7F, v63;
	v4 =	vadd.s32 v19, v18;
	[tilespmem:$0x2630] =	vst v17  }
0x27f: {  	v3 =	vor.u32 v20, v4;
	v1 =	vld.idx.msk [tilespmem:v1+s16+$0x0], $0xffff  }
0x280: {  	v0 =	vld.idx.msk [tilespmem:v0+s17+$0x0], $0xffff;
	_ =	sdelay $0x1  }
0x281: {  	v2 =	vld.idx.msk [tilespmem:v2+s18+$0x0], $0xffff;
	_ =	sdelay $0x1  }
0x282: {  	v3 =	vld.idx.msk [tilespmem:v3+s19+$0x0], $0xffff  }
0x283: {  	v0 =	vadd.f32 v0, v1;
	_ =	sdelay $0x1  }
0x284: {  	v0 =	vadd.f32 v2, v0;
	_ =	sdelay $0x1  }
0x285: {  	v0 =	vadd.f32 v3, v0;
	_ =	sdelay $0x1  }
0x286: {  	v0 =	vsub.f32 $0.0e+00, v0;
	_ =	sdelay $0x1  }
0x287: {  	v0 =	vmul.f32 $1.442695020e+00, v0;
	_ =	sdelay $0x1  }
0x288: {  	(erf) = vpow2.f32 v0;
	_ =	sdelay $0x8  }
0x289: {  	v24 =	vld [tilespmem:$0xD50];
	v0 =	vpop (erf)  }
0x28a: {  	v21 =	vld [tilespmem:$0x150];
	v0 =	vadd.f32 $1.000000000e+00, v0  }
0x28b: {  	v22 =	vld [tilespmem:$0x950]  }
0x28c: {  	v23 =	vld [tilespmem:$0x550];
	(erf) = vrcp.f32 v0  }
0x28d: {  	v25 =	vld [tilespmem:$0x350]  }
0x28e: {  	v26 =	vld [tilespmem:$0xB50]  }
0x28f: {  	v27 =	vld [tilespmem:$0x750]  }
0x290: {  	v30 =	vand.u32 $0xFFFFFF80, v24;
	v29 =	vld [tilespmem:$0xF50];
	v28 =	vand.u32 $0xFFFFFF80, v22;
	v1 =	vshll.u32 v21, $0x7  }
0x291: {  	v1 =	vadd.s32 v1, v28;
	v2 =	vand.u32 $0x7F, v22;
	v3 =	vshll.u32 v23, $0x7  }
0x292: {  	v1 =	vor.u32 v2, v1;
	v31 =	vadd.s32 v3, v30;
	v0 =	vand.u32 $0x7F, v24  }
0x293: {  	v32 =	vand.u32 $0xFFFFFF80, v26;
	v33 =	vshll.u32 v25, $0x7;
	v0 =	vor.u32 v0, v31  }
0x294: {  	v34 =	vand.u32 $0x7F, v26;
	v2 =	vadd.s32 v33, v32  }
0x295: {  	v36 =	vand.u32 $0xFFFFFF80, v29;
	v37 =	vshll.u32 v27, $0x7;
	v2 =	vor.u32 v34, v2;
	v35 =	vpop (erf)  }
0x296: {  	v38 =	vand.u32 $0x7F, v29;
	v4 =	vadd.s32 v37, v36;
	[tilespmem:$0x2640] =	vst v35  }
0x297: {  	v3 =	vor.u32 v38, v4;
	v1 =	vld.idx.msk [tilespmem:v1+s16+$0x0], $0xffff  }
0x298: {  	v0 =	vld.idx.msk [tilespmem:v0+s17+$0x0], $0xffff;
	_ =	sdelay $0x1  }
0x299: {  	v2 =	vld.idx.msk [tilespmem:v2+s18+$0x0], $0xffff;
	_ =	sdelay $0x1  }
0x29a: {  	v3 =	vld.idx.msk [tilespmem:v3+s19+$0x0], $0xffff  }
0x29b: {  	v0 =	vadd.f32 v0, v1;
	_ =	sdelay $0x1  }
0x29c: {  	v0 =	vadd.f32 v2, v0;
	_ =	sdelay $0x1  }
0x29d: {  	v0 =	vadd.f32 v3, v0;
	_ =	sdelay $0x1  }
0x29e: {  	v0 =	vsub.f32 $0.0e+00, v0;
	_ =	sdelay $0x1  }
0x29f: {  	v0 =	vmul.f32 $1.442695020e+00, v0;
	_ =	sdelay $0x1  }
0x2a0: {  	(erf) = vpow2.f32 v0;
	_ =	sdelay $0x8  }
0x2a1: {  	v42 =	vld [tilespmem:$0xD60];
	v0 =	vpop (erf)  }
0x2a2: {  	v39 =	vld [tilespmem:$0x160];
	v0 =	vadd.f32 $1.000000000e+00, v0  }
0x2a3: {  	v40 =	vld [tilespmem:$0x960]  }
0x2a4: {  	v41 =	vld [tilespmem:$0x560];
	(erf) = vrcp.f32 v0  }
0x2a5: {  	v43 =	vld [tilespmem:$0x360]  }
0x2a6: {  	v44 =	vld [tilespmem:$0xB60]  }
0x2a7: {  	v45 =	vld [tilespmem:$0x760]  }
0x2a8: {  	v48 =	vand.u32 $0xFFFFFF80, v42;
	v47 =	vld [tilespmem:$0xF60];
	v46 =	vand.u32 $0xFFFFFF80, v40;
	v1 =	vshll.u32 v39, $0x7  }
0x2a9: {  	v1 =	vadd.s32 v1, v46;
	v2 =	vand.u32 $0x7F, v40;
	v3 =	vshll.u32 v41, $0x7  }
0x2aa: {  	v1 =	vor.u32 v2, v1;
	v49 =	vadd.s32 v3, v48;
	v0 =	vand.u32 $0x7F, v42  }
0x2ab: {  	v50 =	vand.u32 $0xFFFFFF80, v44;
	v51 =	vshll.u32 v43, $0x7;
	v0 =	vor.u32 v0, v49  }
0x2ac: {  	v52 =	vand.u32 $0x7F, v44;
	v2 =	vadd.s32 v51, v50  }
0x2ad: {  	v54 =	vand.u32 $0xFFFFFF80, v47;
	v55 =	vshll.u32 v45, $0x7;
	v2 =	vor.u32 v52, v2;
	v53 =	vpop (erf)  }
0x2ae: {  	v56 =	vand.u32 $0x7F, v47;
	v4 =	vadd.s32 v55, v54;
	[tilespmem:$0x2650] =	vst v53  }
0x2af: {  	v3 =	vor.u32 v56, v4;
	v1 =	vld.idx.msk [tilespmem:v1+s16+$0x0], $0xffff  }
0x2b0: {  	v0 =	vld.idx.msk [tilespmem:v0+s17+$0x0], $0xffff;
	_ =	sdelay $0x1  }
0x2b1: {  	v2 =	vld.idx.msk [tilespmem:v2+s18+$0x0], $0xffff;
	_ =	sdelay $0x1  }
0x2b2: {  	v3 =	vld.idx.msk [tilespmem:v3+s19+$0x0], $0xffff  }
0x2b3: {  	v0 =	vadd.f32 v0, v1;
	_ =	sdelay $0x1  }
0x2b4: {  	v0 =	vadd.f32 v2, v0;
	_ =	sdelay $0x1  }
0x2b5: {  	v0 =	vadd.f32 v3, v0;
	_ =	sdelay $0x1  }
0x2b6: {  	v0 =	vsub.f32 $0.0e+00, v0;
	_ =	sdelay $0x1  }
0x2b7: {  	v0 =	vmul.f32 $1.442695020e+00, v0;
	_ =	sdelay $0x1  }
0x2b8: {  	(erf) = vpow2.f32 v0;
	_ =	sdelay $0x8  }
0x2b9: {  	v60 =	vld [tilespmem:$0xD70];
	v0 =	vpop (erf)  }
0x2ba: {  	v57 =	vld [tilespmem:$0x170];
	v0 =	vadd.f32 $1.000000000e+00, v0  }
0x2bb: {  	v58 =	vld [tilespmem:$0x970]  }
0x2bc: {  	v59 =	vld [tilespmem:$0x570];
	(erf) = vrcp.f32 v0  }
0x2bd: {  	v61 =	vld [tilespmem:$0x370]  }
0x2be: {  	v62 =	vld [tilespmem:$0xB70]  }
0x2bf: {  	v63 =	vld [tilespmem:$0x770]  }
0x2c0: {  	v14 =	vand.u32 $0xFFFFFF80, v60;
	v13 =	vld [tilespmem:$0xF70];
	v12 =	vand.u32 $0xFFFFFF80, v58;
	v1 =	vshll.u32 v57, $0x7  }
0x2c1: {  	v1 =	vadd.s32 v1, v12;
	v2 =	vand.u32 $0x7F, v58;
	v3 =	vshll.u32 v59, $0x7  }
0x2c2: {  	v1 =	vor.u32 v2, v1;
	v15 =	vadd.s32 v3, v14;
	v0 =	vand.u32 $0x7F, v60  }
0x2c3: {  	v16 =	vand.u32 $0xFFFFFF80, v62;
	v17 =	vshll.u32 v61, $0x7;
	v0 =	vor.u32 v0, v15  }
0x2c4: {  	v18 =	vand.u32 $0x7F, v62;
	v2 =	vadd.s32 v17, v16  }
0x2c5: {  	v20 =	vand.u32 $0xFFFFFF80, v13;
	v21 =	vshll.u32 v63, $0x7;
	v2 =	vor.u32 v18, v2;
	v19 =	vpop (erf)  }
0x2c6: {  	v22 =	vand.u32 $0x7F, v13;
	v4 =	vadd.s32 v21, v20;
	[tilespmem:$0x2660] =	vst v19  }
0x2c7: {  	v3 =	vor.u32 v22, v4;
	v1 =	vld.idx.msk [tilespmem:v1+s16+$0x0], $0xffff  }
0x2c8: {  	v0 =	vld.idx.msk [tilespmem:v0+s17+$0x0], $0xffff;
	_ =	sdelay $0x1  }
0x2c9: {  	v2 =	vld.idx.msk [tilespmem:v2+s18+$0x0], $0xffff;
	_ =	sdelay $0x1  }
0x2ca: {  	v3 =	vld.idx.msk [tilespmem:v3+s19+$0x0], $0xffff  }
0x2cb: {  	v0 =	vadd.f32 v0, v1;
	_ =	sdelay $0x1  }
0x2cc: {  	v0 =	vadd.f32 v2, v0;
	_ =	sdelay $0x1  }
0x2cd: {  	v0 =	vadd.f32 v3, v0;
	_ =	sdelay $0x1  }
0x2ce: {  	v0 =	vsub.f32 $0.0e+00, v0;
	_ =	sdelay $0x1  }
0x2cf: {  	v0 =	vmul.f32 $1.442695020e+00, v0;
	_ =	sdelay $0x1  }
0x2d0: {  	(erf) = vpow2.f32 v0;
	_ =	sdelay $0x8  }
0x2d1: {  	v26 =	vld [tilespmem:$0xD80];
	v0 =	vpop (erf)  }
0x2d2: {  	v23 =	vld [tilespmem:$0x180];
	v0 =	vadd.f32 $1.000000000e+00, v0  }
0x2d3: {  	v24 =	vld [tilespmem:$0x980]  }
0x2d4: {  	v25 =	vld [tilespmem:$0x580];
	(erf) = vrcp.f32 v0  }
0x2d5: {  	v27 =	vld [tilespmem:$0x380]  }
0x2d6: {  	v28 =	vld [tilespmem:$0xB80]  }
0x2d7: {  	v29 =	vld [tilespmem:$0x780]  }
0x2d8: {  	v32 =	vand.u32 $0xFFFFFF80, v26;
	v31 =	vld [tilespmem:$0xF80];
	v30 =	vand.u32 $0xFFFFFF80, v24;
	v1 =	vshll.u32 v23, $0x7  }
0x2d9: {  	v1 =	vadd.s32 v1, v30;
	v2 =	vand.u32 $0x7F, v24;
	v3 =	vshll.u32 v25, $0x7  }
0x2da: {  	v1 =	vor.u32 v2, v1;
	v33 =	vadd.s32 v3, v32;
	v0 =	vand.u32 $0x7F, v26  }
0x2db: {  	v34 =	vand.u32 $0xFFFFFF80, v28;
	v35 =	vshll.u32 v27, $0x7;
	v0 =	vor.u32 v0, v33  }
0x2dc: {  	v36 =	vand.u32 $0x7F, v28;
	v2 =	vadd.s32 v35, v34  }
0x2dd: {  	v38 =	vand.u32 $0xFFFFFF80, v31;
	v39 =	vshll.u32 v29, $0x7;
	v2 =	vor.u32 v36, v2;
	v37 =	vpop (erf)  }
0x2de: {  	v40 =	vand.u32 $0x7F, v31;
	v4 =	vadd.s32 v39, v38;
	[tilespmem:$0x2670] =	vst v37  }
0x2df: {  	v3 =	vor.u32 v40, v4;
	v1 =	vld.idx.msk [tilespmem:v1+s16+$0x0], $0xffff  }
0x2e0: {  	v0 =	vld.idx.msk [tilespmem:v0+s17+$0x0], $0xffff;
	_ =	sdelay $0x1  }
0x2e1: {  	v2 =	vld.idx.msk [tilespmem:v2+s18+$0x0], $0xffff;
	_ =	sdelay $0x1  }
0x2e2: {  	v3 =	vld.idx.msk [tilespmem:v3+s19+$0x0], $0xffff  }
0x2e3: {  	v0 =	vadd.f32 v0, v1;
	_ =	sdelay $0x1  }
0x2e4: {  	v0 =	vadd.f32 v2, v0;
	_ =	sdelay $0x1  }
0x2e5: {  	v0 =	vadd.f32 v3, v0;
	_ =	sdelay $0x1  }
0x2e6: {  	v0 =	vsub.f32 $0.0e+00, v0;
	_ =	sdelay $0x1  }
0x2e7: {  	v0 =	vmul.f32 $1.442695020e+00, v0;
	_ =	sdelay $0x1  }
0x2e8: {  	(erf) = vpow2.f32 v0;
	_ =	sdelay $0x8  }
0x2e9: {  	v44 =	vld [tilespmem:$0xD90];
	v0 =	vpop (erf)  }
0x2ea: {  	v41 =	vld [tilespmem:$0x190];
	v0 =	vadd.f32 $1.000000000e+00, v0  }
0x2eb: {  	v42 =	vld [tilespmem:$0x990]  }
0x2ec: {  	v43 =	vld [tilespmem:$0x590];
	(erf) = vrcp.f32 v0  }
0x2ed: {  	v45 =	vld [tilespmem:$0x390]  }
0x2ee: {  	v46 =	vld [tilespmem:$0xB90]  }
0x2ef: {  	v47 =	vld [tilespmem:$0x790]  }
0x2f0: {  	v50 =	vand.u32 $0xFFFFFF80, v44;
	v49 =	vld [tilespmem:$0xF90];
	v48 =	vand.u32 $0xFFFFFF80, v42;
	v1 =	vshll.u32 v41, $0x7  }
0x2f1: {  	v1 =	vadd.s32 v1, v48;
	v2 =	vand.u32 $0x7F, v42;
	v3 =	vshll.u32 v43, $0x7  }
0x2f2: {  	v1 =	vor.u32 v2, v1;
	v51 =	vadd.s32 v3, v50;
	v0 =	vand.u32 $0x7F, v44  }
0x2f3: {  	v52 =	vand.u32 $0xFFFFFF80, v46;
	v53 =	vshll.u32 v45, $0x7;
	v0 =	vor.u32 v0, v51  }
0x2f4: {  	v54 =	vand.u32 $0x7F, v46;
	v2 =	vadd.s32 v53, v52  }
0x2f5: {  	v56 =	vand.u32 $0xFFFFFF80, v49;
	v57 =	vshll.u32 v47, $0x7;
	v2 =	vor.u32 v54, v2;
	v55 =	vpop (erf)  }
0x2f6: {  	v58 =	vand.u32 $0x7F, v49;
	v4 =	vadd.s32 v57, v56;
	[tilespmem:$0x2680] =	vst v55  }
0x2f7: {  	v3 =	vor.u32 v58, v4;
	v1 =	vld.idx.msk [tilespmem:v1+s16+$0x0], $0xffff  }
0x2f8: {  	v0 =	vld.idx.msk [tilespmem:v0+s17+$0x0], $0xffff;
	_ =	sdelay $0x1  }
0x2f9: {  	v2 =	vld.idx.msk [tilespmem:v2+s18+$0x0], $0xffff;
	_ =	sdelay $0x1  }
0x2fa: {  	v3 =	vld.idx.msk [tilespmem:v3+s19+$0x0], $0xffff  }
0x2fb: {  	v0 =	vadd.f32 v0, v1;
	_ =	sdelay $0x1  }
0x2fc: {  	v0 =	vadd.f32 v2, v0;
	_ =	sdelay $0x1  }
0x2fd: {  	v0 =	vadd.f32 v3, v0;
	_ =	sdelay $0x1  }
0x2fe: {  	v0 =	vsub.f32 $0.0e+00, v0;
	_ =	sdelay $0x1  }
0x2ff: {  	v0 =	vmul.f32 $1.442695020e+00, v0;
	_ =	sdelay $0x1  }
0x300: {  	(erf) = vpow2.f32 v0;
	_ =	sdelay $0x8  }
0x301: {  	v62 =	vld [tilespmem:$0xDA0];
	v0 =	vpop (erf)  }
0x302: {  	v59 =	vld [tilespmem:$0x1A0];
	v0 =	vadd.f32 $1.000000000e+00, v0  }
0x303: {  	v60 =	vld [tilespmem:$0x9A0]  }
0x304: {  	v61 =	vld [tilespmem:$0x5A0];
	(erf) = vrcp.f32 v0  }
0x305: {  	v63 =	vld [tilespmem:$0x3A0]  }
0x306: {  	v12 =	vld [tilespmem:$0xBA0]  }
0x307: {  	v13 =	vld [tilespmem:$0x7A0]  }
0x308: {  	v16 =	vand.u32 $0xFFFFFF80, v62;
	v15 =	vld [tilespmem:$0xFA0];
	v14 =	vand.u32 $0xFFFFFF80, v60;
	v1 =	vshll.u32 v59, $0x7  }
0x309: {  	v1 =	vadd.s32 v1, v14;
	v2 =	vand.u32 $0x7F, v60;
	v3 =	vshll.u32 v61, $0x7  }
0x30a: {  	v1 =	vor.u32 v2, v1;
	v17 =	vadd.s32 v3, v16;
	v0 =	vand.u32 $0x7F, v62  }
0x30b: {  	v18 =	vand.u32 $0xFFFFFF80, v12;
	v19 =	vshll.u32 v63, $0x7;
	v0 =	vor.u32 v0, v17  }
0x30c: {  	v20 =	vand.u32 $0x7F, v12;
	v2 =	vadd.s32 v19, v18  }
0x30d: {  	v22 =	vand.u32 $0xFFFFFF80, v15;
	v23 =	vshll.u32 v13, $0x7;
	v2 =	vor.u32 v20, v2;
	v21 =	vpop (erf)  }
0x30e: {  	v24 =	vand.u32 $0x7F, v15;
	v4 =	vadd.s32 v23, v22;
	[tilespmem:$0x2690] =	vst v21  }
0x30f: {  	v3 =	vor.u32 v24, v4;
	v1 =	vld.idx.msk [tilespmem:v1+s16+$0x0], $0xffff  }
0x310: {  	v0 =	vld.idx.msk [tilespmem:v0+s17+$0x0], $0xffff;
	_ =	sdelay $0x1  }
0x311: {  	v2 =	vld.idx.msk [tilespmem:v2+s18+$0x0], $0xffff;
	_ =	sdelay $0x1  }
0x312: {  	v3 =	vld.idx.msk [tilespmem:v3+s19+$0x0], $0xffff  }
0x313: {  	v0 =	vadd.f32 v0, v1;
	_ =	sdelay $0x1  }
0x314: {  	v0 =	vadd.f32 v2, v0;
	_ =	sdelay $0x1  }
0x315: {  	v0 =	vadd.f32 v3, v0;
	_ =	sdelay $0x1  }
0x316: {  	v0 =	vsub.f32 $0.0e+00, v0;
	_ =	sdelay $0x1  }
0x317: {  	v0 =	vmul.f32 $1.442695020e+00, v0;
	_ =	sdelay $0x1  }
0x318: {  	(erf) = vpow2.f32 v0;
	_ =	sdelay $0x8  }
0x319: {  	v28 =	vld [tilespmem:$0xDB0];
	v0 =	vpop (erf)  }
0x31a: {  	v25 =	vld [tilespmem:$0x1B0];
	v0 =	vadd.f32 $1.000000000e+00, v0  }
0x31b: {  	v26 =	vld [tilespmem:$0x9B0]  }
0x31c: {  	v27 =	vld [tilespmem:$0x5B0];
	(erf) = vrcp.f32 v0  }
0x31d: {  	v29 =	vld [tilespmem:$0x3B0]  }
0x31e: {  	v30 =	vld [tilespmem:$0xBB0]  }
0x31f: {  	v31 =	vld [tilespmem:$0x7B0]  }
0x320: {  	v34 =	vand.u32 $0xFFFFFF80, v28;
	v33 =	vld [tilespmem:$0xFB0];
	v32 =	vand.u32 $0xFFFFFF80, v26;
	v1 =	vshll.u32 v25, $0x7  }
0x321: {  	v1 =	vadd.s32 v1, v32;
	v2 =	vand.u32 $0x7F, v26;
	v3 =	vshll.u32 v27, $0x7  }
0x322: {  	v1 =	vor.u32 v2, v1;
	v35 =	vadd.s32 v3, v34;
	v0 =	vand.u32 $0x7F, v28  }
0x323: {  	v36 =	vand.u32 $0xFFFFFF80, v30;
	v37 =	vshll.u32 v29, $0x7;
	v0 =	vor.u32 v0, v35  }
0x324: {  	v38 =	vand.u32 $0x7F, v30;
	v2 =	vadd.s32 v37, v36  }
0x325: {  	v40 =	vand.u32 $0xFFFFFF80, v33;
	v41 =	vshll.u32 v31, $0x7;
	v2 =	vor.u32 v38, v2;
	v39 =	vpop (erf)  }
0x326: {  	v42 =	vand.u32 $0x7F, v33;
	v4 =	vadd.s32 v41, v40;
	[tilespmem:$0x26A0] =	vst v39  }
0x327: {  	v3 =	vor.u32 v42, v4;
	v1 =	vld.idx.msk [tilespmem:v1+s16+$0x0], $0xffff  }
0x328: {  	v0 =	vld.idx.msk [tilespmem:v0+s17+$0x0], $0xffff;
	_ =	sdelay $0x1  }
0x329: {  	v2 =	vld.idx.msk [tilespmem:v2+s18+$0x0], $0xffff;
	_ =	sdelay $0x1  }
0x32a: {  	v3 =	vld.idx.msk [tilespmem:v3+s19+$0x0], $0xffff  }
0x32b: {  	v0 =	vadd.f32 v0, v1;
	_ =	sdelay $0x1  }
0x32c: {  	v0 =	vadd.f32 v2, v0;
	_ =	sdelay $0x1  }
0x32d: {  	v0 =	vadd.f32 v3, v0;
	_ =	sdelay $0x1  }
0x32e: {  	v0 =	vsub.f32 $0.0e+00, v0;
	_ =	sdelay $0x1  }
0x32f: {  	v0 =	vmul.f32 $1.442695020e+00, v0;
	_ =	sdelay $0x1  }
0x330: {  	(erf) = vpow2.f32 v0;
	_ =	sdelay $0x8  }
0x331: {  	v46 =	vld [tilespmem:$0xDC0];
	v0 =	vpop (erf)  }
0x332: {  	v43 =	vld [tilespmem:$0x1C0];
	v0 =	vadd.f32 $1.000000000e+00, v0  }
0x333: {  	v44 =	vld [tilespmem:$0x9C0]  }
0x334: {  	v45 =	vld [tilespmem:$0x5C0];
	(erf) = vrcp.f32 v0  }
0x335: {  	v47 =	vld [tilespmem:$0x3C0]  }
0x336: {  	v48 =	vld [tilespmem:$0xBC0]  }
0x337: {  	v49 =	vld [tilespmem:$0x7C0]  }
0x338: {  	v52 =	vand.u32 $0xFFFFFF80, v46;
	v51 =	vld [tilespmem:$0xFC0];
	v50 =	vand.u32 $0xFFFFFF80, v44;
	v1 =	vshll.u32 v43, $0x7  }
0x339: {  	v1 =	vadd.s32 v1, v50;
	v2 =	vand.u32 $0x7F, v44;
	v3 =	vshll.u32 v45, $0x7  }
0x33a: {  	v1 =	vor.u32 v2, v1;
	v53 =	vadd.s32 v3, v52;
	v0 =	vand.u32 $0x7F, v46  }
0x33b: {  	v54 =	vand.u32 $0xFFFFFF80, v48;
	v55 =	vshll.u32 v47, $0x7;
	v0 =	vor.u32 v0, v53  }
0x33c: {  	v56 =	vand.u32 $0x7F, v48;
	v2 =	vadd.s32 v55, v54  }
0x33d: {  	v58 =	vand.u32 $0xFFFFFF80, v51;
	v59 =	vshll.u32 v49, $0x7;
	v2 =	vor.u32 v56, v2;
	v57 =	vpop (erf)  }
0x33e: {  	v60 =	vand.u32 $0x7F, v51;
	v4 =	vadd.s32 v59, v58;
	[tilespmem:$0x26B0] =	vst v57  }
0x33f: {  	v3 =	vor.u32 v60, v4;
	v1 =	vld.idx.msk [tilespmem:v1+s16+$0x0], $0xffff  }
0x340: {  	v0 =	vld.idx.msk [tilespmem:v0+s17+$0x0], $0xffff;
	_ =	sdelay $0x1  }
0x341: {  	v2 =	vld.idx.msk [tilespmem:v2+s18+$0x0], $0xffff;
	_ =	sdelay $0x1  }
0x342: {  	v3 =	vld.idx.msk [tilespmem:v3+s19+$0x0], $0xffff  }
0x343: {  	v0 =	vadd.f32 v0, v1;
	_ =	sdelay $0x1  }
0x344: {  	v0 =	vadd.f32 v2, v0;
	_ =	sdelay $0x1  }
0x345: {  	v0 =	vadd.f32 v3, v0;
	_ =	sdelay $0x1  }
0x346: {  	v0 =	vsub.f32 $0.0e+00, v0;
	_ =	sdelay $0x1  }
0x347: {  	v0 =	vmul.f32 $1.442695020e+00, v0;
	_ =	sdelay $0x1  }
0x348: {  	(erf) = vpow2.f32 v0;
	_ =	sdelay $0x8  }
0x349: {  	v12 =	vld [tilespmem:$0xDD0];
	v0 =	vpop (erf)  }
0x34a: {  	v61 =	vld [tilespmem:$0x1D0];
	v0 =	vadd.f32 $1.000000000e+00, v0  }
0x34b: {  	v62 =	vld [tilespmem:$0x9D0]  }
0x34c: {  	v63 =	vld [tilespmem:$0x5D0];
	(erf) = vrcp.f32 v0  }
0x34d: {  	v13 =	vld [tilespmem:$0x3D0]  }
0x34e: {  	v14 =	vld [tilespmem:$0xBD0]  }
0x34f: {  	v15 =	vld [tilespmem:$0x7D0]  }
0x350: {  	v18 =	vand.u32 $0xFFFFFF80, v12;
	v17 =	vld [tilespmem:$0xFD0];
	v16 =	vand.u32 $0xFFFFFF80, v62;
	v1 =	vshll.u32 v61, $0x7  }
0x351: {  	v1 =	vadd.s32 v1, v16;
	v2 =	vand.u32 $0x7F, v62;
	v3 =	vshll.u32 v63, $0x7  }
0x352: {  	v1 =	vor.u32 v2, v1;
	v19 =	vadd.s32 v3, v18;
	v0 =	vand.u32 $0x7F, v12  }
0x353: {  	v20 =	vand.u32 $0xFFFFFF80, v14;
	v21 =	vshll.u32 v13, $0x7;
	v0 =	vor.u32 v0, v19  }
0x354: {  	v22 =	vand.u32 $0x7F, v14;
	v2 =	vadd.s32 v21, v20  }
0x355: {  	v24 =	vand.u32 $0xFFFFFF80, v17;
	v25 =	vshll.u32 v15, $0x7;
	v2 =	vor.u32 v22, v2;
	v23 =	vpop (erf)  }
0x356: {  	v26 =	vand.u32 $0x7F, v17;
	v4 =	vadd.s32 v25, v24;
	[tilespmem:$0x26C0] =	vst v23  }
0x357: {  	v3 =	vor.u32 v26, v4;
	v1 =	vld.idx.msk [tilespmem:v1+s16+$0x0], $0xffff  }
0x358: {  	v0 =	vld.idx.msk [tilespmem:v0+s17+$0x0], $0xffff;
	_ =	sdelay $0x1  }
0x359: {  	v2 =	vld.idx.msk [tilespmem:v2+s18+$0x0], $0xffff;
	_ =	sdelay $0x1  }
0x35a: {  	v3 =	vld.idx.msk [tilespmem:v3+s19+$0x0], $0xffff  }
0x35b: {  	v0 =	vadd.f32 v0, v1;
	_ =	sdelay $0x1  }
0x35c: {  	v0 =	vadd.f32 v2, v0;
	_ =	sdelay $0x1  }
0x35d: {  	v0 =	vadd.f32 v3, v0;
	_ =	sdelay $0x1  }
0x35e: {  	v0 =	vsub.f32 $0.0e+00, v0;
	_ =	sdelay $0x1  }
0x35f: {  	v0 =	vmul.f32 $1.442695020e+00, v0;
	_ =	sdelay $0x1  }
0x360: {  	(erf) = vpow2.f32 v0;
	_ =	sdelay $0x8  }
0x361: {  	v30 =	vld [tilespmem:$0xDE0];
	v0 =	vpop (erf)  }
0x362: {  	v27 =	vld [tilespmem:$0x1E0];
	v0 =	vadd.f32 $1.000000000e+00, v0  }
0x363: {  	v28 =	vld [tilespmem:$0x9E0]  }
0x364: {  	v29 =	vld [tilespmem:$0x5E0];
	(erf) = vrcp.f32 v0  }
0x365: {  	v31 =	vld [tilespmem:$0x3E0]  }
0x366: {  	v32 =	vld [tilespmem:$0xBE0]  }
0x367: {  	v33 =	vld [tilespmem:$0x7E0]  }
0x368: {  	v36 =	vand.u32 $0xFFFFFF80, v30;
	v35 =	vld [tilespmem:$0xFE0];
	v34 =	vand.u32 $0xFFFFFF80, v28;
	v1 =	vshll.u32 v27, $0x7  }
0x369: {  	v1 =	vadd.s32 v1, v34;
	v2 =	vand.u32 $0x7F, v28;
	v3 =	vshll.u32 v29, $0x7  }
0x36a: {  	v1 =	vor.u32 v2, v1;
	v37 =	vadd.s32 v3, v36;
	v0 =	vand.u32 $0x7F, v30  }
0x36b: {  	v38 =	vand.u32 $0xFFFFFF80, v32;
	v39 =	vshll.u32 v31, $0x7;
	v0 =	vor.u32 v0, v37  }
0x36c: {  	v40 =	vand.u32 $0x7F, v32;
	v2 =	vadd.s32 v39, v38  }
0x36d: {  	v42 =	vand.u32 $0xFFFFFF80, v35;
	v43 =	vshll.u32 v33, $0x7;
	v2 =	vor.u32 v40, v2;
	v41 =	vpop (erf)  }
0x36e: {  	v44 =	vand.u32 $0x7F, v35;
	v4 =	vadd.s32 v43, v42;
	[tilespmem:$0x26D0] =	vst v41  }
0x36f: {  	v3 =	vor.u32 v44, v4;
	v1 =	vld.idx.msk [tilespmem:v1+s16+$0x0], $0xffff  }
0x370: {  	v0 =	vld.idx.msk [tilespmem:v0+s17+$0x0], $0xffff;
	_ =	sdelay $0x1  }
0x371: {  	v2 =	vld.idx.msk [tilespmem:v2+s18+$0x0], $0xffff;
	_ =	sdelay $0x1  }
0x372: {  	v3 =	vld.idx.msk [tilespmem:v3+s19+$0x0], $0xffff  }
0x373: {  	v0 =	vadd.f32 v0, v1;
	_ =	sdelay $0x1  }
0x374: {  	v0 =	vadd.f32 v2, v0;
	_ =	sdelay $0x1  }
0x375: {  	v0 =	vadd.f32 v3, v0;
	_ =	sdelay $0x1  }
0x376: {  	v0 =	vsub.f32 $0.0e+00, v0;
	_ =	sdelay $0x1  }
0x377: {  	v0 =	vmul.f32 $1.442695020e+00, v0;
	_ =	sdelay $0x1  }
0x378: {  	(erf) = vpow2.f32 v0;
	_ =	sdelay $0x8  }
0x379: {  	v48 =	vld [tilespmem:$0xDF0];
	v0 =	vpop (erf)  }
0x37a: {  	v45 =	vld [tilespmem:$0x1F0];
	v0 =	vadd.f32 $1.000000000e+00, v0  }
0x37b: {  	v46 =	vld [tilespmem:$0x9F0]  }
0x37c: {  	v47 =	vld [tilespmem:$0x5F0];
	(erf) = vrcp.f32 v0  }
0x37d: {  	v49 =	vld [tilespmem:$0x3F0]  }
0x37e: {  	v50 =	vld [tilespmem:$0xBF0]  }
0x37f: {  	v51 =	vld [tilespmem:$0x7F0]  }
0x380: {  	v54 =	vand.u32 $0xFFFFFF80, v48;
	v53 =	vld [tilespmem:$0xFF0];
	v52 =	vand.u32 $0xFFFFFF80, v46;
	v1 =	vshll.u32 v45, $0x7  }
0x381: {  	v1 =	vadd.s32 v1, v52;
	v2 =	vand.u32 $0x7F, v46;
	v3 =	vshll.u32 v47, $0x7  }
0x382: {  	v1 =	vor.u32 v2, v1;
	v55 =	vadd.s32 v3, v54;
	v0 =	vand.u32 $0x7F, v48  }
0x383: {  	v56 =	vand.u32 $0xFFFFFF80, v50;
	v57 =	vshll.u32 v49, $0x7;
	v0 =	vor.u32 v0, v55  }
0x384: {  	v58 =	vand.u32 $0x7F, v50;
	v2 =	vadd.s32 v57, v56  }
0x385: {  	v60 =	vand.u32 $0xFFFFFF80, v53;
	v61 =	vshll.u32 v51, $0x7;
	v2 =	vor.u32 v58, v2;
	v59 =	vpop (erf)  }
0x386: {  	v62 =	vadd.s32 v61, v60;
	v63 =	vand.u32 $0x7F, v53;
	[tilespmem:$0x26E0] =	vst v59  }
0x387: {  	v3 =	vor.u32 v63, v62;
	v1 =	vld.idx.msk [tilespmem:v1+s16+$0x0], $0xffff  }
0x388: {  	v0 =	vld.idx.msk [tilespmem:v0+s17+$0x0], $0xffff;
	_ =	sdelay $0x1  }
0x389: {  	v2 =	vld.idx.msk [tilespmem:v2+s18+$0x0], $0xffff;
	_ =	sdelay $0x1  }
0x38a: {  	v3 =	vld.idx.msk [tilespmem:v3+s19+$0x0], $0xffff  }
0x38b: {  	v0 =	vadd.f32 v0, v1;
	_ =	sdelay $0x1  }
0x38c: {  	v0 =	vadd.f32 v2, v0;
	_ =	sdelay $0x1  }
0x38d: {  	v0 =	vadd.f32 v3, v0;
	_ =	sdelay $0x1  }
0x38e: {  	v0 =	vsub.f32 $0.0e+00, v0;
	_ =	sdelay $0x1  }
0x38f: {  	v0 =	vmul.f32 $1.442695020e+00, v0;
	_ =	sdelay $0x1  }
0x390: {  	(erf) = vpow2.f32 v0;
	_ =	sdelay $0x8  }
0x391: {  	v0 =	vpop (erf)  }
0x392: {  	v0 =	vadd.f32 $1.000000000e+00, v0;
	_ =	sdelay $0x1  }
0x393: {  	(erf) = vrcp.f32 v0;
	_ =	sdelay $0x8  }
0x394: {  	v0 =	vpop (erf)  }
0x395: {  	[tilespmem:$0x26F0] =	vst v0  }
0x396: {  	[hbm4b:s7+s1] =	stream.linear.scatter [tilespmem:s0], [sflag:$0x2], $0x100, $0x38;
	[tilespmem:$0x2700] =	vst v63  }
0x397: {  	p0 =	sne.s32 s8, $0x1;
	_ =	swait.ge [sflag:s29], $0x100  }
.Ltmp0:
0x398: {  	[sflag:s29] =	ssyncset.done $0x0;
	(pc) =	sbr.rel @p0 .LBB2_1-.Ltmp0, $4  }
0x399: {  	[sflag:s29] =	ssyncadd.s32 $0xFFFFFF00  }
0x39a: {  	_ =	swait.ge [sflag:s31], $0x100  }
0x39b: {  	[sflag:s31] =	ssyncset.done $0x0  }
0x39c: {  	s8 =	sadd.s32 $0xFFFFFFFF, s8;
	[sflag:s31] =	ssyncadd.s32 $0xFFFFFF00  }
0x39d: {  	_ =	sfence.sel $0x180000  }
0x39e: {  	[bflag:$0x0] =	sbarrier.arrive $0xFFFF  }
0x39f: {  	_ =	strace $0x90000047  }
0x3a0: {  	s0 =	stileid.u32;
	[bflag:$0x2] =	sbarrier.arrive $0xFFFF  }
0x3a1: {  	p0 =	sne.s32 s0, $0x0;
	s0 =	rddreg [dreg:$0xa]  }
0x3a2: {  	s0 =	sadd.s32 @!p0 $0x100000, s0  }
0x3a3: {  	[sflag:s0] =	ssyncadd.tile.s32 @!p0 $0x1;
	_ =	shalt  }
.Lfunc_end2:
_tile_overlayer_lowered:
.L_overlay_start_2:
0x3a4: {  	(tag) =	ssettag $0x2  }
0x3a5: {  	s0 =	rddreg [dreg:$0x0];
	s2 =	stileid.u32  }
0x3a6: {  	s1 =	rddreg [dreg:$0x1];
	p0 =	sne.s32 s2, $0x0  }
0x3a7: {  	s3 =	rddreg [dreg:$0x2];
	[bflag:$0x3] =	sbarrier.arrive $0xFFFF;
	s2 =	simm.s32 @!p0 $0x1C03  }
0x3a8: {  	[timem:s3], [sflag:s2] =	dma.local @!p0 [hbm:s0], s1  }
0x3a9: {  	s0 =	simm.s32 @!p0 $0x3  }
0x3aa: {  	_ =	swait.ge @!p0 [sflag:s0], s1  }
0x3ab: {  	s1 =	ssub.s32 @!p0 $0x0, s1;
	[sflag:s0] =	ssyncset.done @!p0 $0x0  }
0x3ac: {  	[sflag:s0] =	ssyncadd.s32 @!p0 s1  }
0x3ad: {  	[bflag:$0x3] =	sbarrier.arrive $0xFFFF  }
0x3ae: {  	_ =	shalt  }

</sc_bundles>
